<compile_context>
chip_gen: v7x
topology: tpu7x:2x2x1
jax: 0.10.2.dev20260603
libtpu: 0.0.44.dev20260713+nightly
codegen_flags: <defaults>
</compile_context>

<pallas_src>
import jax
import jax.numpy as jnp
from jax import lax
from jax.experimental import pallas as pl
from jax.experimental.pallas import tpu as pltpu
from jax.experimental.pallas import tpu_sc as plsc

_N = 50000
_NPAD = 51200
_E = 1600000
_B = 512
_F = 8
_W = 16
_EW = 125
_NROWS = _E // _EW
_RPW = _NROWS // 32
_ICH = 40
_NCH = _RPW // _ICH
_TS = _NPAD // 16
_NB = 1024
_UNR = 2
_NBLK = _NPAD // (_NB * _UNR)



def _sc_agg_body(xpad_hbm, src_hbm, dst_hbm, zrows_hbm, out_hbm,
                 sidx, didx, r0, r1, r2, r3, shared,
                 g0, g1, g2, g3, s0, s1, s2, s3):
    rows = [r0, r1, r2, r3]
    gsem = [g0, g1, g2, g3]
    ssem = [s0, s1, s2, s3]
    c = lax.axis_index("c")
    s = lax.axis_index("s")
    wid = c * 16 + s
    pltpu.sync_copy(zrows_hbm, shared.at[pl.ds(s * _TS, _TS)])
    plsc.subcore_barrier()
    row0 = wid * _RPW

    nbuf = len(rows)

    def outer(i, carry):
        base = row0 + i * _ICH
        pltpu.sync_copy(src_hbm.at[pl.ds(base, _ICH)], sidx)
        pltpu.sync_copy(dst_hbm.at[pl.ds(base, _ICH)], didx)

        for b in range(nbuf):
            pltpu.async_copy(xpad_hbm.at[sidx.at[b]], rows[b], gsem[b])

        def inner(k, carry2):
            j0 = nbuf * k
            for b in range(nbuf):
                pltpu.make_async_copy(xpad_hbm.at[sidx.at[j0 + b]], rows[b],
                                      gsem[b]).wait()
                pltpu.async_copy(rows[b], shared.at[didx.at[j0 + b]],
                                 ssem[b], add=True)
            for b in range(nbuf):
                jn = j0 + nbuf + b

                @pl.when(jn < _ICH)
                def _nxt():
                    pltpu.make_async_copy(rows[b], shared.at[didx.at[j0 + b]],
                                          ssem[b]).wait()
                    pltpu.async_copy(xpad_hbm.at[sidx.at[jn]], rows[b],
                                     gsem[b])

            return carry2

        lax.fori_loop(0, _ICH // nbuf, inner, 0)
        for b in range(nbuf):
            pltpu.make_async_copy(rows[b], shared.at[didx.at[b]],
                                  ssem[b]).wait()
        return carry

    lax.fori_loop(0, _NCH, outer, 0)
    plsc.subcore_barrier()
    pltpu.sync_copy(shared.at[pl.ds(s * _TS, _TS)],
                    out_hbm.at[c, pl.ds(s * _TS, _TS)])


def _build_sc_agg(interpret=False):
    return pl.kernel(
        _sc_agg_body,
        out_type=jax.ShapeDtypeStruct((2, _NPAD, _W), jnp.float32),
        mesh=plsc.VectorSubcoreMesh(core_axis_name="c", subcore_axis_name="s"),
        scratch_types=[
            pltpu.VMEM((_ICH, _EW), jnp.int32),
            pltpu.VMEM((_ICH, _EW), jnp.int32),
            pltpu.VMEM((_EW, _W), jnp.float32),
            pltpu.VMEM((_EW, _W), jnp.float32),
            pltpu.VMEM((_EW, _W), jnp.float32),
            pltpu.VMEM((_EW, _W), jnp.float32),
            pltpu.VMEM_SHARED((_NPAD, _W), jnp.float32),
            pltpu.SemaphoreType.DMA,
            pltpu.SemaphoreType.DMA,
            pltpu.SemaphoreType.DMA,
            pltpu.SemaphoreType.DMA,
            pltpu.SemaphoreType.DMA,
            pltpu.SemaphoreType.DMA,
            pltpu.SemaphoreType.DMA,
            pltpu.SemaphoreType.DMA,
        ],
        compiler_params=pltpu.CompilerParams(use_tc_tiling_on_sc=False),
        interpret=interpret,
    )



def _onehot_t(batch_ref, i):
    brow = batch_ref[:, pl.ds(i * _NB, _NB)]
    io = lax.broadcasted_iota(jnp.int32, (_B, _NB), 0)
    return jnp.where(io == brow, 1.0, 0.0)


def _seg_dot(data, oht):
    return lax.dot_general(data, oht, (((1,), (1,)), ((), ())),
                           preferred_element_type=jnp.float32)


def _to_nodes(pergraph, oht):
    return lax.dot_general(pergraph, oht, (((1,), (0,)), ((), ())),
                           preferred_element_type=jnp.float32)


def _lstm_cell(wih, whh, bih, bhh, qs, h, cst):
    gates = (jnp.dot(wih, qs, preferred_element_type=jnp.float32) + bih
             + jnp.dot(whh, h, preferred_element_type=jnp.float32) + bhh)
    ig = jax.nn.sigmoid(gates[0:8, :])
    fg = jax.nn.sigmoid(gates[8:16, :])
    gg = jnp.tanh(gates[16:24, :])
    og = jax.nn.sigmoid(gates[24:32, :])
    cst = fg * cst + ig * gg
    return og * jnp.tanh(cst), cst


def _layer_common(part, xprev, batch_ref, wlt_r, bl_r, wrt_r, wih_r, whh_r,
                  bih_r, bhh_r, xs_ref, gn=None):
    wlt = wlt_r[...]
    bl = bl_r[...]
    wrt = wrt_r[...]
    wih = wih_r[...]
    whh = whh_r[...]
    bih = bih_r[...]
    bhh = bhh_r[...]
    do_gn = gn is not None
    if do_gn:
        gnw, gnb, gnms, xnext_ref = gn
    ones_row = jnp.ones((1, _NB), jnp.float32)
    zc = jnp.zeros((1, _B), jnp.float32)
    zf = jnp.zeros((_F, _B), jnp.float32)

    h0, c0 = _lstm_cell(wih, whh, bih, bhh,
                        jnp.zeros((2 * _F, 1), jnp.float32),
                        jnp.zeros((_F, 1), jnp.float32),
                        jnp.zeros((_F, 1), jnp.float32))

    def p1(i, carry):
        cnt, msum, asum, rnum = carry
        for u in range(_UNR):
            j = i * _UNR + u
            sl = pl.ds(j * _NB, _NB)
            agg = part[0, :, sl] + part[1, :, sl]
            deg = agg[_F:_F + 1, :]
            mean = agg[0:_F, :] / jnp.maximum(deg, 1.0)
            xp = xprev[0:_F, sl]
            hh = (jnp.dot(wlt, mean, preferred_element_type=jnp.float32)
                  + jnp.dot(wrt, xp, preferred_element_type=jnp.float32)
                  + bl)
            xsb = jnp.tanh(hh)
            xs_ref[:, sl] = xsb
            oht = _onehot_t(batch_ref, j)
            a = jnp.exp(jnp.sum(xsb * h0, axis=0, keepdims=True))
            asum = asum + _seg_dot(a, oht)
            rnum = rnum + _seg_dot(a * xsb, oht)
            if do_gn:
                cnt = cnt + _seg_dot(ones_row, oht)
                msum = msum + _seg_dot(xsb, oht)
        return cnt, msum, asum, rnum

    cnt, msum, asum, rnum = lax.fori_loop(0, _NBLK, p1, (zc, zf, zc, zf))
    cntc = jnp.maximum(cnt, 1.0)
    mean = msum / cntc
    h0b = h0 + jnp.zeros((_F, _B), jnp.float32)
    qs = jnp.concatenate([h0b, rnum / (asum + 1e-16)], axis=0)

    h1, c1 = _lstm_cell(wih, whh, bih, bhh, qs, h0b, c0)

    def p2(i, carry):
        asum, rnum, vsum = carry
        for u in range(_UNR):
            j = i * _UNR + u
            sl = pl.ds(j * _NB, _NB)
            xsb = xs_ref[:, sl]
            oht = _onehot_t(batch_ref, j)
            qb = _to_nodes(h1, oht)
            a = jnp.exp(jnp.sum(xsb * qb, axis=0, keepdims=True))
            asum = asum + _seg_dot(a, oht)
            rnum = rnum + _seg_dot(a * xsb, oht)
            if do_gn:
                ob = xsb - _to_nodes(mean, oht) * gnms
                vsum = vsum + _seg_dot(ob * ob, oht)
        return asum, rnum, vsum

    asum, rnum, vsum = lax.fori_loop(0, _NBLK, p2, (zc, zf, zf))
    qs = jnp.concatenate([h1, rnum / (asum + 1e-16)], axis=0)

    h2, c2 = _lstm_cell(wih, whh, bih, bhh, qs, h1, c1)
    if do_gn:
        rstd = lax.rsqrt(vsum / cntc + 1e-5)
        pad1 = jnp.ones((1, _NB), jnp.float32)
        pad0 = jnp.zeros((_W - _F - 1, _NB), jnp.float32)

    def p3(i, carry):
        asum, rnum = carry
        for u in range(_UNR):
            j = i * _UNR + u
            sl = pl.ds(j * _NB, _NB)
            xsb = xs_ref[:, sl]
            oht = _onehot_t(batch_ref, j)
            qb = _to_nodes(h2, oht)
            a = jnp.exp(jnp.sum(xsb * qb, axis=0, keepdims=True))
            asum = asum + _seg_dot(a, oht)
            rnum = rnum + _seg_dot(a * xsb, oht)
            if do_gn:
                ob = xsb - _to_nodes(mean, oht) * gnms
                y = gnw * ob * _to_nodes(rstd, oht) + gnb
                xnext_ref[:, sl] = jnp.concatenate([y, pad1, pad0], axis=0)
        return asum, rnum

    asum, rnum = lax.fori_loop(0, _NBLK, p3, (zc, zf))
    return jnp.concatenate([h2, rnum / (asum + 1e-16)], axis=0)


def _mid_a_body(part, xprev, batch_ref, wlt_r, bl_r, wrt_r, wih_r, whh_r,
                bih_r, bhh_r, gnw_r, gnb_r, gnms_r,
                xnext_ref, xs_out_ref, h2_ref):
    wlt = wlt_r[...]
    bl = bl_r[...]
    wrt = wrt_r[...]
    wih = wih_r[...]
    whh = whh_r[...]
    bih = bih_r[...]
    bhh = bhh_r[...]
    gnw = gnw_r[...]
    gnb = gnb_r[...]
    gnms = gnms_r[...]
    ones_row = jnp.ones((1, _NB), jnp.float32)
    zc = jnp.zeros((1, _B), jnp.float32)
    zf = jnp.zeros((_F, _B), jnp.float32)

    h0, c0 = _lstm_cell(wih, whh, bih, bhh,
                        jnp.zeros((2 * _F, 1), jnp.float32),
                        jnp.zeros((_F, 1), jnp.float32),
                        jnp.zeros((_F, 1), jnp.float32))

    def p1(i, carry):
        cnt, msum, asum, rnum = carry
        for u in range(_UNR):
            j = i * _UNR + u
            sl = pl.ds(j * _NB, _NB)
            agg = part[0, :, sl] + part[1, :, sl]
            deg = agg[_F:_F + 1, :]
            mean = agg[0:_F, :] / jnp.maximum(deg, 1.0)
            xp = xprev[0:_F, sl]
            hh = (jnp.dot(wlt, mean, preferred_element_type=jnp.float32)
                  + jnp.dot(wrt, xp, preferred_element_type=jnp.float32)
                  + bl)
            xsb = jnp.tanh(hh)
            xs_out_ref[:, sl] = xsb
            oht = _onehot_t(batch_ref, j)
            a = jnp.exp(jnp.sum(xsb * h0, axis=0, keepdims=True))
            asum = asum + _seg_dot(a, oht)
            rnum = rnum + _seg_dot(a * xsb, oht)
            cnt = cnt + _seg_dot(ones_row, oht)
            msum = msum + _seg_dot(xsb, oht)
        return cnt, msum, asum, rnum

    cnt, msum, asum, rnum = lax.fori_loop(0, _NBLK, p1, (zc, zf, zc, zf))
    cntc = jnp.maximum(cnt, 1.0)
    mean = msum / cntc
    h0b = h0 + jnp.zeros((_F, _B), jnp.float32)
    qs = jnp.concatenate([h0b, rnum / (asum + 1e-16)], axis=0)

    h1, c1 = _lstm_cell(wih, whh, bih, bhh, qs, h0b, c0)

    def p2(i, carry):
        asum, rnum, vsum = carry
        for u in range(_UNR):
            j = i * _UNR + u
            sl = pl.ds(j * _NB, _NB)
            xsb = xs_out_ref[:, sl]
            oht = _onehot_t(batch_ref, j)
            qb = _to_nodes(h1, oht)
            a = jnp.exp(jnp.sum(xsb * qb, axis=0, keepdims=True))
            asum = asum + _seg_dot(a, oht)
            rnum = rnum + _seg_dot(a * xsb, oht)
            ob = xsb - _to_nodes(mean, oht) * gnms
            vsum = vsum + _seg_dot(ob * ob, oht)
        return asum, rnum, vsum

    asum, rnum, vsum = lax.fori_loop(0, _NBLK, p2, (zc, zf, zf))
    qs = jnp.concatenate([h1, rnum / (asum + 1e-16)], axis=0)
    h2, c2 = _lstm_cell(wih, whh, bih, bhh, qs, h1, c1)
    h2_ref[...] = h2
    rstd = lax.rsqrt(vsum / cntc + 1e-5)
    pad1 = jnp.ones((1, _NB), jnp.float32)
    pad0 = jnp.zeros((_W - _F - 1, _NB), jnp.float32)

    def p3(i, carry):
        for u in range(_UNR):
            j = i * _UNR + u
            sl = pl.ds(j * _NB, _NB)
            oht = _onehot_t(batch_ref, j)
            ob = xs_out_ref[:, sl] - _to_nodes(mean, oht) * gnms
            y = gnw * ob * _to_nodes(rstd, oht) + gnb
            xnext_ref[:, sl] = jnp.concatenate([y, pad1, pad0], axis=0)
        return carry

    lax.fori_loop(0, _NBLK, p3, 0)


def _mid_b_body(xs, batch_ref, h2_r, qstar_ref):
    h2 = h2_r[...]
    zc = jnp.zeros((1, _B), jnp.float32)
    zf = jnp.zeros((_F, _B), jnp.float32)

    def p4(i, carry):
        asum, rnum = carry
        for u in range(_UNR):
            j = i * _UNR + u
            sl = pl.ds(j * _NB, _NB)
            xsb = xs[:, sl]
            oht = _onehot_t(batch_ref, j)
            qb = _to_nodes(h2, oht)
            a = jnp.exp(jnp.sum(xsb * qb, axis=0, keepdims=True))
            asum = asum + _seg_dot(a, oht)
            rnum = rnum + _seg_dot(a * xsb, oht)
        return asum, rnum

    asum, rnum = lax.fori_loop(0, _NBLK, p4, (zc, zf))
    qstar_ref[...] = jnp.concatenate([h2, rnum / (asum + 1e-16)], axis=0)


def _last_layer_body(part, xprev, batch_ref, wlt, bl, wrt, wih, whh, bih,
                     bhh, q1, q2, outw, outb, final_ref, xs_ref):
    qs = _layer_common(
        part, xprev, batch_ref, wlt, bl, wrt, wih, whh, bih, bhh, xs_ref)
    cat = jnp.concatenate([q1[...], q2[...], qs], axis=0)
    s = jnp.sum(cat * outw[...], axis=0, keepdims=True)
    final_ref[...] = jnp.tanh(s + outb[...])


def _build_mid_a(interpret=False):
    return pl.pallas_call(
        _mid_a_body,
        out_shape=[jax.ShapeDtypeStruct((_W, _NPAD), jnp.float32),
                   jax.ShapeDtypeStruct((_F, _NPAD), jnp.float32),
                   jax.ShapeDtypeStruct((_F, _B), jnp.float32)],
        interpret=interpret,
    )


def _build_mid_b(interpret=False):
    return pl.pallas_call(
        _mid_b_body,
        out_shape=jax.ShapeDtypeStruct((2 * _F, _B), jnp.float32),
        interpret=interpret,
    )


def _build_last(interpret=False):
    return pl.pallas_call(
        _last_layer_body,
        out_shape=jax.ShapeDtypeStruct((1, _B), jnp.float32),
        scratch_shapes=[pltpu.VMEM((_F, _NPAD), jnp.float32)],
        interpret=interpret,
    )


_PB = 1024


def _prep_body(x_ref, w_ref, b_ref, out_ref):
    xb = x_ref[...]
    h = jnp.tanh(w_ref[...] * xb + b_ref[...])
    out_ref[...] = jnp.concatenate(
        [h, jnp.ones((1, _PB), jnp.float32),
         jnp.zeros((_W - _F - 1, _PB), jnp.float32)], axis=0)


def _build_prep(interpret=False):
    return pl.pallas_call(
        _prep_body,
        grid=(_NPAD // _PB,),
        in_specs=[pl.BlockSpec((1, _PB), lambda i: (0, i)),
                  pl.BlockSpec((_F, 1), lambda i: (0, 0)),
                  pl.BlockSpec((_F, 1), lambda i: (0, 0))],
        out_specs=pl.BlockSpec((_W, _PB), lambda i: (0, i)),
        out_shape=jax.ShapeDtypeStruct((_W, _NPAD), jnp.float32),
        interpret=interpret,
    )


_mid_a = _build_mid_a()
_mid_b = _build_mid_b()
_last = _build_last()
_prep = _build_prep()


def kernel(x, edge_index, batch, in_w, in_b, c1_wl, c1_bl, c1_wr, c2_wl,
           c2_bl, c2_wr, c3_wl, c3_bl, c3_wr, gn2_w, gn2_b, gn2_ms, gn3_w,
           gn3_b, gn3_ms, s1_wih, s1_whh, s1_bih, s1_bhh, s2_wih, s2_whh,
           s2_bih, s2_bhh, s3_wih, s3_whh, s3_bih, s3_bhh, out_w, out_b):
    f32 = jnp.float32
    _sc_agg = _build_sc_agg()
    src2d = edge_index[0].reshape(_NROWS, _EW)
    dst2d = edge_index[1].reshape(_NROWS, _EW)
    batcht = jnp.pad(batch.reshape(1, _N), ((0, 0), (0, _NPAD - _N)),
                     constant_values=_B)
    zrows = jnp.zeros((_TS, _W), f32)
    xt = jnp.pad(x.reshape(1, _N), ((0, 0), (0, _NPAD - _N)))

    def col(v):
        return v.reshape(-1, 1)

    xpadt = _prep(xt, col(in_w.reshape(_F)), col(in_b))

    part = _sc_agg(xpadt.T, src2d, dst2d, zrows)
    partt = jnp.transpose(part, (0, 2, 1))
    xnext, xs1, h2_1 = _mid_a(partt, xpadt, batcht, c1_wl.T, col(c1_bl),
                              c1_wr.T, s1_wih, s1_whh, col(s1_bih),
                              col(s1_bhh), col(gn2_w), col(gn2_b),
                              col(gn2_ms))
    xpadt = xnext

    part = _sc_agg(xpadt.T, src2d, dst2d, zrows)
    q1 = _mid_b(xs1, batcht, h2_1)
    partt = jnp.transpose(part, (0, 2, 1))
    xnext, xs2, h2_2 = _mid_a(partt, xpadt, batcht, c2_wl.T, col(c2_bl),
                              c2_wr.T, s2_wih, s2_whh, col(s2_bih),
                              col(s2_bhh), col(gn3_w), col(gn3_b),
                              col(gn3_ms))
    xpadt = xnext

    part = _sc_agg(xpadt.T, src2d, dst2d, zrows)
    q2 = _mid_b(xs2, batcht, h2_2)
    partt = jnp.transpose(part, (0, 2, 1))
    out = _last(partt, xpadt, batcht, c3_wl.T, col(c3_bl), c3_wr.T,
                s3_wih, s3_whh, col(s3_bih), col(s3_bhh),
                q1, q2, col(out_w.reshape(-1)), out_b.reshape(1, 1))
    return out.reshape(_B, 1)

# --- scband reference (transcript-rebuilt; emitter-appended) ---
"""Pipeline reference for scband-individual-paths-mpnn-4277787427785 (READ-ONLY COPY).

The authoritative reference and input builder live on the scoring server;
editing this copy changes nothing except your own understanding.
"""

import jax, jax.numpy as jnp
import numpy as np

N = 50000
E = 1600000
B = 512
H = 8


def _seg_mean(data, seg, num_segments):
    s = jax.ops.segment_sum(data, seg, num_segments=num_segments)
    c = jax.ops.segment_sum(jnp.ones((data.shape[0], 1), data.dtype), seg, num_segments=num_segments)
    return s / jnp.maximum(c, 1.0)


def _sage(x, edge_index, wl, bl, wr):
    src = edge_index[0]
    dst = edge_index[1]
    agg = _seg_mean(x[src], dst, x.shape[0])
    return agg @ wl + bl + x @ wr


def _graphnorm(x, batch, w, b, ms):
    mean = _seg_mean(x, batch, B)
    out = x - mean[batch] * ms
    var = _seg_mean(out * out, batch, B)
    std = jnp.sqrt(var + 1e-5)[batch]
    return w * out / std + b


def _set2set(x, batch, wih, whh, bih, bhh):
    h = jnp.zeros((B, H), x.dtype)
    c = jnp.zeros((B, H), x.dtype)
    q_star = jnp.zeros((B, 2 * H), x.dtype)
    for _ in range(3):
        gates = q_star @ wih.T + bih + h @ whh.T + bhh
        i, f, g, o = jnp.split(gates, 4, axis=1)
        i = jax.nn.sigmoid(i)
        f = jax.nn.sigmoid(f)
        g = jnp.tanh(g)
        o = jax.nn.sigmoid(o)
        c = f * c + i * g
        h = o * jnp.tanh(c)
        q = h
        e = jnp.sum(x * q[batch], axis=-1, keepdims=True)
        emax = jax.lax.stop_gradient(jax.ops.segment_max(e, batch, num_segments=B))
        emax = jnp.where(jnp.isfinite(emax), emax, 0.0)
        a = jnp.exp(e - emax[batch])
        asum = jax.ops.segment_sum(a, batch, num_segments=B)
        a = a / (asum[batch] + 1e-16)
        r = jax.ops.segment_sum(a * x, batch, num_segments=B)
        q_star = jnp.concatenate([q, r], axis=-1)
    return q_star


def _forward(p):
    edge_index = p["edge_index"]
    batch = p["batch"]
    x = jnp.tanh(p["x"] @ p["in_w"] + p["in_b"])
    x = jnp.tanh(_sage(x, edge_index, p["c1_wl"], p["c1_bl"], p["c1_wr"]))
    x1 = _set2set(x, batch, p["s1_wih"], p["s1_whh"], p["s1_bih"], p["s1_bhh"])
    x = _graphnorm(x, batch, p["gn2_w"], p["gn2_b"], p["gn2_ms"])
    x = jnp.tanh(_sage(x, edge_index, p["c2_wl"], p["c2_bl"], p["c2_wr"]))
    x2 = _set2set(x, batch, p["s2_wih"], p["s2_whh"], p["s2_bih"], p["s2_bhh"])
    x = _graphnorm(x, batch, p["gn3_w"], p["gn3_b"], p["gn3_ms"])
    x = jnp.tanh(_sage(x, edge_index, p["c3_wl"], p["c3_bl"], p["c3_wr"]))
    x3 = _set2set(x, batch, p["s3_wih"], p["s3_whh"], p["s3_bih"], p["s3_bhh"])
    out = jnp.tanh(jnp.concatenate([x1, x2, x3], axis=-1) @ p["out_w"] + p["out_b"])
    return out


def setup_inputs(seed: int = 0):
    key = jax.random.key(seed)

    def k(i):
        return jax.random.fold_in(key, i)

    def lin(i, fi, fo):
        bnd = 1.0 / np.sqrt(fi)
        return jax.random.uniform(k(i), (fi, fo), minval=-bnd, maxval=bnd, dtype=jnp.float32)

    inp = {}
    inp["x"] = jax.random.normal(k(0), (N, 1), dtype=jnp.float32)
    inp["edge_index"] = jax.random.randint(k(1), (2, E), 0, N, dtype=jnp.int32)
    inp["batch"] = jnp.sort(jax.random.randint(k(2), (N,), 0, B, dtype=jnp.int32))
    inp["in_w"] = lin(3, 1, 8)
    inp["in_b"] = jnp.zeros((8,), jnp.float32)
    for j, nm in enumerate(["c1", "c2", "c3"]):
        inp[nm + "_wl"] = lin(10 + 3 * j, 8, 8)
        inp[nm + "_bl"] = jnp.zeros((8,), jnp.float32)
        inp[nm + "_wr"] = lin(11 + 3 * j, 8, 8)
    for nm in ["gn2", "gn3"]:
        inp[nm + "_w"] = jnp.ones((8,), jnp.float32)
        inp[nm + "_b"] = jnp.zeros((8,), jnp.float32)
        inp[nm + "_ms"] = jnp.ones((8,), jnp.float32)
    bnd = 1.0 / np.sqrt(H)
    for j, nm in enumerate(["s1", "s2", "s3"]):
        inp[nm + "_wih"] = jax.random.uniform(k(20 + 4 * j), (4 * H, 2 * H), minval=-bnd, maxval=bnd, dtype=jnp.float32)
        inp[nm + "_whh"] = jax.random.uniform(k(21 + 4 * j), (4 * H, H), minval=-bnd, maxval=bnd, dtype=jnp.float32)
        inp[nm + "_bih"] = jax.random.uniform(k(22 + 4 * j), (4 * H,), minval=-bnd, maxval=bnd, dtype=jnp.float32)
        inp[nm + "_bhh"] = jax.random.uniform(k(23 + 4 * j), (4 * H,), minval=-bnd, maxval=bnd, dtype=jnp.float32)
    inp["out_w"] = lin(40, 48, 1)
    inp["out_b"] = jnp.zeros((1,), jnp.float32)
    return inp


def reference(
    x,
    edge_index,
    batch,
    in_w,
    in_b,
    c1_wl,
    c1_bl,
    c1_wr,
    c2_wl,
    c2_bl,
    c2_wr,
    c3_wl,
    c3_bl,
    c3_wr,
    gn2_w,
    gn2_b,
    gn2_ms,
    gn3_w,
    gn3_b,
    gn3_ms,
    s1_wih,
    s1_whh,
    s1_bih,
    s1_bhh,
    s2_wih,
    s2_whh,
    s2_bih,
    s2_bhh,
    s3_wih,
    s3_whh,
    s3_bih,
    s3_bhh,
    out_w,
    out_b,
):
    inp = {
        "x": x,
        "edge_index": edge_index,
        "batch": batch,
        "in_w": in_w,
        "in_b": in_b,
        "c1_wl": c1_wl,
        "c1_bl": c1_bl,
        "c1_wr": c1_wr,
        "c2_wl": c2_wl,
        "c2_bl": c2_bl,
        "c2_wr": c2_wr,
        "c3_wl": c3_wl,
        "c3_bl": c3_bl,
        "c3_wr": c3_wr,
        "gn2_w": gn2_w,
        "gn2_b": gn2_b,
        "gn2_ms": gn2_ms,
        "gn3_w": gn3_w,
        "gn3_b": gn3_b,
        "gn3_ms": gn3_ms,
        "s1_wih": s1_wih,
        "s1_whh": s1_whh,
        "s1_bih": s1_bih,
        "s1_bhh": s1_bhh,
        "s2_wih": s2_wih,
        "s2_whh": s2_whh,
        "s2_bih": s2_bih,
        "s2_bhh": s2_bhh,
        "s3_wih": s3_wih,
        "s3_whh": s3_whh,
        "s3_bih": s3_bih,
        "s3_bhh": s3_bhh,
        "out_w": out_w,
        "out_b": out_b,
    }
    return _forward(inp)

if __name__ == "__main__":
    import jax
    _d = setup_inputs()
    print(jax.jit(kernel)(*tuple(_d.values())))

</pallas_src>

<mosaic_0001>
#map = affine_map<(d0, d1) -> (0, 0)>
#map1 = affine_map<(d0, d1) -> (0, 0, 0)>
module attributes {stable_mosaic.version = 14 : i64} {
  func.func @_sc_agg_body(%arg0: i32, %arg1: i32, %arg2: memref<51200x16xf32, #tpu.memory_space<hbm>>, %arg3: memref<12800x125xi32, #tpu.memory_space<hbm>>, %arg4: memref<12800x125xi32, #tpu.memory_space<hbm>>, %arg5: memref<3200x16xf32, #tpu.memory_space<hbm>>, %arg6: memref<2x51200x16xf32, #tpu.memory_space<hbm>>, %arg7: memref<40x125xi32, #tpu.memory_space<vmem>>, %arg8: memref<40x125xi32, #tpu.memory_space<vmem>>, %arg9: memref<125x16xf32, #tpu.memory_space<vmem>>, %arg10: memref<125x16xf32, #tpu.memory_space<vmem>>, %arg11: memref<125x16xf32, #tpu.memory_space<vmem>>, %arg12: memref<125x16xf32, #tpu.memory_space<vmem>>, %arg13: memref<51200x16xf32, #tpu.memory_space<vmem_shared>>, %arg14: memref<!tpu.dma_semaphore, #tpu.memory_space<semaphore_mem>>, %arg15: memref<!tpu.dma_semaphore, #tpu.memory_space<semaphore_mem>>, %arg16: memref<!tpu.dma_semaphore, #tpu.memory_space<semaphore_mem>>, %arg17: memref<!tpu.dma_semaphore, #tpu.memory_space<semaphore_mem>>, %arg18: memref<!tpu.dma_semaphore, #tpu.memory_space<semaphore_mem>>, %arg19: memref<!tpu.dma_semaphore, #tpu.memory_space<semaphore_mem>>, %arg20: memref<!tpu.dma_semaphore, #tpu.memory_space<semaphore_mem>>, %arg21: memref<!tpu.dma_semaphore, #tpu.memory_space<semaphore_mem>>) attributes {dimension_semantics = [#tpu.dimension_semantics<core_parallel>, #tpu.dimension_semantics<subcore_parallel>], iteration_bounds = array<i64: 2, 16>, scalar_prefetch = 0 : i64, scratch_operands = 15 : i64, tpu.core_type = #tpu.core_type<sc_vector_subcore>, window_params = [{transform_indices = #map}, {transform_indices = #map}, {transform_indices = #map}, {transform_indices = #map}, {transform_indices = #map1}]} {
    %mul3A = arith.constant 16 : i32
    %mul3A_0 = arith.muli %arg0, %mul3A : i32
    %add3A = arith.addi %mul3A_0, %arg1 : i32
    %mul3A_1 = arith.constant 3200 : i32
    %mul3A_2 = arith.muli %arg1, %mul3A_1 : i32
    "tpu.region"() ({
      %run_scoped3A = tpu.sem_alloc : memref<!tpu.dma_semaphore, #tpu.memory_space<semaphore_mem>>
      %dma_start3A = arith.constant 0 : i32
      %dma_start3A_15 = tpu.memref_slice %arg13[%mul3A_2, %dma_start3A] : memref<51200x16xf32, #tpu.memory_space<vmem_shared>> -> memref<3200x16xf32, #tpu.memory_space<vmem_shared>>
      tpu.enqueue_dma source(%arg5 : memref<3200x16xf32, #tpu.memory_space<hbm>>) target(%dma_start3A_15 : memref<3200x16xf32, #tpu.memory_space<vmem_shared>>) target_semaphore(%run_scoped3A : memref<!tpu.dma_semaphore, #tpu.memory_space<semaphore_mem>>)
      %dma_wait3A = arith.constant 0 : i32
      %dma_wait3A_16 = tpu.memref_slice %arg13[%mul3A_2, %dma_wait3A] : memref<51200x16xf32, #tpu.memory_space<vmem_shared>> -> memref<3200x16xf32, #tpu.memory_space<vmem_shared>>
      tpu.wait_dma2 semaphore(%run_scoped3A : memref<!tpu.dma_semaphore, #tpu.memory_space<semaphore_mem>>) src(%arg5 : memref<3200x16xf32, #tpu.memory_space<hbm>>) dst(%dma_wait3A_16 : memref<3200x16xf32, #tpu.memory_space<vmem_shared>>)
      tpu.yield
    }) : () -> ()
    %barrier3A = arith.constant 0 : index
    tpu.barrier barrier_id(%barrier3A)
    %mul3A_3 = arith.constant 400 : i32
    %mul3A_4 = arith.muli %add3A, %mul3A_3 : i32
    %scan3A = arith.constant 0 : i32
    %scan3A_5 = arith.constant 0 : i32
    %scan3A_6 = arith.constant 10 : i32
    %scan3A_7 = arith.addi %scan3A_5, %scan3A_6 : i32
    %scan3A_8 = arith.constant 1 : i32
    scf.for %scan3A_15 = %scan3A_5 to %scan3A_7 step %scan3A_8  : i32 {
      %mul3A_16 = arith.constant 40 : i32
      %mul3A_17 = arith.muli %scan3A_15, %mul3A_16 : i32
      %add3A_18 = arith.addi %mul3A_4, %mul3A_17 : i32
      "tpu.region"() ({
        %run_scoped3A = tpu.sem_alloc : memref<!tpu.dma_semaphore, #tpu.memory_space<semaphore_mem>>
        %dma_start3A_79 = arith.constant 0 : i32
        %dma_start3A_80 = tpu.memref_slice %arg3[%add3A_18, %dma_start3A_79] : memref<12800x125xi32, #tpu.memory_space<hbm>> -> memref<40x125xi32, #tpu.memory_space<hbm>>
        %dma_start3A_81 = arith.constant 0 : i32
        %dma_start3A_82 = tpu.memref_slice %arg3[%add3A_18, %dma_start3A_81] : memref<12800x125xi32, #tpu.memory_space<hbm>> -> memref<40x125xi32, #tpu.memory_space<hbm>>
        tpu.enqueue_dma source(%dma_start3A_82 : memref<40x125xi32, #tpu.memory_space<hbm>>) target(%arg7 : memref<40x125xi32, #tpu.memory_space<vmem>>) target_semaphore(%run_scoped3A : memref<!tpu.dma_semaphore, #tpu.memory_space<semaphore_mem>>)
        %dma_wait3A_83 = arith.constant 0 : i32
        %dma_wait3A_84 = tpu.memref_slice %arg3[%add3A_18, %dma_wait3A_83] : memref<12800x125xi32, #tpu.memory_space<hbm>> -> memref<40x125xi32, #tpu.memory_space<hbm>>
        %dma_wait3A_85 = arith.constant 0 : i32
        %dma_wait3A_86 = tpu.memref_slice %arg3[%add3A_18, %dma_wait3A_85] : memref<12800x125xi32, #tpu.memory_space<hbm>> -> memref<40x125xi32, #tpu.memory_space<hbm>>
        tpu.wait_dma2 semaphore(%run_scoped3A : memref<!tpu.dma_semaphore, #tpu.memory_space<semaphore_mem>>) src(%dma_wait3A_86 : memref<40x125xi32, #tpu.memory_space<hbm>>) dst(%arg7 : memref<40x125xi32, #tpu.memory_space<vmem>>)
        tpu.yield
      }) : () -> ()
      "tpu.region"() ({
        %run_scoped3A = tpu.sem_alloc : memref<!tpu.dma_semaphore, #tpu.memory_space<semaphore_mem>>
        %dma_start3A_79 = arith.constant 0 : i32
        %dma_start3A_80 = tpu.memref_slice %arg4[%add3A_18, %dma_start3A_79] : memref<12800x125xi32, #tpu.memory_space<hbm>> -> memref<40x125xi32, #tpu.memory_space<hbm>>
        %dma_start3A_81 = arith.constant 0 : i32
        %dma_start3A_82 = tpu.memref_slice %arg4[%add3A_18, %dma_start3A_81] : memref<12800x125xi32, #tpu.memory_space<hbm>> -> memref<40x125xi32, #tpu.memory_space<hbm>>
        tpu.enqueue_dma source(%dma_start3A_82 : memref<40x125xi32, #tpu.memory_space<hbm>>) target(%arg8 : memref<40x125xi32, #tpu.memory_space<vmem>>) target_semaphore(%run_scoped3A : memref<!tpu.dma_semaphore, #tpu.memory_space<semaphore_mem>>)
        %dma_wait3A_83 = arith.constant 0 : i32
        %dma_wait3A_84 = tpu.memref_slice %arg4[%add3A_18, %dma_wait3A_83] : memref<12800x125xi32, #tpu.memory_space<hbm>> -> memref<40x125xi32, #tpu.memory_space<hbm>>
        %dma_wait3A_85 = arith.constant 0 : i32
        %dma_wait3A_86 = tpu.memref_slice %arg4[%add3A_18, %dma_wait3A_85] : memref<12800x125xi32, #tpu.memory_space<hbm>> -> memref<40x125xi32, #tpu.memory_space<hbm>>
        tpu.wait_dma2 semaphore(%run_scoped3A : memref<!tpu.dma_semaphore, #tpu.memory_space<semaphore_mem>>) src(%dma_wait3A_86 : memref<40x125xi32, #tpu.memory_space<hbm>>) dst(%arg8 : memref<40x125xi32, #tpu.memory_space<vmem>>)
        tpu.yield
      }) : () -> ()
      %dma_start3A = arith.constant 0 : i32
      %dma_start3A_19 = arith.constant 0 : i32
      %dma_start3A_20 = tpu.memref_slice %arg7[%dma_start3A, %dma_start3A_19] : memref<40x125xi32, #tpu.memory_space<vmem>> -> memref<1x125xi32, #tpu.memory_space<vmem>>
      %dma_start3A_21 = tpu.memref_squeeze %dma_start3A_20 : memref<1x125xi32, #tpu.memory_space<vmem>> -> memref<125xi32, #tpu.memory_space<vmem>>
      %dma_start3A_22 = arith.constant 0 : i32
      %dma_start3A_23 = arith.constant 0 : i32
      %dma_start3A_24 = tpu.memref_slice %arg2[%dma_start3A_22, %dma_start3A_23] : memref<51200x16xf32, #tpu.memory_space<hbm>> -> memref<51200x16xf32, #tpu.memory_space<hbm>>
      tpu.enqueue_indirect_dma source(%dma_start3A_24 : memref<51200x16xf32, #tpu.memory_space<hbm>>) target(%arg9 : memref<125x16xf32, #tpu.memory_space<vmem>>) offsets(%dma_start3A_21 : memref<125xi32, #tpu.memory_space<vmem>>) semaphore(%arg14 : memref<!tpu.dma_semaphore, #tpu.memory_space<semaphore_mem>>)
      %dma_start3A_25 = arith.constant 1 : i32
      %dma_start3A_26 = arith.constant 0 : i32
      %dma_start3A_27 = tpu.memref_slice %arg7[%dma_start3A_25, %dma_start3A_26] : memref<40x125xi32, #tpu.memory_space<vmem>> -> memref<1x125xi32, #tpu.memory_space<vmem>>
      %dma_start3A_28 = tpu.memref_squeeze %dma_start3A_27 : memref<1x125xi32, #tpu.memory_space<vmem>> -> memref<125xi32, #tpu.memory_space<vmem>>
      %dma_start3A_29 = arith.constant 0 : i32
      %dma_start3A_30 = arith.constant 0 : i32
      %dma_start3A_31 = tpu.memref_slice %arg2[%dma_start3A_29, %dma_start3A_30] : memref<51200x16xf32, #tpu.memory_space<hbm>> -> memref<51200x16xf32, #tpu.memory_space<hbm>>
      tpu.enqueue_indirect_dma source(%dma_start3A_31 : memref<51200x16xf32, #tpu.memory_space<hbm>>) target(%arg10 : memref<125x16xf32, #tpu.memory_space<vmem>>) offsets(%dma_start3A_28 : memref<125xi32, #tpu.memory_space<vmem>>) semaphore(%arg15 : memref<!tpu.dma_semaphore, #tpu.memory_space<semaphore_mem>>)
      %dma_start3A_32 = arith.constant 2 : i32
      %dma_start3A_33 = arith.constant 0 : i32
      %dma_start3A_34 = tpu.memref_slice %arg7[%dma_start3A_32, %dma_start3A_33] : memref<40x125xi32, #tpu.memory_space<vmem>> -> memref<1x125xi32, #tpu.memory_space<vmem>>
      %dma_start3A_35 = tpu.memref_squeeze %dma_start3A_34 : memref<1x125xi32, #tpu.memory_space<vmem>> -> memref<125xi32, #tpu.memory_space<vmem>>
      %dma_start3A_36 = arith.constant 0 : i32
      %dma_start3A_37 = arith.constant 0 : i32
      %dma_start3A_38 = tpu.memref_slice %arg2[%dma_start3A_36, %dma_start3A_37] : memref<51200x16xf32, #tpu.memory_space<hbm>> -> memref<51200x16xf32, #tpu.memory_space<hbm>>
      tpu.enqueue_indirect_dma source(%dma_start3A_38 : memref<51200x16xf32, #tpu.memory_space<hbm>>) target(%arg11 : memref<125x16xf32, #tpu.memory_space<vmem>>) offsets(%dma_start3A_35 : memref<125xi32, #tpu.memory_space<vmem>>) semaphore(%arg16 : memref<!tpu.dma_semaphore, #tpu.memory_space<semaphore_mem>>)
      %dma_start3A_39 = arith.constant 3 : i32
      %dma_start3A_40 = arith.constant 0 : i32
      %dma_start3A_41 = tpu.memref_slice %arg7[%dma_start3A_39, %dma_start3A_40] : memref<40x125xi32, #tpu.memory_space<vmem>> -> memref<1x125xi32, #tpu.memory_space<vmem>>
      %dma_start3A_42 = tpu.memref_squeeze %dma_start3A_41 : memref<1x125xi32, #tpu.memory_space<vmem>> -> memref<125xi32, #tpu.memory_space<vmem>>
      %dma_start3A_43 = arith.constant 0 : i32
      %dma_start3A_44 = arith.constant 0 : i32
      %dma_start3A_45 = tpu.memref_slice %arg2[%dma_start3A_43, %dma_start3A_44] : memref<51200x16xf32, #tpu.memory_space<hbm>> -> memref<51200x16xf32, #tpu.memory_space<hbm>>
      tpu.enqueue_indirect_dma source(%dma_start3A_45 : memref<51200x16xf32, #tpu.memory_space<hbm>>) target(%arg12 : memref<125x16xf32, #tpu.memory_space<vmem>>) offsets(%dma_start3A_42 : memref<125xi32, #tpu.memory_space<vmem>>) semaphore(%arg17 : memref<!tpu.dma_semaphore, #tpu.memory_space<semaphore_mem>>)
      %scan3A_46 = arith.constant 0 : i32
      %scan3A_47 = arith.constant 0 : i32
      %scan3A_48 = arith.constant 10 : i32
      %scan3A_49 = arith.addi %scan3A_47, %scan3A_48 : i32
      %scan3A_50 = arith.constant 1 : i32
      scf.for %scan3A_79 = %scan3A_47 to %scan3A_49 step %scan3A_50  : i32 {
        %mul3A_80 = arith.constant 4 : i32
        %mul3A_81 = arith.muli %mul3A_80, %scan3A_79 : i32
        %add3A_82 = arith.constant 0 : i32
        %add3A_83 = arith.addi %mul3A_81, %add3A_82 : i32
        %dma_wait3A_84 = arith.constant 0 : i32
        %dma_wait3A_85 = tpu.memref_slice %arg7[%add3A_83, %dma_wait3A_84] : memref<40x125xi32, #tpu.memory_space<vmem>> -> memref<1x125xi32, #tpu.memory_space<vmem>>
        %dma_wait3A_86 = tpu.memref_squeeze %dma_wait3A_85 : memref<1x125xi32, #tpu.memory_space<vmem>> -> memref<125xi32, #tpu.memory_space<vmem>>
        %dma_wait3A_87 = arith.constant 0 : i32
        %dma_wait3A_88 = arith.constant 0 : i32
        %dma_wait3A_89 = tpu.memref_slice %arg2[%dma_wait3A_87, %dma_wait3A_88] : memref<51200x16xf32, #tpu.memory_space<hbm>> -> memref<51200x16xf32, #tpu.memory_space<hbm>>
        tpu.wait_indirect_dma semaphore(%arg14 : memref<!tpu.dma_semaphore, #tpu.memory_space<semaphore_mem>>) src(%dma_wait3A_89 : memref<51200x16xf32, #tpu.memory_space<hbm>>) dst(%arg9 : memref<125x16xf32, #tpu.memory_space<vmem>>)
        %add3A_90 = arith.constant 0 : i32
        %add3A_91 = arith.addi %mul3A_81, %add3A_90 : i32
        %dma_start3A_92 = arith.constant 0 : i32
        %dma_start3A_93 = tpu.memref_slice %arg8[%add3A_91, %dma_start3A_92] : memref<40x125xi32, #tpu.memory_space<vmem>> -> memref<1x125xi32, #tpu.memory_space<vmem>>
        %dma_start3A_94 = tpu.memref_squeeze %dma_start3A_93 : memref<1x125xi32, #tpu.memory_space<vmem>> -> memref<125xi32, #tpu.memory_space<vmem>>
        %dma_start3A_95 = arith.constant 0 : i32
        %dma_start3A_96 = arith.constant 0 : i32
        %dma_start3A_97 = tpu.memref_slice %arg13[%dma_start3A_95, %dma_start3A_96] : memref<51200x16xf32, #tpu.memory_space<vmem_shared>> -> memref<51200x16xf32, #tpu.memory_space<vmem_shared>>
        tpu.enqueue_indirect_dma source(%arg9 : memref<125x16xf32, #tpu.memory_space<vmem>>) target(%dma_start3A_97 : memref<51200x16xf32, #tpu.memory_space<vmem_shared>>) offsets(%dma_start3A_94 : memref<125xi32, #tpu.memory_space<vmem>>) semaphore(%arg18 : memref<!tpu.dma_semaphore, #tpu.memory_space<semaphore_mem>>) {add = true}
        %add3A_98 = arith.constant 1 : i32
        %add3A_99 = arith.addi %mul3A_81, %add3A_98 : i32
        %dma_wait3A_100 = arith.constant 0 : i32
        %dma_wait3A_101 = tpu.memref_slice %arg7[%add3A_99, %dma_wait3A_100] : memref<40x125xi32, #tpu.memory_space<vmem>> -> memref<1x125xi32, #tpu.memory_space<vmem>>
        %dma_wait3A_102 = tpu.memref_squeeze %dma_wait3A_101 : memref<1x125xi32, #tpu.memory_space<vmem>> -> memref<125xi32, #tpu.memory_space<vmem>>
        %dma_wait3A_103 = arith.constant 0 : i32
        %dma_wait3A_104 = arith.constant 0 : i32
        %dma_wait3A_105 = tpu.memref_slice %arg2[%dma_wait3A_103, %dma_wait3A_104] : memref<51200x16xf32, #tpu.memory_space<hbm>> -> memref<51200x16xf32, #tpu.memory_space<hbm>>
        tpu.wait_indirect_dma semaphore(%arg15 : memref<!tpu.dma_semaphore, #tpu.memory_space<semaphore_mem>>) src(%dma_wait3A_105 : memref<51200x16xf32, #tpu.memory_space<hbm>>) dst(%arg10 : memref<125x16xf32, #tpu.memory_space<vmem>>)
        %add3A_106 = arith.constant 1 : i32
        %add3A_107 = arith.addi %mul3A_81, %add3A_106 : i32
        %dma_start3A_108 = arith.constant 0 : i32
        %dma_start3A_109 = tpu.memref_slice %arg8[%add3A_107, %dma_start3A_108] : memref<40x125xi32, #tpu.memory_space<vmem>> -> memref<1x125xi32, #tpu.memory_space<vmem>>
        %dma_start3A_110 = tpu.memref_squeeze %dma_start3A_109 : memref<1x125xi32, #tpu.memory_space<vmem>> -> memref<125xi32, #tpu.memory_space<vmem>>
        %dma_start3A_111 = arith.constant 0 : i32
        %dma_start3A_112 = arith.constant 0 : i32
        %dma_start3A_113 = tpu.memref_slice %arg13[%dma_start3A_111, %dma_start3A_112] : memref<51200x16xf32, #tpu.memory_space<vmem_shared>> -> memref<51200x16xf32, #tpu.memory_space<vmem_shared>>
        tpu.enqueue_indirect_dma source(%arg10 : memref<125x16xf32, #tpu.memory_space<vmem>>) target(%dma_start3A_113 : memref<51200x16xf32, #tpu.memory_space<vmem_shared>>) offsets(%dma_start3A_110 : memref<125xi32, #tpu.memory_space<vmem>>) semaphore(%arg19 : memref<!tpu.dma_semaphore, #tpu.memory_space<semaphore_mem>>) {add = true}
        %add3A_114 = arith.constant 2 : i32
        %add3A_115 = arith.addi %mul3A_81, %add3A_114 : i32
        %dma_wait3A_116 = arith.constant 0 : i32
        %dma_wait3A_117 = tpu.memref_slice %arg7[%add3A_115, %dma_wait3A_116] : memref<40x125xi32, #tpu.memory_space<vmem>> -> memref<1x125xi32, #tpu.memory_space<vmem>>
        %dma_wait3A_118 = tpu.memref_squeeze %dma_wait3A_117 : memref<1x125xi32, #tpu.memory_space<vmem>> -> memref<125xi32, #tpu.memory_space<vmem>>
        %dma_wait3A_119 = arith.constant 0 : i32
        %dma_wait3A_120 = arith.constant 0 : i32
        %dma_wait3A_121 = tpu.memref_slice %arg2[%dma_wait3A_119, %dma_wait3A_120] : memref<51200x16xf32, #tpu.memory_space<hbm>> -> memref<51200x16xf32, #tpu.memory_space<hbm>>
        tpu.wait_indirect_dma semaphore(%arg16 : memref<!tpu.dma_semaphore, #tpu.memory_space<semaphore_mem>>) src(%dma_wait3A_121 : memref<51200x16xf32, #tpu.memory_space<hbm>>) dst(%arg11 : memref<125x16xf32, #tpu.memory_space<vmem>>)
        %add3A_122 = arith.constant 2 : i32
        %add3A_123 = arith.addi %mul3A_81, %add3A_122 : i32
        %dma_start3A_124 = arith.constant 0 : i32
        %dma_start3A_125 = tpu.memref_slice %arg8[%add3A_123, %dma_start3A_124] : memref<40x125xi32, #tpu.memory_space<vmem>> -> memref<1x125xi32, #tpu.memory_space<vmem>>
        %dma_start3A_126 = tpu.memref_squeeze %dma_start3A_125 : memref<1x125xi32, #tpu.memory_space<vmem>> -> memref<125xi32, #tpu.memory_space<vmem>>
        %dma_start3A_127 = arith.constant 0 : i32
        %dma_start3A_128 = arith.constant 0 : i32
        %dma_start3A_129 = tpu.memref_slice %arg13[%dma_start3A_127, %dma_start3A_128] : memref<51200x16xf32, #tpu.memory_space<vmem_shared>> -> memref<51200x16xf32, #tpu.memory_space<vmem_shared>>
        tpu.enqueue_indirect_dma source(%arg11 : memref<125x16xf32, #tpu.memory_space<vmem>>) target(%dma_start3A_129 : memref<51200x16xf32, #tpu.memory_space<vmem_shared>>) offsets(%dma_start3A_126 : memref<125xi32, #tpu.memory_space<vmem>>) semaphore(%arg20 : memref<!tpu.dma_semaphore, #tpu.memory_space<semaphore_mem>>) {add = true}
        %add3A_130 = arith.constant 3 : i32
        %add3A_131 = arith.addi %mul3A_81, %add3A_130 : i32
        %dma_wait3A_132 = arith.constant 0 : i32
        %dma_wait3A_133 = tpu.memref_slice %arg7[%add3A_131, %dma_wait3A_132] : memref<40x125xi32, #tpu.memory_space<vmem>> -> memref<1x125xi32, #tpu.memory_space<vmem>>
        %dma_wait3A_134 = tpu.memref_squeeze %dma_wait3A_133 : memref<1x125xi32, #tpu.memory_space<vmem>> -> memref<125xi32, #tpu.memory_space<vmem>>
        %dma_wait3A_135 = arith.constant 0 : i32
        %dma_wait3A_136 = arith.constant 0 : i32
        %dma_wait3A_137 = tpu.memref_slice %arg2[%dma_wait3A_135, %dma_wait3A_136] : memref<51200x16xf32, #tpu.memory_space<hbm>> -> memref<51200x16xf32, #tpu.memory_space<hbm>>
        tpu.wait_indirect_dma semaphore(%arg17 : memref<!tpu.dma_semaphore, #tpu.memory_space<semaphore_mem>>) src(%dma_wait3A_137 : memref<51200x16xf32, #tpu.memory_space<hbm>>) dst(%arg12 : memref<125x16xf32, #tpu.memory_space<vmem>>)
        %add3A_138 = arith.constant 3 : i32
        %add3A_139 = arith.addi %mul3A_81, %add3A_138 : i32
        %dma_start3A_140 = arith.constant 0 : i32
        %dma_start3A_141 = tpu.memref_slice %arg8[%add3A_139, %dma_start3A_140] : memref<40x125xi32, #tpu.memory_space<vmem>> -> memref<1x125xi32, #tpu.memory_space<vmem>>
        %dma_start3A_142 = tpu.memref_squeeze %dma_start3A_141 : memref<1x125xi32, #tpu.memory_space<vmem>> -> memref<125xi32, #tpu.memory_space<vmem>>
        %dma_start3A_143 = arith.constant 0 : i32
        %dma_start3A_144 = arith.constant 0 : i32
        %dma_start3A_145 = tpu.memref_slice %arg13[%dma_start3A_143, %dma_start3A_144] : memref<51200x16xf32, #tpu.memory_space<vmem_shared>> -> memref<51200x16xf32, #tpu.memory_space<vmem_shared>>
        tpu.enqueue_indirect_dma source(%arg12 : memref<125x16xf32, #tpu.memory_space<vmem>>) target(%dma_start3A_145 : memref<51200x16xf32, #tpu.memory_space<vmem_shared>>) offsets(%dma_start3A_142 : memref<125xi32, #tpu.memory_space<vmem>>) semaphore(%arg21 : memref<!tpu.dma_semaphore, #tpu.memory_space<semaphore_mem>>) {add = true}
        %add3A_146 = arith.constant 4 : i32
        %add3A_147 = arith.addi %mul3A_81, %add3A_146 : i32
        %add3A_148 = arith.constant 0 : i32
        %add3A_149 = arith.addi %add3A_147, %add3A_148 : i32
        %lt3A = arith.constant 40 : i32
        %lt3A_150 = arith.cmpi slt, %add3A_149, %lt3A : i32
        %convert_element_type3A = arith.extui %lt3A_150 : i1 to i32
        %cond3A = arith.constant 0 : i32
        %cond3A_151 = arith.cmpi ne, %convert_element_type3A, %cond3A : i32
        scf.if %cond3A_151 {
          %add3A_179 = arith.constant 0 : i32
          %add3A_180 = arith.addi %mul3A_81, %add3A_179 : i32
          %dma_wait3A_181 = arith.constant 0 : i32
          %dma_wait3A_182 = tpu.memref_slice %arg8[%add3A_180, %dma_wait3A_181] : memref<40x125xi32, #tpu.memory_space<vmem>> -> memref<1x125xi32, #tpu.memory_space<vmem>>
          %dma_wait3A_183 = tpu.memref_squeeze %dma_wait3A_182 : memref<1x125xi32, #tpu.memory_space<vmem>> -> memref<125xi32, #tpu.memory_space<vmem>>
          %dma_wait3A_184 = arith.constant 0 : i32
          %dma_wait3A_185 = arith.constant 0 : i32
          %dma_wait3A_186 = tpu.memref_slice %arg13[%dma_wait3A_184, %dma_wait3A_185] : memref<51200x16xf32, #tpu.memory_space<vmem_shared>> -> memref<51200x16xf32, #tpu.memory_space<vmem_shared>>
          tpu.wait_indirect_dma semaphore(%arg18 : memref<!tpu.dma_semaphore, #tpu.memory_space<semaphore_mem>>) src(%arg9 : memref<125x16xf32, #tpu.memory_space<vmem>>) dst(%dma_wait3A_186 : memref<51200x16xf32, #tpu.memory_space<vmem_shared>>)
          %dma_start3A_187 = arith.constant 0 : i32
          %dma_start3A_188 = tpu.memref_slice %arg7[%add3A_149, %dma_start3A_187] : memref<40x125xi32, #tpu.memory_space<vmem>> -> memref<1x125xi32, #tpu.memory_space<vmem>>
          %dma_start3A_189 = tpu.memref_squeeze %dma_start3A_188 : memref<1x125xi32, #tpu.memory_space<vmem>> -> memref<125xi32, #tpu.memory_space<vmem>>
          %dma_start3A_190 = arith.constant 0 : i32
          %dma_start3A_191 = arith.constant 0 : i32
          %dma_start3A_192 = tpu.memref_slice %arg2[%dma_start3A_190, %dma_start3A_191] : memref<51200x16xf32, #tpu.memory_space<hbm>> -> memref<51200x16xf32, #tpu.memory_space<hbm>>
          tpu.enqueue_indirect_dma source(%dma_start3A_192 : memref<51200x16xf32, #tpu.memory_space<hbm>>) target(%arg9 : memref<125x16xf32, #tpu.memory_space<vmem>>) offsets(%dma_start3A_189 : memref<125xi32, #tpu.memory_space<vmem>>) semaphore(%arg14 : memref<!tpu.dma_semaphore, #tpu.memory_space<semaphore_mem>>)
        } else {
        }
        %add3A_152 = arith.constant 4 : i32
        %add3A_153 = arith.addi %mul3A_81, %add3A_152 : i32
        %add3A_154 = arith.constant 1 : i32
        %add3A_155 = arith.addi %add3A_153, %add3A_154 : i32
        %lt3A_156 = arith.constant 40 : i32
        %lt3A_157 = arith.cmpi slt, %add3A_155, %lt3A_156 : i32
        %convert_element_type3A_158 = arith.extui %lt3A_157 : i1 to i32
        %cond3A_159 = arith.constant 0 : i32
        %cond3A_160 = arith.cmpi ne, %convert_element_type3A_158, %cond3A_159 : i32
        scf.if %cond3A_160 {
          %add3A_179 = arith.constant 1 : i32
          %add3A_180 = arith.addi %mul3A_81, %add3A_179 : i32
          %dma_wait3A_181 = arith.constant 0 : i32
          %dma_wait3A_182 = tpu.memref_slice %arg8[%add3A_180, %dma_wait3A_181] : memref<40x125xi32, #tpu.memory_space<vmem>> -> memref<1x125xi32, #tpu.memory_space<vmem>>
          %dma_wait3A_183 = tpu.memref_squeeze %dma_wait3A_182 : memref<1x125xi32, #tpu.memory_space<vmem>> -> memref<125xi32, #tpu.memory_space<vmem>>
          %dma_wait3A_184 = arith.constant 0 : i32
          %dma_wait3A_185 = arith.constant 0 : i32
          %dma_wait3A_186 = tpu.memref_slice %arg13[%dma_wait3A_184, %dma_wait3A_185] : memref<51200x16xf32, #tpu.memory_space<vmem_shared>> -> memref<51200x16xf32, #tpu.memory_space<vmem_shared>>
          tpu.wait_indirect_dma semaphore(%arg19 : memref<!tpu.dma_semaphore, #tpu.memory_space<semaphore_mem>>) src(%arg10 : memref<125x16xf32, #tpu.memory_space<vmem>>) dst(%dma_wait3A_186 : memref<51200x16xf32, #tpu.memory_space<vmem_shared>>)
          %dma_start3A_187 = arith.constant 0 : i32
          %dma_start3A_188 = tpu.memref_slice %arg7[%add3A_155, %dma_start3A_187] : memref<40x125xi32, #tpu.memory_space<vmem>> -> memref<1x125xi32, #tpu.memory_space<vmem>>
          %dma_start3A_189 = tpu.memref_squeeze %dma_start3A_188 : memref<1x125xi32, #tpu.memory_space<vmem>> -> memref<125xi32, #tpu.memory_space<vmem>>
          %dma_start3A_190 = arith.constant 0 : i32
          %dma_start3A_191 = arith.constant 0 : i32
          %dma_start3A_192 = tpu.memref_slice %arg2[%dma_start3A_190, %dma_start3A_191] : memref<51200x16xf32, #tpu.memory_space<hbm>> -> memref<51200x16xf32, #tpu.memory_space<hbm>>
          tpu.enqueue_indirect_dma source(%dma_start3A_192 : memref<51200x16xf32, #tpu.memory_space<hbm>>) target(%arg10 : memref<125x16xf32, #tpu.memory_space<vmem>>) offsets(%dma_start3A_189 : memref<125xi32, #tpu.memory_space<vmem>>) semaphore(%arg15 : memref<!tpu.dma_semaphore, #tpu.memory_space<semaphore_mem>>)
        } else {
        }
        %add3A_161 = arith.constant 4 : i32
        %add3A_162 = arith.addi %mul3A_81, %add3A_161 : i32
        %add3A_163 = arith.constant 2 : i32
        %add3A_164 = arith.addi %add3A_162, %add3A_163 : i32
        %lt3A_165 = arith.constant 40 : i32
        %lt3A_166 = arith.cmpi slt, %add3A_164, %lt3A_165 : i32
        %convert_element_type3A_167 = arith.extui %lt3A_166 : i1 to i32
        %cond3A_168 = arith.constant 0 : i32
        %cond3A_169 = arith.cmpi ne, %convert_element_type3A_167, %cond3A_168 : i32
        scf.if %cond3A_169 {
          %add3A_179 = arith.constant 2 : i32
          %add3A_180 = arith.addi %mul3A_81, %add3A_179 : i32
          %dma_wait3A_181 = arith.constant 0 : i32
          %dma_wait3A_182 = tpu.memref_slice %arg8[%add3A_180, %dma_wait3A_181] : memref<40x125xi32, #tpu.memory_space<vmem>> -> memref<1x125xi32, #tpu.memory_space<vmem>>
          %dma_wait3A_183 = tpu.memref_squeeze %dma_wait3A_182 : memref<1x125xi32, #tpu.memory_space<vmem>> -> memref<125xi32, #tpu.memory_space<vmem>>
          %dma_wait3A_184 = arith.constant 0 : i32
          %dma_wait3A_185 = arith.constant 0 : i32
          %dma_wait3A_186 = tpu.memref_slice %arg13[%dma_wait3A_184, %dma_wait3A_185] : memref<51200x16xf32, #tpu.memory_space<vmem_shared>> -> memref<51200x16xf32, #tpu.memory_space<vmem_shared>>
          tpu.wait_indirect_dma semaphore(%arg20 : memref<!tpu.dma_semaphore, #tpu.memory_space<semaphore_mem>>) src(%arg11 : memref<125x16xf32, #tpu.memory_space<vmem>>) dst(%dma_wait3A_186 : memref<51200x16xf32, #tpu.memory_space<vmem_shared>>)
          %dma_start3A_187 = arith.constant 0 : i32
          %dma_start3A_188 = tpu.memref_slice %arg7[%add3A_164, %dma_start3A_187] : memref<40x125xi32, #tpu.memory_space<vmem>> -> memref<1x125xi32, #tpu.memory_space<vmem>>
          %dma_start3A_189 = tpu.memref_squeeze %dma_start3A_188 : memref<1x125xi32, #tpu.memory_space<vmem>> -> memref<125xi32, #tpu.memory_space<vmem>>
          %dma_start3A_190 = arith.constant 0 : i32
          %dma_start3A_191 = arith.constant 0 : i32
          %dma_start3A_192 = tpu.memref_slice %arg2[%dma_start3A_190, %dma_start3A_191] : memref<51200x16xf32, #tpu.memory_space<hbm>> -> memref<51200x16xf32, #tpu.memory_space<hbm>>
          tpu.enqueue_indirect_dma source(%dma_start3A_192 : memref<51200x16xf32, #tpu.memory_space<hbm>>) target(%arg11 : memref<125x16xf32, #tpu.memory_space<vmem>>) offsets(%dma_start3A_189 : memref<125xi32, #tpu.memory_space<vmem>>) semaphore(%arg16 : memref<!tpu.dma_semaphore, #tpu.memory_space<semaphore_mem>>)
        } else {
        }
        %add3A_170 = arith.constant 4 : i32
        %add3A_171 = arith.addi %mul3A_81, %add3A_170 : i32
        %add3A_172 = arith.constant 3 : i32
        %add3A_173 = arith.addi %add3A_171, %add3A_172 : i32
        %lt3A_174 = arith.constant 40 : i32
        %lt3A_175 = arith.cmpi slt, %add3A_173, %lt3A_174 : i32
        %convert_element_type3A_176 = arith.extui %lt3A_175 : i1 to i32
        %cond3A_177 = arith.constant 0 : i32
        %cond3A_178 = arith.cmpi ne, %convert_element_type3A_176, %cond3A_177 : i32
        scf.if %cond3A_178 {
          %add3A_179 = arith.constant 3 : i32
          %add3A_180 = arith.addi %mul3A_81, %add3A_179 : i32
          %dma_wait3A_181 = arith.constant 0 : i32
          %dma_wait3A_182 = tpu.memref_slice %arg8[%add3A_180, %dma_wait3A_181] : memref<40x125xi32, #tpu.memory_space<vmem>> -> memref<1x125xi32, #tpu.memory_space<vmem>>
          %dma_wait3A_183 = tpu.memref_squeeze %dma_wait3A_182 : memref<1x125xi32, #tpu.memory_space<vmem>> -> memref<125xi32, #tpu.memory_space<vmem>>
          %dma_wait3A_184 = arith.constant 0 : i32
          %dma_wait3A_185 = arith.constant 0 : i32
          %dma_wait3A_186 = tpu.memref_slice %arg13[%dma_wait3A_184, %dma_wait3A_185] : memref<51200x16xf32, #tpu.memory_space<vmem_shared>> -> memref<51200x16xf32, #tpu.memory_space<vmem_shared>>
          tpu.wait_indirect_dma semaphore(%arg21 : memref<!tpu.dma_semaphore, #tpu.memory_space<semaphore_mem>>) src(%arg12 : memref<125x16xf32, #tpu.memory_space<vmem>>) dst(%dma_wait3A_186 : memref<51200x16xf32, #tpu.memory_space<vmem_shared>>)
          %dma_start3A_187 = arith.constant 0 : i32
          %dma_start3A_188 = tpu.memref_slice %arg7[%add3A_173, %dma_start3A_187] : memref<40x125xi32, #tpu.memory_space<vmem>> -> memref<1x125xi32, #tpu.memory_space<vmem>>
          %dma_start3A_189 = tpu.memref_squeeze %dma_start3A_188 : memref<1x125xi32, #tpu.memory_space<vmem>> -> memref<125xi32, #tpu.memory_space<vmem>>
          %dma_start3A_190 = arith.constant 0 : i32
          %dma_start3A_191 = arith.constant 0 : i32
          %dma_start3A_192 = tpu.memref_slice %arg2[%dma_start3A_190, %dma_start3A_191] : memref<51200x16xf32, #tpu.memory_space<hbm>> -> memref<51200x16xf32, #tpu.memory_space<hbm>>
          tpu.enqueue_indirect_dma source(%dma_start3A_192 : memref<51200x16xf32, #tpu.memory_space<hbm>>) target(%arg12 : memref<125x16xf32, #tpu.memory_space<vmem>>) offsets(%dma_start3A_189 : memref<125xi32, #tpu.memory_space<vmem>>) semaphore(%arg17 : memref<!tpu.dma_semaphore, #tpu.memory_space<semaphore_mem>>)
        } else {
        }
      }
      %scan3A_51 = arith.constant 10 : i32
      %dma_wait3A = arith.constant 0 : i32
      %dma_wait3A_52 = arith.constant 0 : i32
      %dma_wait3A_53 = tpu.memref_slice %arg8[%dma_wait3A, %dma_wait3A_52] : memref<40x125xi32, #tpu.memory_space<vmem>> -> memref<1x125xi32, #tpu.memory_space<vmem>>
      %dma_wait3A_54 = tpu.memref_squeeze %dma_wait3A_53 : memref<1x125xi32, #tpu.memory_space<vmem>> -> memref<125xi32, #tpu.memory_space<vmem>>
      %dma_wait3A_55 = arith.constant 0 : i32
      %dma_wait3A_56 = arith.constant 0 : i32
      %dma_wait3A_57 = tpu.memref_slice %arg13[%dma_wait3A_55, %dma_wait3A_56] : memref<51200x16xf32, #tpu.memory_space<vmem_shared>> -> memref<51200x16xf32, #tpu.memory_space<vmem_shared>>
      tpu.wait_indirect_dma semaphore(%arg18 : memref<!tpu.dma_semaphore, #tpu.memory_space<semaphore_mem>>) src(%arg9 : memref<125x16xf32, #tpu.memory_space<vmem>>) dst(%dma_wait3A_57 : memref<51200x16xf32, #tpu.memory_space<vmem_shared>>)
      %dma_wait3A_58 = arith.constant 1 : i32
      %dma_wait3A_59 = arith.constant 0 : i32
      %dma_wait3A_60 = tpu.memref_slice %arg8[%dma_wait3A_58, %dma_wait3A_59] : memref<40x125xi32, #tpu.memory_space<vmem>> -> memref<1x125xi32, #tpu.memory_space<vmem>>
      %dma_wait3A_61 = tpu.memref_squeeze %dma_wait3A_60 : memref<1x125xi32, #tpu.memory_space<vmem>> -> memref<125xi32, #tpu.memory_space<vmem>>
      %dma_wait3A_62 = arith.constant 0 : i32
      %dma_wait3A_63 = arith.constant 0 : i32
      %dma_wait3A_64 = tpu.memref_slice %arg13[%dma_wait3A_62, %dma_wait3A_63] : memref<51200x16xf32, #tpu.memory_space<vmem_shared>> -> memref<51200x16xf32, #tpu.memory_space<vmem_shared>>
      tpu.wait_indirect_dma semaphore(%arg19 : memref<!tpu.dma_semaphore, #tpu.memory_space<semaphore_mem>>) src(%arg10 : memref<125x16xf32, #tpu.memory_space<vmem>>) dst(%dma_wait3A_64 : memref<51200x16xf32, #tpu.memory_space<vmem_shared>>)
      %dma_wait3A_65 = arith.constant 2 : i32
      %dma_wait3A_66 = arith.constant 0 : i32
      %dma_wait3A_67 = tpu.memref_slice %arg8[%dma_wait3A_65, %dma_wait3A_66] : memref<40x125xi32, #tpu.memory_space<vmem>> -> memref<1x125xi32, #tpu.memory_space<vmem>>
      %dma_wait3A_68 = tpu.memref_squeeze %dma_wait3A_67 : memref<1x125xi32, #tpu.memory_space<vmem>> -> memref<125xi32, #tpu.memory_space<vmem>>
      %dma_wait3A_69 = arith.constant 0 : i32
      %dma_wait3A_70 = arith.constant 0 : i32
      %dma_wait3A_71 = tpu.memref_slice %arg13[%dma_wait3A_69, %dma_wait3A_70] : memref<51200x16xf32, #tpu.memory_space<vmem_shared>> -> memref<51200x16xf32, #tpu.memory_space<vmem_shared>>
      tpu.wait_indirect_dma semaphore(%arg20 : memref<!tpu.dma_semaphore, #tpu.memory_space<semaphore_mem>>) src(%arg11 : memref<125x16xf32, #tpu.memory_space<vmem>>) dst(%dma_wait3A_71 : memref<51200x16xf32, #tpu.memory_space<vmem_shared>>)
      %dma_wait3A_72 = arith.constant 3 : i32
      %dma_wait3A_73 = arith.constant 0 : i32
      %dma_wait3A_74 = tpu.memref_slice %arg8[%dma_wait3A_72, %dma_wait3A_73] : memref<40x125xi32, #tpu.memory_space<vmem>> -> memref<1x125xi32, #tpu.memory_space<vmem>>
      %dma_wait3A_75 = tpu.memref_squeeze %dma_wait3A_74 : memref<1x125xi32, #tpu.memory_space<vmem>> -> memref<125xi32, #tpu.memory_space<vmem>>
      %dma_wait3A_76 = arith.constant 0 : i32
      %dma_wait3A_77 = arith.constant 0 : i32
      %dma_wait3A_78 = tpu.memref_slice %arg13[%dma_wait3A_76, %dma_wait3A_77] : memref<51200x16xf32, #tpu.memory_space<vmem_shared>> -> memref<51200x16xf32, #tpu.memory_space<vmem_shared>>
      tpu.wait_indirect_dma semaphore(%arg21 : memref<!tpu.dma_semaphore, #tpu.memory_space<semaphore_mem>>) src(%arg12 : memref<125x16xf32, #tpu.memory_space<vmem>>) dst(%dma_wait3A_78 : memref<51200x16xf32, #tpu.memory_space<vmem_shared>>)
    }
    %scan3A_9 = arith.constant 10 : i32
    %barrier3A_10 = arith.constant 0 : index
    tpu.barrier barrier_id(%barrier3A_10)
    %mul3A_11 = arith.constant 3200 : i32
    %mul3A_12 = arith.muli %arg1, %mul3A_11 : i32
    %mul3A_13 = arith.constant 3200 : i32
    %mul3A_14 = arith.muli %arg1, %mul3A_13 : i32
    "tpu.region"() ({
      %run_scoped3A = tpu.sem_alloc : memref<!tpu.dma_semaphore, #tpu.memory_space<semaphore_mem>>
      %dma_start3A = arith.constant 0 : i32
      %dma_start3A_15 = tpu.memref_slice %arg6[%arg0, %mul3A_14, %dma_start3A] : memref<2x51200x16xf32, #tpu.memory_space<hbm>> -> memref<1x3200x16xf32, #tpu.memory_space<hbm>>
      %dma_start3A_16 = tpu.memref_squeeze %dma_start3A_15 : memref<1x3200x16xf32, #tpu.memory_space<hbm>> -> memref<3200x16xf32, #tpu.memory_space<hbm>>
      %dma_start3A_17 = arith.constant 0 : i32
      %dma_start3A_18 = tpu.memref_slice %arg13[%mul3A_12, %dma_start3A_17] : memref<51200x16xf32, #tpu.memory_space<vmem_shared>> -> memref<3200x16xf32, #tpu.memory_space<vmem_shared>>
      tpu.enqueue_dma source(%dma_start3A_18 : memref<3200x16xf32, #tpu.memory_space<vmem_shared>>) target(%dma_start3A_16 : memref<3200x16xf32, #tpu.memory_space<hbm>>) target_semaphore(%run_scoped3A : memref<!tpu.dma_semaphore, #tpu.memory_space<semaphore_mem>>)
      %dma_wait3A = arith.constant 0 : i32
      %dma_wait3A_19 = tpu.memref_slice %arg6[%arg0, %mul3A_14, %dma_wait3A] : memref<2x51200x16xf32, #tpu.memory_space<hbm>> -> memref<1x3200x16xf32, #tpu.memory_space<hbm>>
      %dma_wait3A_20 = tpu.memref_squeeze %dma_wait3A_19 : memref<1x3200x16xf32, #tpu.memory_space<hbm>> -> memref<3200x16xf32, #tpu.memory_space<hbm>>
      %dma_wait3A_21 = arith.constant 0 : i32
      %dma_wait3A_22 = tpu.memref_slice %arg13[%mul3A_12, %dma_wait3A_21] : memref<51200x16xf32, #tpu.memory_space<vmem_shared>> -> memref<3200x16xf32, #tpu.memory_space<vmem_shared>>
      tpu.wait_dma2 semaphore(%run_scoped3A : memref<!tpu.dma_semaphore, #tpu.memory_space<semaphore_mem>>) src(%dma_wait3A_22 : memref<3200x16xf32, #tpu.memory_space<vmem_shared>>) dst(%dma_wait3A_20 : memref<3200x16xf32, #tpu.memory_space<hbm>>)
      tpu.yield
    }) : () -> ()
    return
  }
}

#map = affine_map<(d0, d1) -> (0, 0)>
#map1 = affine_map<(d0, d1) -> (0, 0, 0)>
module attributes {stable_mosaic.version = 14 : i64} {
  func.func @_sc_agg_body(%arg0: i32, %arg1: i32, %arg2: memref<51200x16xf32, #tpu.memory_space<hbm>>, %arg3: memref<12800x125xi32, #tpu.memory_space<hbm>>, %arg4: memref<12800x125xi32, #tpu.memory_space<hbm>>, %arg5: memref<3200x16xf32, #tpu.memory_space<hbm>>, %arg6: memref<2x51200x16xf32, #tpu.memory_space<hbm>>, %arg7: memref<40x125xi32, #tpu.memory_space<vmem>>, %arg8: memref<40x125xi32, #tpu.memory_space<vmem>>, %arg9: memref<125x16xf32, #tpu.memory_space<vmem>>, %arg10: memref<125x16xf32, #tpu.memory_space<vmem>>, %arg11: memref<125x16xf32, #tpu.memory_space<vmem>>, %arg12: memref<125x16xf32, #tpu.memory_space<vmem>>, %arg13: memref<51200x16xf32, #tpu.memory_space<vmem_shared>>, %arg14: memref<!tpu.dma_semaphore, #tpu.memory_space<semaphore_mem>>, %arg15: memref<!tpu.dma_semaphore, #tpu.memory_space<semaphore_mem>>, %arg16: memref<!tpu.dma_semaphore, #tpu.memory_space<semaphore_mem>>, %arg17: memref<!tpu.dma_semaphore, #tpu.memory_space<semaphore_mem>>, %arg18: memref<!tpu.dma_semaphore, #tpu.memory_space<semaphore_mem>>, %arg19: memref<!tpu.dma_semaphore, #tpu.memory_space<semaphore_mem>>, %arg20: memref<!tpu.dma_semaphore, #tpu.memory_space<semaphore_mem>>, %arg21: memref<!tpu.dma_semaphore, #tpu.memory_space<semaphore_mem>>) attributes {dimension_semantics = [#tpu.dimension_semantics<core_parallel>, #tpu.dimension_semantics<subcore_parallel>], iteration_bounds = array<i64: 2, 16>, scalar_prefetch = 0 : i64, scratch_operands = 15 : i64, tpu.core_type = #tpu.core_type<sc_vector_subcore>, window_params = [{transform_indices = #map}, {transform_indices = #map}, {transform_indices = #map}, {transform_indices = #map}, {transform_indices = #map1}]} {
    %mul3A = arith.constant 16 : i32
    %mul3A_0 = arith.muli %arg0, %mul3A : i32
    %add3A = arith.addi %mul3A_0, %arg1 : i32
    %mul3A_1 = arith.constant 3200 : i32
    %mul3A_2 = arith.muli %arg1, %mul3A_1 : i32
    "tpu.region"() ({
      %run_scoped3A = tpu.sem_alloc : memref<!tpu.dma_semaphore, #tpu.memory_space<semaphore_mem>>
      %dma_start3A = arith.constant 0 : i32
      %dma_start3A_15 = tpu.memref_slice %arg13[%mul3A_2, %dma_start3A] : memref<51200x16xf32, #tpu.memory_space<vmem_shared>> -> memref<3200x16xf32, #tpu.memory_space<vmem_shared>>
      tpu.enqueue_dma source(%arg5 : memref<3200x16xf32, #tpu.memory_space<hbm>>) target(%dma_start3A_15 : memref<3200x16xf32, #tpu.memory_space<vmem_shared>>) target_semaphore(%run_scoped3A : memref<!tpu.dma_semaphore, #tpu.memory_space<semaphore_mem>>)
      %dma_wait3A = arith.constant 0 : i32
      %dma_wait3A_16 = tpu.memref_slice %arg13[%mul3A_2, %dma_wait3A] : memref<51200x16xf32, #tpu.memory_space<vmem_shared>> -> memref<3200x16xf32, #tpu.memory_space<vmem_shared>>
      tpu.wait_dma2 semaphore(%run_scoped3A : memref<!tpu.dma_semaphore, #tpu.memory_space<semaphore_mem>>) src(%arg5 : memref<3200x16xf32, #tpu.memory_space<hbm>>) dst(%dma_wait3A_16 : memref<3200x16xf32, #tpu.memory_space<vmem_shared>>)
      tpu.yield
    }) : () -> ()
    %barrier3A = arith.constant 0 : index
    tpu.barrier barrier_id(%barrier3A)
    %mul3A_3 = arith.constant 400 : i32
    %mul3A_4 = arith.muli %add3A, %mul3A_3 : i32
    %scan3A = arith.constant 0 : i32
    %scan3A_5 = arith.constant 0 : i32
    %scan3A_6 = arith.constant 10 : i32
    %scan3A_7 = arith.addi %scan3A_5, %scan3A_6 : i32
    %scan3A_8 = arith.constant 1 : i32
    scf.for %scan3A_15 = %scan3A_5 to %scan3A_7 step %scan3A_8  : i32 {
      %mul3A_16 = arith.constant 40 : i32
      %mul3A_17 = arith.muli %scan3A_15, %mul3A_16 : i32
      %add3A_18 = arith.addi %mul3A_4, %mul3A_17 : i32
      "tpu.region"() ({
        %run_scoped3A = tpu.sem_alloc : memref<!tpu.dma_semaphore, #tpu.memory_space<semaphore_mem>>
        %dma_start3A_79 = arith.constant 0 : i32
        %dma_start3A_80 = tpu.memref_slice %arg3[%add3A_18, %dma_start3A_79] : memref<12800x125xi32, #tpu.memory_space<hbm>> -> memref<40x125xi32, #tpu.memory_space<hbm>>
        %dma_start3A_81 = arith.constant 0 : i32
        %dma_start3A_82 = tpu.memref_slice %arg3[%add3A_18, %dma_start3A_81] : memref<12800x125xi32, #tpu.memory_space<hbm>> -> memref<40x125xi32, #tpu.memory_space<hbm>>
        tpu.enqueue_dma source(%dma_start3A_82 : memref<40x125xi32, #tpu.memory_space<hbm>>) target(%arg7 : memref<40x125xi32, #tpu.memory_space<vmem>>) target_semaphore(%run_scoped3A : memref<!tpu.dma_semaphore, #tpu.memory_space<semaphore_mem>>)
        %dma_wait3A_83 = arith.constant 0 : i32
        %dma_wait3A_84 = tpu.memref_slice %arg3[%add3A_18, %dma_wait3A_83] : memref<12800x125xi32, #tpu.memory_space<hbm>> -> memref<40x125xi32, #tpu.memory_space<hbm>>
        %dma_wait3A_85 = arith.constant 0 : i32
        %dma_wait3A_86 = tpu.memref_slice %arg3[%add3A_18, %dma_wait3A_85] : memref<12800x125xi32, #tpu.memory_space<hbm>> -> memref<40x125xi32, #tpu.memory_space<hbm>>
        tpu.wait_dma2 semaphore(%run_scoped3A : memref<!tpu.dma_semaphore, #tpu.memory_space<semaphore_mem>>) src(%dma_wait3A_86 : memref<40x125xi32, #tpu.memory_space<hbm>>) dst(%arg7 : memref<40x125xi32, #tpu.memory_space<vmem>>)
        tpu.yield
      }) : () -> ()
      "tpu.region"() ({
        %run_scoped3A = tpu.sem_alloc : memref<!tpu.dma_semaphore, #tpu.memory_space<semaphore_mem>>
        %dma_start3A_79 = arith.constant 0 : i32
        %dma_start3A_80 = tpu.memref_slice %arg4[%add3A_18, %dma_start3A_79] : memref<12800x125xi32, #tpu.memory_space<hbm>> -> memref<40x125xi32, #tpu.memory_space<hbm>>
        %dma_start3A_81 = arith.constant 0 : i32
        %dma_start3A_82 = tpu.memref_slice %arg4[%add3A_18, %dma_start3A_81] : memref<12800x125xi32, #tpu.memory_space<hbm>> -> memref<40x125xi32, #tpu.memory_space<hbm>>
        tpu.enqueue_dma source(%dma_start3A_82 : memref<40x125xi32, #tpu.memory_space<hbm>>) target(%arg8 : memref<40x125xi32, #tpu.memory_space<vmem>>) target_semaphore(%run_scoped3A : memref<!tpu.dma_semaphore, #tpu.memory_space<semaphore_mem>>)
        %dma_wait3A_83 = arith.constant 0 : i32
        %dma_wait3A_84 = tpu.memref_slice %arg4[%add3A_18, %dma_wait3A_83] : memref<12800x125xi32, #tpu.memory_space<hbm>> -> memref<40x125xi32, #tpu.memory_space<hbm>>
        %dma_wait3A_85 = arith.constant 0 : i32
        %dma_wait3A_86 = tpu.memref_slice %arg4[%add3A_18, %dma_wait3A_85] : memref<12800x125xi32, #tpu.memory_space<hbm>> -> memref<40x125xi32, #tpu.memory_space<hbm>>
        tpu.wait_dma2 semaphore(%run_scoped3A : memref<!tpu.dma_semaphore, #tpu.memory_space<semaphore_mem>>) src(%dma_wait3A_86 : memref<40x125xi32, #tpu.memory_space<hbm>>) dst(%arg8 : memref<40x125xi32, #tpu.memory_space<vmem>>)
        tpu.yield
      }) : () -> ()
      %dma_start3A = arith.constant 0 : i32
      %dma_start3A_19 = arith.constant 0 : i32
      %dma_start3A_20 = tpu.memref_slice %arg7[%dma_start3A, %dma_start3A_19] : memref<40x125xi32, #tpu.memory_space<vmem>> -> memref<1x125xi32, #tpu.memory_space<vmem>>
      %dma_start3A_21 = tpu.memref_squeeze %dma_start3A_20 : memref<1x125xi32, #tpu.memory_space<vmem>> -> memref<125xi32, #tpu.memory_space<vmem>>
      %dma_start3A_22 = arith.constant 0 : i32
      %dma_start3A_23 = arith.constant 0 : i32
      %dma_start3A_24 = tpu.memref_slice %arg2[%dma_start3A_22, %dma_start3A_23] : memref<51200x16xf32, #tpu.memory_space<hbm>> -> memref<51200x16xf32, #tpu.memory_space<hbm>>
      tpu.enqueue_indirect_dma source(%dma_start3A_24 : memref<51200x16xf32, #tpu.memory_space<hbm>>) target(%arg9 : memref<125x16xf32, #tpu.memory_space<vmem>>) offsets(%dma_start3A_21 : memref<125xi32, #tpu.memory_space<vmem>>) semaphore(%arg14 : memref<!tpu.dma_semaphore, #tpu.memory_space<semaphore_mem>>)
      %dma_start3A_25 = arith.constant 1 : i32
      %dma_start3A_26 = arith.constant 0 : i32
      %dma_start3A_27 = tpu.memref_slice %arg7[%dma_start3A_25, %dma_start3A_26] : memref<40x125xi32, #tpu.memory_space<vmem>> -> memref<1x125xi32, #tpu.memory_space<vmem>>
      %dma_start3A_28 = tpu.memref_squeeze %dma_start3A_27 : memref<1x125xi32, #tpu.memory_space<vmem>> -> memref<125xi32, #tpu.memory_space<vmem>>
      %dma_start3A_29 = arith.constant 0 : i32
      %dma_start3A_30 = arith.constant 0 : i32
      %dma_start3A_31 = tpu.memref_slice %arg2[%dma_start3A_29, %dma_start3A_30] : memref<51200x16xf32, #tpu.memory_space<hbm>> -> memref<51200x16xf32, #tpu.memory_space<hbm>>
      tpu.enqueue_indirect_dma source(%dma_start3A_31 : memref<51200x16xf32, #tpu.memory_space<hbm>>) target(%arg10 : memref<125x16xf32, #tpu.memory_space<vmem>>) offsets(%dma_start3A_28 : memref<125xi32, #tpu.memory_space<vmem>>) semaphore(%arg15 : memref<!tpu.dma_semaphore, #tpu.memory_space<semaphore_mem>>)
      %dma_start3A_32 = arith.constant 2 : i32
      %dma_start3A_33 = arith.constant 0 : i32
      %dma_start3A_34 = tpu.memref_slice %arg7[%dma_start3A_32, %dma_start3A_33] : memref<40x125xi32, #tpu.memory_space<vmem>> -> memref<1x125xi32, #tpu.memory_space<vmem>>
      %dma_start3A_35 = tpu.memref_squeeze %dma_start3A_34 : memref<1x125xi32, #tpu.memory_space<vmem>> -> memref<125xi32, #tpu.memory_space<vmem>>
      %dma_start3A_36 = arith.constant 0 : i32
      %dma_start3A_37 = arith.constant 0 : i32
      %dma_start3A_38 = tpu.memref_slice %arg2[%dma_start3A_36, %dma_start3A_37] : memref<51200x16xf32, #tpu.memory_space<hbm>> -> memref<51200x16xf32, #tpu.memory_space<hbm>>
      tpu.enqueue_indirect_dma source(%dma_start3A_38 : memref<51200x16xf32, #tpu.memory_space<hbm>>) target(%arg11 : memref<125x16xf32, #tpu.memory_space<vmem>>) offsets(%dma_start3A_35 : memref<125xi32, #tpu.memory_space<vmem>>) semaphore(%arg16 : memref<!tpu.dma_semaphore, #tpu.memory_space<semaphore_mem>>)
      %dma_start3A_39 = arith.constant 3 : i32
      %dma_start3A_40 = arith.constant 0 : i32
      %dma_start3A_41 = tpu.memref_slice %arg7[%dma_start3A_39, %dma_start3A_40] : memref<40x125xi32, #tpu.memory_space<vmem>> -> memref<1x125xi32, #tpu.memory_space<vmem>>
      %dma_start3A_42 = tpu.memref_squeeze %dma_start3A_41 : memref<1x125xi32, #tpu.memory_space<vmem>> -> memref<125xi32, #tpu.memory_space<vmem>>
      %dma_start3A_43 = arith.constant 0 : i32
      %dma_start3A_44 = arith.constant 0 : i32
      %dma_start3A_45 = tpu.memref_slice %arg2[%dma_start3A_43, %dma_start3A_44] : memref<51200x16xf32, #tpu.memory_space<hbm>> -> memref<51200x16xf32, #tpu.memory_space<hbm>>
      tpu.enqueue_indirect_dma source(%dma_start3A_45 : memref<51200x16xf32, #tpu.memory_space<hbm>>) target(%arg12 : memref<125x16xf32, #tpu.memory_space<vmem>>) offsets(%dma_start3A_42 : memref<125xi32, #tpu.memory_space<vmem>>) semaphore(%arg17 : memref<!tpu.dma_semaphore, #tpu.memory_space<semaphore_mem>>)
      %scan3A_46 = arith.constant 0 : i32
      %scan3A_47 = arith.constant 0 : i32
      %scan3A_48 = arith.constant 10 : i32
      %scan3A_49 = arith.addi %scan3A_47, %scan3A_48 : i32
      %scan3A_50 = arith.constant 1 : i32
      scf.for %scan3A_79 = %scan3A_47 to %scan3A_49 step %scan3A_50  : i32 {
        %mul3A_80 = arith.constant 4 : i32
        %mul3A_81 = arith.muli %mul3A_80, %scan3A_79 : i32
        %add3A_82 = arith.constant 0 : i32
        %add3A_83 = arith.addi %mul3A_81, %add3A_82 : i32
        %dma_wait3A_84 = arith.constant 0 : i32
        %dma_wait3A_85 = tpu.memref_slice %arg7[%add3A_83, %dma_wait3A_84] : memref<40x125xi32, #tpu.memory_space<vmem>> -> memref<1x125xi32, #tpu.memory_space<vmem>>
        %dma_wait3A_86 = tpu.memref_squeeze %dma_wait3A_85 : memref<1x125xi32, #tpu.memory_space<vmem>> -> memref<125xi32, #tpu.memory_space<vmem>>
        %dma_wait3A_87 = arith.constant 0 : i32
        %dma_wait3A_88 = arith.constant 0 : i32
        %dma_wait3A_89 = tpu.memref_slice %arg2[%dma_wait3A_87, %dma_wait3A_88] : memref<51200x16xf32, #tpu.memory_space<hbm>> -> memref<51200x16xf32, #tpu.memory_space<hbm>>
        tpu.wait_indirect_dma semaphore(%arg14 : memref<!tpu.dma_semaphore, #tpu.memory_space<semaphore_mem>>) src(%dma_wait3A_89 : memref<51200x16xf32, #tpu.memory_space<hbm>>) dst(%arg9 : memref<125x16xf32, #tpu.memory_space<vmem>>)
        %add3A_90 = arith.constant 0 : i32
        %add3A_91 = arith.addi %mul3A_81, %add3A_90 : i32
        %dma_start3A_92 = arith.constant 0 : i32
        %dma_start3A_93 = tpu.memref_slice %arg8[%add3A_91, %dma_start3A_92] : memref<40x125xi32, #tpu.memory_space<vmem>> -> memref<1x125xi32, #tpu.memory_space<vmem>>
        %dma_start3A_94 = tpu.memref_squeeze %dma_start3A_93 : memref<1x125xi32, #tpu.memory_space<vmem>> -> memref<125xi32, #tpu.memory_space<vmem>>
        %dma_start3A_95 = arith.constant 0 : i32
        %dma_start3A_96 = arith.constant 0 : i32
        %dma_start3A_97 = tpu.memref_slice %arg13[%dma_start3A_95, %dma_start3A_96] : memref<51200x16xf32, #tpu.memory_space<vmem_shared>> -> memref<51200x16xf32, #tpu.memory_space<vmem_shared>>
        tpu.enqueue_indirect_dma source(%arg9 : memref<125x16xf32, #tpu.memory_space<vmem>>) target(%dma_start3A_97 : memref<51200x16xf32, #tpu.memory_space<vmem_shared>>) offsets(%dma_start3A_94 : memref<125xi32, #tpu.memory_space<vmem>>) semaphore(%arg18 : memref<!tpu.dma_semaphore, #tpu.memory_space<semaphore_mem>>) {add = true}
        %add3A_98 = arith.constant 1 : i32
        %add3A_99 = arith.addi %mul3A_81, %add3A_98 : i32
        %dma_wait3A_100 = arith.constant 0 : i32
        %dma_wait3A_101 = tpu.memref_slice %arg7[%add3A_99, %dma_wait3A_100] : memref<40x125xi32, #tpu.memory_space<vmem>> -> memref<1x125xi32, #tpu.memory_space<vmem>>
        %dma_wait3A_102 = tpu.memref_squeeze %dma_wait3A_101 : memref<1x125xi32, #tpu.memory_space<vmem>> -> memref<125xi32, #tpu.memory_space<vmem>>
        %dma_wait3A_103 = arith.constant 0 : i32
        %dma_wait3A_104 = arith.constant 0 : i32
        %dma_wait3A_105 = tpu.memref_slice %arg2[%dma_wait3A_103, %dma_wait3A_104] : memref<51200x16xf32, #tpu.memory_space<hbm>> -> memref<51200x16xf32, #tpu.memory_space<hbm>>
        tpu.wait_indirect_dma semaphore(%arg15 : memref<!tpu.dma_semaphore, #tpu.memory_space<semaphore_mem>>) src(%dma_wait3A_105 : memref<51200x16xf32, #tpu.memory_space<hbm>>) dst(%arg10 : memref<125x16xf32, #tpu.memory_space<vmem>>)
        %add3A_106 = arith.constant 1 : i32
        %add3A_107 = arith.addi %mul3A_81, %add3A_106 : i32
        %dma_start3A_108 = arith.constant 0 : i32
        %dma_start3A_109 = tpu.memref_slice %arg8[%add3A_107, %dma_start3A_108] : memref<40x125xi32, #tpu.memory_space<vmem>> -> memref<1x125xi32, #tpu.memory_space<vmem>>
        %dma_start3A_110 = tpu.memref_squeeze %dma_start3A_109 : memref<1x125xi32, #tpu.memory_space<vmem>> -> memref<125xi32, #tpu.memory_space<vmem>>
        %dma_start3A_111 = arith.constant 0 : i32
        %dma_start3A_112 = arith.constant 0 : i32
        %dma_start3A_113 = tpu.memref_slice %arg13[%dma_start3A_111, %dma_start3A_112] : memref<51200x16xf32, #tpu.memory_space<vmem_shared>> -> memref<51200x16xf32, #tpu.memory_space<vmem_shared>>
        tpu.enqueue_indirect_dma source(%arg10 : memref<125x16xf32, #tpu.memory_space<vmem>>) target(%dma_start3A_113 : memref<51200x16xf32, #tpu.memory_space<vmem_shared>>) offsets(%dma_start3A_110 : memref<125xi32, #tpu.memory_space<vmem>>) semaphore(%arg19 : memref<!tpu.dma_semaphore, #tpu.memory_space<semaphore_mem>>) {add = true}
        %add3A_114 = arith.constant 2 : i32
        %add3A_115 = arith.addi %mul3A_81, %add3A_114 : i32
        %dma_wait3A_116 = arith.constant 0 : i32
        %dma_wait3A_117 = tpu.memref_slice %arg7[%add3A_115, %dma_wait3A_116] : memref<40x125xi32, #tpu.memory_space<vmem>> -> memref<1x125xi32, #tpu.memory_space<vmem>>
        %dma_wait3A_118 = tpu.memref_squeeze %dma_wait3A_117 : memref<1x125xi32, #tpu.memory_space<vmem>> -> memref<125xi32, #tpu.memory_space<vmem>>
        %dma_wait3A_119 = arith.constant 0 : i32
        %dma_wait3A_120 = arith.constant 0 : i32
        %dma_wait3A_121 = tpu.memref_slice %arg2[%dma_wait3A_119, %dma_wait3A_120] : memref<51200x16xf32, #tpu.memory_space<hbm>> -> memref<51200x16xf32, #tpu.memory_space<hbm>>
        tpu.wait_indirect_dma semaphore(%arg16 : memref<!tpu.dma_semaphore, #tpu.memory_space<semaphore_mem>>) src(%dma_wait3A_121 : memref<51200x16xf32, #tpu.memory_space<hbm>>) dst(%arg11 : memref<125x16xf32, #tpu.memory_space<vmem>>)
        %add3A_122 = arith.constant 2 : i32
        %add3A_123 = arith.addi %mul3A_81, %add3A_122 : i32
        %dma_start3A_124 = arith.constant 0 : i32
        %dma_start3A_125 = tpu.memref_slice %arg8[%add3A_123, %dma_start3A_124] : memref<40x125xi32, #tpu.memory_space<vmem>> -> memref<1x125xi32, #tpu.memory_space<vmem>>
        %dma_start3A_126 = tpu.memref_squeeze %dma_start3A_125 : memref<1x125xi32, #tpu.memory_space<vmem>> -> memref<125xi32, #tpu.memory_space<vmem>>
        %dma_start3A_127 = arith.constant 0 : i32
        %dma_start3A_128 = arith.constant 0 : i32
        %dma_start3A_129 = tpu.memref_slice %arg13[%dma_start3A_127, %dma_start3A_128] : memref<51200x16xf32, #tpu.memory_space<vmem_shared>> -> memref<51200x16xf32, #tpu.memory_space<vmem_shared>>
        tpu.enqueue_indirect_dma source(%arg11 : memref<125x16xf32, #tpu.memory_space<vmem>>) target(%dma_start3A_129 : memref<51200x16xf32, #tpu.memory_space<vmem_shared>>) offsets(%dma_start3A_126 : memref<125xi32, #tpu.memory_space<vmem>>) semaphore(%arg20 : memref<!tpu.dma_semaphore, #tpu.memory_space<semaphore_mem>>) {add = true}
        %add3A_130 = arith.constant 3 : i32
        %add3A_131 = arith.addi %mul3A_81, %add3A_130 : i32
        %dma_wait3A_132 = arith.constant 0 : i32
        %dma_wait3A_133 = tpu.memref_slice %arg7[%add3A_131, %dma_wait3A_132] : memref<40x125xi32, #tpu.memory_space<vmem>> -> memref<1x125xi32, #tpu.memory_space<vmem>>
        %dma_wait3A_134 = tpu.memref_squeeze %dma_wait3A_133 : memref<1x125xi32, #tpu.memory_space<vmem>> -> memref<125xi32, #tpu.memory_space<vmem>>
        %dma_wait3A_135 = arith.constant 0 : i32
        %dma_wait3A_136 = arith.constant 0 : i32
        %dma_wait3A_137 = tpu.memref_slice %arg2[%dma_wait3A_135, %dma_wait3A_136] : memref<51200x16xf32, #tpu.memory_space<hbm>> -> memref<51200x16xf32, #tpu.memory_space<hbm>>
        tpu.wait_indirect_dma semaphore(%arg17 : memref<!tpu.dma_semaphore, #tpu.memory_space<semaphore_mem>>) src(%dma_wait3A_137 : memref<51200x16xf32, #tpu.memory_space<hbm>>) dst(%arg12 : memref<125x16xf32, #tpu.memory_space<vmem>>)
        %add3A_138 = arith.constant 3 : i32
        %add3A_139 = arith.addi %mul3A_81, %add3A_138 : i32
        %dma_start3A_140 = arith.constant 0 : i32
        %dma_start3A_141 = tpu.memref_slice %arg8[%add3A_139, %dma_start3A_140] : memref<40x125xi32, #tpu.memory_space<vmem>> -> memref<1x125xi32, #tpu.memory_space<vmem>>
        %dma_start3A_142 = tpu.memref_squeeze %dma_start3A_141 : memref<1x125xi32, #tpu.memory_space<vmem>> -> memref<125xi32, #tpu.memory_space<vmem>>
        %dma_start3A_143 = arith.constant 0 : i32
        %dma_start3A_144 = arith.constant 0 : i32
        %dma_start3A_145 = tpu.memref_slice %arg13[%dma_start3A_143, %dma_start3A_144] : memref<51200x16xf32, #tpu.memory_space<vmem_shared>> -> memref<51200x16xf32, #tpu.memory_space<vmem_shared>>
        tpu.enqueue_indirect_dma source(%arg12 : memref<125x16xf32, #tpu.memory_space<vmem>>) target(%dma_start3A_145 : memref<51200x16xf32, #tpu.memory_space<vmem_shared>>) offsets(%dma_start3A_142 : memref<125xi32, #tpu.memory_space<vmem>>) semaphore(%arg21 : memref<!tpu.dma_semaphore, #tpu.memory_space<semaphore_mem>>) {add = true}
        %add3A_146 = arith.constant 4 : i32
        %add3A_147 = arith.addi %mul3A_81, %add3A_146 : i32
        %add3A_148 = arith.constant 0 : i32
        %add3A_149 = arith.addi %add3A_147, %add3A_148 : i32
        %lt3A = arith.constant 40 : i32
        %lt3A_150 = arith.cmpi slt, %add3A_149, %lt3A : i32
        %convert_element_type3A = arith.extui %lt3A_150 : i1 to i32
        %cond3A = arith.constant 0 : i32
        %cond3A_151 = arith.cmpi ne, %convert_element_type3A, %cond3A : i32
        scf.if %cond3A_151 {
          %add3A_179 = arith.constant 0 : i32
          %add3A_180 = arith.addi %mul3A_81, %add3A_179 : i32
          %dma_wait3A_181 = arith.constant 0 : i32
          %dma_wait3A_182 = tpu.memref_slice %arg8[%add3A_180, %dma_wait3A_181] : memref<40x125xi32, #tpu.memory_space<vmem>> -> memref<1x125xi32, #tpu.memory_space<vmem>>
          %dma_wait3A_183 = tpu.memref_squeeze %dma_wait3A_182 : memref<1x125xi32, #tpu.memory_space<vmem>> -> memref<125xi32, #tpu.memory_space<vmem>>
          %dma_wait3A_184 = arith.constant 0 : i32
          %dma_wait3A_185 = arith.constant 0 : i32
          %dma_wait3A_186 = tpu.memref_slice %arg13[%dma_wait3A_184, %dma_wait3A_185] : memref<51200x16xf32, #tpu.memory_space<vmem_shared>> -> memref<51200x16xf32, #tpu.memory_space<vmem_shared>>
          tpu.wait_indirect_dma semaphore(%arg18 : memref<!tpu.dma_semaphore, #tpu.memory_space<semaphore_mem>>) src(%arg9 : memref<125x16xf32, #tpu.memory_space<vmem>>) dst(%dma_wait3A_186 : memref<51200x16xf32, #tpu.memory_space<vmem_shared>>)
          %dma_start3A_187 = arith.constant 0 : i32
          %dma_start3A_188 = tpu.memref_slice %arg7[%add3A_149, %dma_start3A_187] : memref<40x125xi32, #tpu.memory_space<vmem>> -> memref<1x125xi32, #tpu.memory_space<vmem>>
          %dma_start3A_189 = tpu.memref_squeeze %dma_start3A_188 : memref<1x125xi32, #tpu.memory_space<vmem>> -> memref<125xi32, #tpu.memory_space<vmem>>
          %dma_start3A_190 = arith.constant 0 : i32
          %dma_start3A_191 = arith.constant 0 : i32
          %dma_start3A_192 = tpu.memref_slice %arg2[%dma_start3A_190, %dma_start3A_191] : memref<51200x16xf32, #tpu.memory_space<hbm>> -> memref<51200x16xf32, #tpu.memory_space<hbm>>
          tpu.enqueue_indirect_dma source(%dma_start3A_192 : memref<51200x16xf32, #tpu.memory_space<hbm>>) target(%arg9 : memref<125x16xf32, #tpu.memory_space<vmem>>) offsets(%dma_start3A_189 : memref<125xi32, #tpu.memory_space<vmem>>) semaphore(%arg14 : memref<!tpu.dma_semaphore, #tpu.memory_space<semaphore_mem>>)
        } else {
        }
        %add3A_152 = arith.constant 4 : i32
        %add3A_153 = arith.addi %mul3A_81, %add3A_152 : i32
        %add3A_154 = arith.constant 1 : i32
        %add3A_155 = arith.addi %add3A_153, %add3A_154 : i32
        %lt3A_156 = arith.constant 40 : i32
        %lt3A_157 = arith.cmpi slt, %add3A_155, %lt3A_156 : i32
        %convert_element_type3A_158 = arith.extui %lt3A_157 : i1 to i32
        %cond3A_159 = arith.constant 0 : i32
        %cond3A_160 = arith.cmpi ne, %convert_element_type3A_158, %cond3A_159 : i32
        scf.if %cond3A_160 {
          %add3A_179 = arith.constant 1 : i32
          %add3A_180 = arith.addi %mul3A_81, %add3A_179 : i32
          %dma_wait3A_181 = arith.constant 0 : i32
          %dma_wait3A_182 = tpu.memref_slice %arg8[%add3A_180, %dma_wait3A_181] : memref<40x125xi32, #tpu.memory_space<vmem>> -> memref<1x125xi32, #tpu.memory_space<vmem>>
          %dma_wait3A_183 = tpu.memref_squeeze %dma_wait3A_182 : memref<1x125xi32, #tpu.memory_space<vmem>> -> memref<125xi32, #tpu.memory_space<vmem>>
          %dma_wait3A_184 = arith.constant 0 : i32
          %dma_wait3A_185 = arith.constant 0 : i32
          %dma_wait3A_186 = tpu.memref_slice %arg13[%dma_wait3A_184, %dma_wait3A_185] : memref<51200x16xf32, #tpu.memory_space<vmem_shared>> -> memref<51200x16xf32, #tpu.memory_space<vmem_shared>>
          tpu.wait_indirect_dma semaphore(%arg19 : memref<!tpu.dma_semaphore, #tpu.memory_space<semaphore_mem>>) src(%arg10 : memref<125x16xf32, #tpu.memory_space<vmem>>) dst(%dma_wait3A_186 : memref<51200x16xf32, #tpu.memory_space<vmem_shared>>)
          %dma_start3A_187 = arith.constant 0 : i32
          %dma_start3A_188 = tpu.memref_slice %arg7[%add3A_155, %dma_start3A_187] : memref<40x125xi32, #tpu.memory_space<vmem>> -> memref<1x125xi32, #tpu.memory_space<vmem>>
          %dma_start3A_189 = tpu.memref_squeeze %dma_start3A_188 : memref<1x125xi32, #tpu.memory_space<vmem>> -> memref<125xi32, #tpu.memory_space<vmem>>
          %dma_start3A_190 = arith.constant 0 : i32
          %dma_start3A_191 = arith.constant 0 : i32
          %dma_start3A_192 = tpu.memref_slice %arg2[%dma_start3A_190, %dma_start3A_191] : memref<51200x16xf32, #tpu.memory_space<hbm>> -> memref<51200x16xf32, #tpu.memory_space<hbm>>
          tpu.enqueue_indirect_dma source(%dma_start3A_192 : memref<51200x16xf32, #tpu.memory_space<hbm>>) target(%arg10 : memref<125x16xf32, #tpu.memory_space<vmem>>) offsets(%dma_start3A_189 : memref<125xi32, #tpu.memory_space<vmem>>) semaphore(%arg15 : memref<!tpu.dma_semaphore, #tpu.memory_space<semaphore_mem>>)
        } else {
        }
        %add3A_161 = arith.constant 4 : i32
        %add3A_162 = arith.addi %mul3A_81, %add3A_161 : i32
        %add3A_163 = arith.constant 2 : i32
        %add3A_164 = arith.addi %add3A_162, %add3A_163 : i32
        %lt3A_165 = arith.constant 40 : i32
        %lt3A_166 = arith.cmpi slt, %add3A_164, %lt3A_165 : i32
        %convert_element_type3A_167 = arith.extui %lt3A_166 : i1 to i32
        %cond3A_168 = arith.constant 0 : i32
        %cond3A_169 = arith.cmpi ne, %convert_element_type3A_167, %cond3A_168 : i32
        scf.if %cond3A_169 {
          %add3A_179 = arith.constant 2 : i32
          %add3A_180 = arith.addi %mul3A_81, %add3A_179 : i32
          %dma_wait3A_181 = arith.constant 0 : i32
          %dma_wait3A_182 = tpu.memref_slice %arg8[%add3A_180, %dma_wait3A_181] : memref<40x125xi32, #tpu.memory_space<vmem>> -> memref<1x125xi32, #tpu.memory_space<vmem>>
          %dma_wait3A_183 = tpu.memref_squeeze %dma_wait3A_182 : memref<1x125xi32, #tpu.memory_space<vmem>> -> memref<125xi32, #tpu.memory_space<vmem>>
          %dma_wait3A_184 = arith.constant 0 : i32
          %dma_wait3A_185 = arith.constant 0 : i32
          %dma_wait3A_186 = tpu.memref_slice %arg13[%dma_wait3A_184, %dma_wait3A_185] : memref<51200x16xf32, #tpu.memory_space<vmem_shared>> -> memref<51200x16xf32, #tpu.memory_space<vmem_shared>>
          tpu.wait_indirect_dma semaphore(%arg20 : memref<!tpu.dma_semaphore, #tpu.memory_space<semaphore_mem>>) src(%arg11 : memref<125x16xf32, #tpu.memory_space<vmem>>) dst(%dma_wait3A_186 : memref<51200x16xf32, #tpu.memory_space<vmem_shared>>)
          %dma_start3A_187 = arith.constant 0 : i32
          %dma_start3A_188 = tpu.memref_slice %arg7[%add3A_164, %dma_start3A_187] : memref<40x125xi32, #tpu.memory_space<vmem>> -> memref<1x125xi32, #tpu.memory_space<vmem>>
          %dma_start3A_189 = tpu.memref_squeeze %dma_start3A_188 : memref<1x125xi32, #tpu.memory_space<vmem>> -> memref<125xi32, #tpu.memory_space<vmem>>
          %dma_start3A_190 = arith.constant 0 : i32
          %dma_start3A_191 = arith.constant 0 : i32
          %dma_start3A_192 = tpu.memref_slice %arg2[%dma_start3A_190, %dma_start3A_191] : memref<51200x16xf32, #tpu.memory_space<hbm>> -> memref<51200x16xf32, #tpu.memory_space<hbm>>
          tpu.enqueue_indirect_dma source(%dma_start3A_192 : memref<51200x16xf32, #tpu.memory_space<hbm>>) target(%arg11 : memref<125x16xf32, #tpu.memory_space<vmem>>) offsets(%dma_start3A_189 : memref<125xi32, #tpu.memory_space<vmem>>) semaphore(%arg16 : memref<!tpu.dma_semaphore, #tpu.memory_space<semaphore_mem>>)
        } else {
        }
        %add3A_170 = arith.constant 4 : i32
        %add3A_171 = arith.addi %mul3A_81, %add3A_170 : i32
        %add3A_172 = arith.constant 3 : i32
        %add3A_173 = arith.addi %add3A_171, %add3A_172 : i32
        %lt3A_174 = arith.constant 40 : i32
        %lt3A_175 = arith.cmpi slt, %add3A_173, %lt3A_174 : i32
        %convert_element_type3A_176 = arith.extui %lt3A_175 : i1 to i32
        %cond3A_177 = arith.constant 0 : i32
        %cond3A_178 = arith.cmpi ne, %convert_element_type3A_176, %cond3A_177 : i32
        scf.if %cond3A_178 {
          %add3A_179 = arith.constant 3 : i32
          %add3A_180 = arith.addi %mul3A_81, %add3A_179 : i32
          %dma_wait3A_181 = arith.constant 0 : i32
          %dma_wait3A_182 = tpu.memref_slice %arg8[%add3A_180, %dma_wait3A_181] : memref<40x125xi32, #tpu.memory_space<vmem>> -> memref<1x125xi32, #tpu.memory_space<vmem>>
          %dma_wait3A_183 = tpu.memref_squeeze %dma_wait3A_182 : memref<1x125xi32, #tpu.memory_space<vmem>> -> memref<125xi32, #tpu.memory_space<vmem>>
          %dma_wait3A_184 = arith.constant 0 : i32
          %dma_wait3A_185 = arith.constant 0 : i32
          %dma_wait3A_186 = tpu.memref_slice %arg13[%dma_wait3A_184, %dma_wait3A_185] : memref<51200x16xf32, #tpu.memory_space<vmem_shared>> -> memref<51200x16xf32, #tpu.memory_space<vmem_shared>>
          tpu.wait_indirect_dma semaphore(%arg21 : memref<!tpu.dma_semaphore, #tpu.memory_space<semaphore_mem>>) src(%arg12 : memref<125x16xf32, #tpu.memory_space<vmem>>) dst(%dma_wait3A_186 : memref<51200x16xf32, #tpu.memory_space<vmem_shared>>)
          %dma_start3A_187 = arith.constant 0 : i32
          %dma_start3A_188 = tpu.memref_slice %arg7[%add3A_173, %dma_start3A_187] : memref<40x125xi32, #tpu.memory_space<vmem>> -> memref<1x125xi32, #tpu.memory_space<vmem>>
          %dma_start3A_189 = tpu.memref_squeeze %dma_start3A_188 : memref<1x125xi32, #tpu.memory_space<vmem>> -> memref<125xi32, #tpu.memory_space<vmem>>
          %dma_start3A_190 = arith.constant 0 : i32
          %dma_start3A_191 = arith.constant 0 : i32
          %dma_start3A_192 = tpu.memref_slice %arg2[%dma_start3A_190, %dma_start3A_191] : memref<51200x16xf32, #tpu.memory_space<hbm>> -> memref<51200x16xf32, #tpu.memory_space<hbm>>
          tpu.enqueue_indirect_dma source(%dma_start3A_192 : memref<51200x16xf32, #tpu.memory_space<hbm>>) target(%arg12 : memref<125x16xf32, #tpu.memory_space<vmem>>) offsets(%dma_start3A_189 : memref<125xi32, #tpu.memory_space<vmem>>) semaphore(%arg17 : memref<!tpu.dma_semaphore, #tpu.memory_space<semaphore_mem>>)
        } else {
        }
      }
      %scan3A_51 = arith.constant 10 : i32
      %dma_wait3A = arith.constant 0 : i32
      %dma_wait3A_52 = arith.constant 0 : i32
      %dma_wait3A_53 = tpu.memref_slice %arg8[%dma_wait3A, %dma_wait3A_52] : memref<40x125xi32, #tpu.memory_space<vmem>> -> memref<1x125xi32, #tpu.memory_space<vmem>>
      %dma_wait3A_54 = tpu.memref_squeeze %dma_wait3A_53 : memref<1x125xi32, #tpu.memory_space<vmem>> -> memref<125xi32, #tpu.memory_space<vmem>>
      %dma_wait3A_55 = arith.constant 0 : i32
      %dma_wait3A_56 = arith.constant 0 : i32
      %dma_wait3A_57 = tpu.memref_slice %arg13[%dma_wait3A_55, %dma_wait3A_56] : memref<51200x16xf32, #tpu.memory_space<vmem_shared>> -> memref<51200x16xf32, #tpu.memory_space<vmem_shared>>
      tpu.wait_indirect_dma semaphore(%arg18 : memref<!tpu.dma_semaphore, #tpu.memory_space<semaphore_mem>>) src(%arg9 : memref<125x16xf32, #tpu.memory_space<vmem>>) dst(%dma_wait3A_57 : memref<51200x16xf32, #tpu.memory_space<vmem_shared>>)
      %dma_wait3A_58 = arith.constant 1 : i32
      %dma_wait3A_59 = arith.constant 0 : i32
      %dma_wait3A_60 = tpu.memref_slice %arg8[%dma_wait3A_58, %dma_wait3A_59] : memref<40x125xi32, #tpu.memory_space<vmem>> -> memref<1x125xi32, #tpu.memory_space<vmem>>
      %dma_wait3A_61 = tpu.memref_squeeze %dma_wait3A_60 : memref<1x125xi32, #tpu.memory_space<vmem>> -> memref<125xi32, #tpu.memory_space<vmem>>
      %dma_wait3A_62 = arith.constant 0 : i32
      %dma_wait3A_63 = arith.constant 0 : i32
      %dma_wait3A_64 = tpu.memref_slice %arg13[%dma_wait3A_62, %dma_wait3A_63] : memref<51200x16xf32, #tpu.memory_space<vmem_shared>> -> memref<51200x16xf32, #tpu.memory_space<vmem_shared>>
      tpu.wait_indirect_dma semaphore(%arg19 : memref<!tpu.dma_semaphore, #tpu.memory_space<semaphore_mem>>) src(%arg10 : memref<125x16xf32, #tpu.memory_space<vmem>>) dst(%dma_wait3A_64 : memref<51200x16xf32, #tpu.memory_space<vmem_shared>>)
      %dma_wait3A_65 = arith.constant 2 : i32
      %dma_wait3A_66 = arith.constant 0 : i32
      %dma_wait3A_67 = tpu.memref_slice %arg8[%dma_wait3A_65, %dma_wait3A_66] : memref<40x125xi32, #tpu.memory_space<vmem>> -> memref<1x125xi32, #tpu.memory_space<vmem>>
      %dma_wait3A_68 = tpu.memref_squeeze %dma_wait3A_67 : memref<1x125xi32, #tpu.memory_space<vmem>> -> memref<125xi32, #tpu.memory_space<vmem>>
      %dma_wait3A_69 = arith.constant 0 : i32
      %dma_wait3A_70 = arith.constant 0 : i32
      %dma_wait3A_71 = tpu.memref_slice %arg13[%dma_wait3A_69, %dma_wait3A_70] : memref<51200x16xf32, #tpu.memory_space<vmem_shared>> -> memref<51200x16xf32, #tpu.memory_space<vmem_shared>>
      tpu.wait_indirect_dma semaphore(%arg20 : memref<!tpu.dma_semaphore, #tpu.memory_space<semaphore_mem>>) src(%arg11 : memref<125x16xf32, #tpu.memory_space<vmem>>) dst(%dma_wait3A_71 : memref<51200x16xf32, #tpu.memory_space<vmem_shared>>)
      %dma_wait3A_72 = arith.constant 3 : i32
      %dma_wait3A_73 = arith.constant 0 : i32
      %dma_wait3A_74 = tpu.memref_slice %arg8[%dma_wait3A_72, %dma_wait3A_73] : memref<40x125xi32, #tpu.memory_space<vmem>> -> memref<1x125xi32, #tpu.memory_space<vmem>>
      %dma_wait3A_75 = tpu.memref_squeeze %dma_wait3A_74 : memref<1x125xi32, #tpu.memory_space<vmem>> -> memref<125xi32, #tpu.memory_space<vmem>>
      %dma_wait3A_76 = arith.constant 0 : i32
      %dma_wait3A_77 = arith.constant 0 : i32
      %dma_wait3A_78 = tpu.memref_slice %arg13[%dma_wait3A_76, %dma_wait3A_77] : memref<51200x16xf32, #tpu.memory_space<vmem_shared>> -> memref<51200x16xf32, #tpu.memory_space<vmem_shared>>
      tpu.wait_indirect_dma semaphore(%arg21 : memref<!tpu.dma_semaphore, #tpu.memory_space<semaphore_mem>>) src(%arg12 : memref<125x16xf32, #tpu.memory_space<vmem>>) dst(%dma_wait3A_78 : memref<51200x16xf32, #tpu.memory_space<vmem_shared>>)
    }
    %scan3A_9 = arith.constant 10 : i32
    %barrier3A_10 = arith.constant 0 : index
    tpu.barrier barrier_id(%barrier3A_10)
    %mul3A_11 = arith.constant 3200 : i32
    %mul3A_12 = arith.muli %arg1, %mul3A_11 : i32
    %mul3A_13 = arith.constant 3200 : i32
    %mul3A_14 = arith.muli %arg1, %mul3A_13 : i32
    "tpu.region"() ({
      %run_scoped3A = tpu.sem_alloc : memref<!tpu.dma_semaphore, #tpu.memory_space<semaphore_mem>>
      %dma_start3A = arith.constant 0 : i32
      %dma_start3A_15 = tpu.memref_slice %arg6[%arg0, %mul3A_14, %dma_start3A] : memref<2x51200x16xf32, #tpu.memory_space<hbm>> -> memref<1x3200x16xf32, #tpu.memory_space<hbm>>
      %dma_start3A_16 = tpu.memref_squeeze %dma_start3A_15 : memref<1x3200x16xf32, #tpu.memory_space<hbm>> -> memref<3200x16xf32, #tpu.memory_space<hbm>>
      %dma_start3A_17 = arith.constant 0 : i32
      %dma_start3A_18 = tpu.memref_slice %arg13[%mul3A_12, %dma_start3A_17] : memref<51200x16xf32, #tpu.memory_space<vmem_shared>> -> memref<3200x16xf32, #tpu.memory_space<vmem_shared>>
      tpu.enqueue_dma source(%dma_start3A_18 : memref<3200x16xf32, #tpu.memory_space<vmem_shared>>) target(%dma_start3A_16 : memref<3200x16xf32, #tpu.memory_space<hbm>>) target_semaphore(%run_scoped3A : memref<!tpu.dma_semaphore, #tpu.memory_space<semaphore_mem>>)
      %dma_wait3A = arith.constant 0 : i32
      %dma_wait3A_19 = tpu.memref_slice %arg6[%arg0, %mul3A_14, %dma_wait3A] : memref<2x51200x16xf32, #tpu.memory_space<hbm>> -> memref<1x3200x16xf32, #tpu.memory_space<hbm>>
      %dma_wait3A_20 = tpu.memref_squeeze %dma_wait3A_19 : memref<1x3200x16xf32, #tpu.memory_space<hbm>> -> memref<3200x16xf32, #tpu.memory_space<hbm>>
      %dma_wait3A_21 = arith.constant 0 : i32
      %dma_wait3A_22 = tpu.memref_slice %arg13[%mul3A_12, %dma_wait3A_21] : memref<51200x16xf32, #tpu.memory_space<vmem_shared>> -> memref<3200x16xf32, #tpu.memory_space<vmem_shared>>
      tpu.wait_dma2 semaphore(%run_scoped3A : memref<!tpu.dma_semaphore, #tpu.memory_space<semaphore_mem>>) src(%dma_wait3A_22 : memref<3200x16xf32, #tpu.memory_space<vmem_shared>>) dst(%dma_wait3A_20 : memref<3200x16xf32, #tpu.memory_space<hbm>>)
      tpu.yield
    }) : () -> ()
    return
  }
}

#map = affine_map<(d0, d1) -> (0, 0)>
#map1 = affine_map<(d0, d1) -> (0, 0, 0)>
module attributes {stable_mosaic.version = 14 : i64} {
  func.func @_sc_agg_body(%arg0: i32, %arg1: i32, %arg2: memref<51200x16xf32, #tpu.memory_space<hbm>>, %arg3: memref<12800x125xi32, #tpu.memory_space<hbm>>, %arg4: memref<12800x125xi32, #tpu.memory_space<hbm>>, %arg5: memref<3200x16xf32, #tpu.memory_space<hbm>>, %arg6: memref<2x51200x16xf32, #tpu.memory_space<hbm>>, %arg7: memref<40x125xi32, #tpu.memory_space<vmem>>, %arg8: memref<40x125xi32, #tpu.memory_space<vmem>>, %arg9: memref<125x16xf32, #tpu.memory_space<vmem>>, %arg10: memref<125x16xf32, #tpu.memory_space<vmem>>, %arg11: memref<125x16xf32, #tpu.memory_space<vmem>>, %arg12: memref<125x16xf32, #tpu.memory_space<vmem>>, %arg13: memref<51200x16xf32, #tpu.memory_space<vmem_shared>>, %arg14: memref<!tpu.dma_semaphore, #tpu.memory_space<semaphore_mem>>, %arg15: memref<!tpu.dma_semaphore, #tpu.memory_space<semaphore_mem>>, %arg16: memref<!tpu.dma_semaphore, #tpu.memory_space<semaphore_mem>>, %arg17: memref<!tpu.dma_semaphore, #tpu.memory_space<semaphore_mem>>, %arg18: memref<!tpu.dma_semaphore, #tpu.memory_space<semaphore_mem>>, %arg19: memref<!tpu.dma_semaphore, #tpu.memory_space<semaphore_mem>>, %arg20: memref<!tpu.dma_semaphore, #tpu.memory_space<semaphore_mem>>, %arg21: memref<!tpu.dma_semaphore, #tpu.memory_space<semaphore_mem>>) attributes {dimension_semantics = [#tpu.dimension_semantics<core_parallel>, #tpu.dimension_semantics<subcore_parallel>], iteration_bounds = array<i64: 2, 16>, scalar_prefetch = 0 : i64, scratch_operands = 15 : i64, tpu.core_type = #tpu.core_type<sc_vector_subcore>, window_params = [{transform_indices = #map}, {transform_indices = #map}, {transform_indices = #map}, {transform_indices = #map}, {transform_indices = #map1}]} {
    %mul3A = arith.constant 16 : i32
    %mul3A_0 = arith.muli %arg0, %mul3A : i32
    %add3A = arith.addi %mul3A_0, %arg1 : i32
    %mul3A_1 = arith.constant 3200 : i32
    %mul3A_2 = arith.muli %arg1, %mul3A_1 : i32
    "tpu.region"() ({
      %run_scoped3A = tpu.sem_alloc : memref<!tpu.dma_semaphore, #tpu.memory_space<semaphore_mem>>
      %dma_start3A = arith.constant 0 : i32
      %dma_start3A_15 = tpu.memref_slice %arg13[%mul3A_2, %dma_start3A] : memref<51200x16xf32, #tpu.memory_space<vmem_shared>> -> memref<3200x16xf32, #tpu.memory_space<vmem_shared>>
      tpu.enqueue_dma source(%arg5 : memref<3200x16xf32, #tpu.memory_space<hbm>>) target(%dma_start3A_15 : memref<3200x16xf32, #tpu.memory_space<vmem_shared>>) target_semaphore(%run_scoped3A : memref<!tpu.dma_semaphore, #tpu.memory_space<semaphore_mem>>)
      %dma_wait3A = arith.constant 0 : i32
      %dma_wait3A_16 = tpu.memref_slice %arg13[%mul3A_2, %dma_wait3A] : memref<51200x16xf32, #tpu.memory_space<vmem_shared>> -> memref<3200x16xf32, #tpu.memory_space<vmem_shared>>
      tpu.wait_dma2 semaphore(%run_scoped3A : memref<!tpu.dma_semaphore, #tpu.memory_space<semaphore_mem>>) src(%arg5 : memref<3200x16xf32, #tpu.memory_space<hbm>>) dst(%dma_wait3A_16 : memref<3200x16xf32, #tpu.memory_space<vmem_shared>>)
      tpu.yield
    }) : () -> ()
    %barrier3A = arith.constant 0 : index
    tpu.barrier barrier_id(%barrier3A)
    %mul3A_3 = arith.constant 400 : i32
    %mul3A_4 = arith.muli %add3A, %mul3A_3 : i32
    %scan3A = arith.constant 0 : i32
    %scan3A_5 = arith.constant 0 : i32
    %scan3A_6 = arith.constant 10 : i32
    %scan3A_7 = arith.addi %scan3A_5, %scan3A_6 : i32
    %scan3A_8 = arith.constant 1 : i32
    scf.for %scan3A_15 = %scan3A_5 to %scan3A_7 step %scan3A_8  : i32 {
      %mul3A_16 = arith.constant 40 : i32
      %mul3A_17 = arith.muli %scan3A_15, %mul3A_16 : i32
      %add3A_18 = arith.addi %mul3A_4, %mul3A_17 : i32
      "tpu.region"() ({
        %run_scoped3A = tpu.sem_alloc : memref<!tpu.dma_semaphore, #tpu.memory_space<semaphore_mem>>
        %dma_start3A_79 = arith.constant 0 : i32
        %dma_start3A_80 = tpu.memref_slice %arg3[%add3A_18, %dma_start3A_79] : memref<12800x125xi32, #tpu.memory_space<hbm>> -> memref<40x125xi32, #tpu.memory_space<hbm>>
        %dma_start3A_81 = arith.constant 0 : i32
        %dma_start3A_82 = tpu.memref_slice %arg3[%add3A_18, %dma_start3A_81] : memref<12800x125xi32, #tpu.memory_space<hbm>> -> memref<40x125xi32, #tpu.memory_space<hbm>>
        tpu.enqueue_dma source(%dma_start3A_82 : memref<40x125xi32, #tpu.memory_space<hbm>>) target(%arg7 : memref<40x125xi32, #tpu.memory_space<vmem>>) target_semaphore(%run_scoped3A : memref<!tpu.dma_semaphore, #tpu.memory_space<semaphore_mem>>)
        %dma_wait3A_83 = arith.constant 0 : i32
        %dma_wait3A_84 = tpu.memref_slice %arg3[%add3A_18, %dma_wait3A_83] : memref<12800x125xi32, #tpu.memory_space<hbm>> -> memref<40x125xi32, #tpu.memory_space<hbm>>
        %dma_wait3A_85 = arith.constant 0 : i32
        %dma_wait3A_86 = tpu.memref_slice %arg3[%add3A_18, %dma_wait3A_85] : memref<12800x125xi32, #tpu.memory_space<hbm>> -> memref<40x125xi32, #tpu.memory_space<hbm>>
        tpu.wait_dma2 semaphore(%run_scoped3A : memref<!tpu.dma_semaphore, #tpu.memory_space<semaphore_mem>>) src(%dma_wait3A_86 : memref<40x125xi32, #tpu.memory_space<hbm>>) dst(%arg7 : memref<40x125xi32, #tpu.memory_space<vmem>>)
        tpu.yield
      }) : () -> ()
      "tpu.region"() ({
        %run_scoped3A = tpu.sem_alloc : memref<!tpu.dma_semaphore, #tpu.memory_space<semaphore_mem>>
        %dma_start3A_79 = arith.constant 0 : i32
        %dma_start3A_80 = tpu.memref_slice %arg4[%add3A_18, %dma_start3A_79] : memref<12800x125xi32, #tpu.memory_space<hbm>> -> memref<40x125xi32, #tpu.memory_space<hbm>>
        %dma_start3A_81 = arith.constant 0 : i32
        %dma_start3A_82 = tpu.memref_slice %arg4[%add3A_18, %dma_start3A_81] : memref<12800x125xi32, #tpu.memory_space<hbm>> -> memref<40x125xi32, #tpu.memory_space<hbm>>
        tpu.enqueue_dma source(%dma_start3A_82 : memref<40x125xi32, #tpu.memory_space<hbm>>) target(%arg8 : memref<40x125xi32, #tpu.memory_space<vmem>>) target_semaphore(%run_scoped3A : memref<!tpu.dma_semaphore, #tpu.memory_space<semaphore_mem>>)
        %dma_wait3A_83 = arith.constant 0 : i32
        %dma_wait3A_84 = tpu.memref_slice %arg4[%add3A_18, %dma_wait3A_83] : memref<12800x125xi32, #tpu.memory_space<hbm>> -> memref<40x125xi32, #tpu.memory_space<hbm>>
        %dma_wait3A_85 = arith.constant 0 : i32
        %dma_wait3A_86 = tpu.memref_slice %arg4[%add3A_18, %dma_wait3A_85] : memref<12800x125xi32, #tpu.memory_space<hbm>> -> memref<40x125xi32, #tpu.memory_space<hbm>>
        tpu.wait_dma2 semaphore(%run_scoped3A : memref<!tpu.dma_semaphore, #tpu.memory_space<semaphore_mem>>) src(%dma_wait3A_86 : memref<40x125xi32, #tpu.memory_space<hbm>>) dst(%arg8 : memref<40x125xi32, #tpu.memory_space<vmem>>)
        tpu.yield
      }) : () -> ()
      %dma_start3A = arith.constant 0 : i32
      %dma_start3A_19 = arith.constant 0 : i32
      %dma_start3A_20 = tpu.memref_slice %arg7[%dma_start3A, %dma_start3A_19] : memref<40x125xi32, #tpu.memory_space<vmem>> -> memref<1x125xi32, #tpu.memory_space<vmem>>
      %dma_start3A_21 = tpu.memref_squeeze %dma_start3A_20 : memref<1x125xi32, #tpu.memory_space<vmem>> -> memref<125xi32, #tpu.memory_space<vmem>>
      %dma_start3A_22 = arith.constant 0 : i32
      %dma_start3A_23 = arith.constant 0 : i32
      %dma_start3A_24 = tpu.memref_slice %arg2[%dma_start3A_22, %dma_start3A_23] : memref<51200x16xf32, #tpu.memory_space<hbm>> -> memref<51200x16xf32, #tpu.memory_space<hbm>>
      tpu.enqueue_indirect_dma source(%dma_start3A_24 : memref<51200x16xf32, #tpu.memory_space<hbm>>) target(%arg9 : memref<125x16xf32, #tpu.memory_space<vmem>>) offsets(%dma_start3A_21 : memref<125xi32, #tpu.memory_space<vmem>>) semaphore(%arg14 : memref<!tpu.dma_semaphore, #tpu.memory_space<semaphore_mem>>)
      %dma_start3A_25 = arith.constant 1 : i32
      %dma_start3A_26 = arith.constant 0 : i32
      %dma_start3A_27 = tpu.memref_slice %arg7[%dma_start3A_25, %dma_start3A_26] : memref<40x125xi32, #tpu.memory_space<vmem>> -> memref<1x125xi32, #tpu.memory_space<vmem>>
      %dma_start3A_28 = tpu.memref_squeeze %dma_start3A_27 : memref<1x125xi32, #tpu.memory_space<vmem>> -> memref<125xi32, #tpu.memory_space<vmem>>
      %dma_start3A_29 = arith.constant 0 : i32
      %dma_start3A_30 = arith.constant 0 : i32
      %dma_start3A_31 = tpu.memref_slice %arg2[%dma_start3A_29, %dma_start3A_30] : memref<51200x16xf32, #tpu.memory_space<hbm>> -> memref<51200x16xf32, #tpu.memory_space<hbm>>
      tpu.enqueue_indirect_dma source(%dma_start3A_31 : memref<51200x16xf32, #tpu.memory_space<hbm>>) target(%arg10 : memref<125x16xf32, #tpu.memory_space<vmem>>) offsets(%dma_start3A_28 : memref<125xi32, #tpu.memory_space<vmem>>) semaphore(%arg15 : memref<!tpu.dma_semaphore, #tpu.memory_space<semaphore_mem>>)
      %dma_start3A_32 = arith.constant 2 : i32
      %dma_start3A_33 = arith.constant 0 : i32
      %dma_start3A_34 = tpu.memref_slice %arg7[%dma_start3A_32, %dma_start3A_33] : memref<40x125xi32, #tpu.memory_space<vmem>> -> memref<1x125xi32, #tpu.memory_space<vmem>>
      %dma_start3A_35 = tpu.memref_squeeze %dma_start3A_34 : memref<1x125xi32, #tpu.memory_space<vmem>> -> memref<125xi32, #tpu.memory_space<vmem>>
      %dma_start3A_36 = arith.constant 0 : i32
      %dma_start3A_37 = arith.constant 0 : i32
      %dma_start3A_38 = tpu.memref_slice %arg2[%dma_start3A_36, %dma_start3A_37] : memref<51200x16xf32, #tpu.memory_space<hbm>> -> memref<51200x16xf32, #tpu.memory_space<hbm>>
      tpu.enqueue_indirect_dma source(%dma_start3A_38 : memref<51200x16xf32, #tpu.memory_space<hbm>>) target(%arg11 : memref<125x16xf32, #tpu.memory_space<vmem>>) offsets(%dma_start3A_35 : memref<125xi32, #tpu.memory_space<vmem>>) semaphore(%arg16 : memref<!tpu.dma_semaphore, #tpu.memory_space<semaphore_mem>>)
      %dma_start3A_39 = arith.constant 3 : i32
      %dma_start3A_40 = arith.constant 0 : i32
      %dma_start3A_41 = tpu.memref_slice %arg7[%dma_start3A_39, %dma_start3A_40] : memref<40x125xi32, #tpu.memory_space<vmem>> -> memref<1x125xi32, #tpu.memory_space<vmem>>
      %dma_start3A_42 = tpu.memref_squeeze %dma_start3A_41 : memref<1x125xi32, #tpu.memory_space<vmem>> -> memref<125xi32, #tpu.memory_space<vmem>>
      %dma_start3A_43 = arith.constant 0 : i32
      %dma_start3A_44 = arith.constant 0 : i32
      %dma_start3A_45 = tpu.memref_slice %arg2[%dma_start3A_43, %dma_start3A_44] : memref<51200x16xf32, #tpu.memory_space<hbm>> -> memref<51200x16xf32, #tpu.memory_space<hbm>>
      tpu.enqueue_indirect_dma source(%dma_start3A_45 : memref<51200x16xf32, #tpu.memory_space<hbm>>) target(%arg12 : memref<125x16xf32, #tpu.memory_space<vmem>>) offsets(%dma_start3A_42 : memref<125xi32, #tpu.memory_space<vmem>>) semaphore(%arg17 : memref<!tpu.dma_semaphore, #tpu.memory_space<semaphore_mem>>)
      %scan3A_46 = arith.constant 0 : i32
      %scan3A_47 = arith.constant 0 : i32
      %scan3A_48 = arith.constant 10 : i32
      %scan3A_49 = arith.addi %scan3A_47, %scan3A_48 : i32
      %scan3A_50 = arith.constant 1 : i32
      scf.for %scan3A_79 = %scan3A_47 to %scan3A_49 step %scan3A_50  : i32 {
        %mul3A_80 = arith.constant 4 : i32
        %mul3A_81 = arith.muli %mul3A_80, %scan3A_79 : i32
        %add3A_82 = arith.constant 0 : i32
        %add3A_83 = arith.addi %mul3A_81, %add3A_82 : i32
        %dma_wait3A_84 = arith.constant 0 : i32
        %dma_wait3A_85 = tpu.memref_slice %arg7[%add3A_83, %dma_wait3A_84] : memref<40x125xi32, #tpu.memory_space<vmem>> -> memref<1x125xi32, #tpu.memory_space<vmem>>
        %dma_wait3A_86 = tpu.memref_squeeze %dma_wait3A_85 : memref<1x125xi32, #tpu.memory_space<vmem>> -> memref<125xi32, #tpu.memory_space<vmem>>
        %dma_wait3A_87 = arith.constant 0 : i32
        %dma_wait3A_88 = arith.constant 0 : i32
        %dma_wait3A_89 = tpu.memref_slice %arg2[%dma_wait3A_87, %dma_wait3A_88] : memref<51200x16xf32, #tpu.memory_space<hbm>> -> memref<51200x16xf32, #tpu.memory_space<hbm>>
        tpu.wait_indirect_dma semaphore(%arg14 : memref<!tpu.dma_semaphore, #tpu.memory_space<semaphore_mem>>) src(%dma_wait3A_89 : memref<51200x16xf32, #tpu.memory_space<hbm>>) dst(%arg9 : memref<125x16xf32, #tpu.memory_space<vmem>>)
        %add3A_90 = arith.constant 0 : i32
        %add3A_91 = arith.addi %mul3A_81, %add3A_90 : i32
        %dma_start3A_92 = arith.constant 0 : i32
        %dma_start3A_93 = tpu.memref_slice %arg8[%add3A_91, %dma_start3A_92] : memref<40x125xi32, #tpu.memory_space<vmem>> -> memref<1x125xi32, #tpu.memory_space<vmem>>
        %dma_start3A_94 = tpu.memref_squeeze %dma_start3A_93 : memref<1x125xi32, #tpu.memory_space<vmem>> -> memref<125xi32, #tpu.memory_space<vmem>>
        %dma_start3A_95 = arith.constant 0 : i32
        %dma_start3A_96 = arith.constant 0 : i32
        %dma_start3A_97 = tpu.memref_slice %arg13[%dma_start3A_95, %dma_start3A_96] : memref<51200x16xf32, #tpu.memory_space<vmem_shared>> -> memref<51200x16xf32, #tpu.memory_space<vmem_shared>>
        tpu.enqueue_indirect_dma source(%arg9 : memref<125x16xf32, #tpu.memory_space<vmem>>) target(%dma_start3A_97 : memref<51200x16xf32, #tpu.memory_space<vmem_shared>>) offsets(%dma_start3A_94 : memref<125xi32, #tpu.memory_space<vmem>>) semaphore(%arg18 : memref<!tpu.dma_semaphore, #tpu.memory_space<semaphore_mem>>) {add = true}
        %add3A_98 = arith.constant 1 : i32
        %add3A_99 = arith.addi %mul3A_81, %add3A_98 : i32
        %dma_wait3A_100 = arith.constant 0 : i32
        %dma_wait3A_101 = tpu.memref_slice %arg7[%add3A_99, %dma_wait3A_100] : memref<40x125xi32, #tpu.memory_space<vmem>> -> memref<1x125xi32, #tpu.memory_space<vmem>>
        %dma_wait3A_102 = tpu.memref_squeeze %dma_wait3A_101 : memref<1x125xi32, #tpu.memory_space<vmem>> -> memref<125xi32, #tpu.memory_space<vmem>>
        %dma_wait3A_103 = arith.constant 0 : i32
        %dma_wait3A_104 = arith.constant 0 : i32
        %dma_wait3A_105 = tpu.memref_slice %arg2[%dma_wait3A_103, %dma_wait3A_104] : memref<51200x16xf32, #tpu.memory_space<hbm>> -> memref<51200x16xf32, #tpu.memory_space<hbm>>
        tpu.wait_indirect_dma semaphore(%arg15 : memref<!tpu.dma_semaphore, #tpu.memory_space<semaphore_mem>>) src(%dma_wait3A_105 : memref<51200x16xf32, #tpu.memory_space<hbm>>) dst(%arg10 : memref<125x16xf32, #tpu.memory_space<vmem>>)
        %add3A_106 = arith.constant 1 : i32
        %add3A_107 = arith.addi %mul3A_81, %add3A_106 : i32
        %dma_start3A_108 = arith.constant 0 : i32
        %dma_start3A_109 = tpu.memref_slice %arg8[%add3A_107, %dma_start3A_108] : memref<40x125xi32, #tpu.memory_space<vmem>> -> memref<1x125xi32, #tpu.memory_space<vmem>>
        %dma_start3A_110 = tpu.memref_squeeze %dma_start3A_109 : memref<1x125xi32, #tpu.memory_space<vmem>> -> memref<125xi32, #tpu.memory_space<vmem>>
        %dma_start3A_111 = arith.constant 0 : i32
        %dma_start3A_112 = arith.constant 0 : i32
        %dma_start3A_113 = tpu.memref_slice %arg13[%dma_start3A_111, %dma_start3A_112] : memref<51200x16xf32, #tpu.memory_space<vmem_shared>> -> memref<51200x16xf32, #tpu.memory_space<vmem_shared>>
        tpu.enqueue_indirect_dma source(%arg10 : memref<125x16xf32, #tpu.memory_space<vmem>>) target(%dma_start3A_113 : memref<51200x16xf32, #tpu.memory_space<vmem_shared>>) offsets(%dma_start3A_110 : memref<125xi32, #tpu.memory_space<vmem>>) semaphore(%arg19 : memref<!tpu.dma_semaphore, #tpu.memory_space<semaphore_mem>>) {add = true}
        %add3A_114 = arith.constant 2 : i32
        %add3A_115 = arith.addi %mul3A_81, %add3A_114 : i32
        %dma_wait3A_116 = arith.constant 0 : i32
        %dma_wait3A_117 = tpu.memref_slice %arg7[%add3A_115, %dma_wait3A_116] : memref<40x125xi32, #tpu.memory_space<vmem>> -> memref<1x125xi32, #tpu.memory_space<vmem>>
        %dma_wait3A_118 = tpu.memref_squeeze %dma_wait3A_117 : memref<1x125xi32, #tpu.memory_space<vmem>> -> memref<125xi32, #tpu.memory_space<vmem>>
        %dma_wait3A_119 = arith.constant 0 : i32
        %dma_wait3A_120 = arith.constant 0 : i32
        %dma_wait3A_121 = tpu.memref_slice %arg2[%dma_wait3A_119, %dma_wait3A_120] : memref<51200x16xf32, #tpu.memory_space<hbm>> -> memref<51200x16xf32, #tpu.memory_space<hbm>>
        tpu.wait_indirect_dma semaphore(%arg16 : memref<!tpu.dma_semaphore, #tpu.memory_space<semaphore_mem>>) src(%dma_wait3A_121 : memref<51200x16xf32, #tpu.memory_space<hbm>>) dst(%arg11 : memref<125x16xf32, #tpu.memory_space<vmem>>)
        %add3A_122 = arith.constant 2 : i32
        %add3A_123 = arith.addi %mul3A_81, %add3A_122 : i32
        %dma_start3A_124 = arith.constant 0 : i32
        %dma_start3A_125 = tpu.memref_slice %arg8[%add3A_123, %dma_start3A_124] : memref<40x125xi32, #tpu.memory_space<vmem>> -> memref<1x125xi32, #tpu.memory_space<vmem>>
        %dma_start3A_126 = tpu.memref_squeeze %dma_start3A_125 : memref<1x125xi32, #tpu.memory_space<vmem>> -> memref<125xi32, #tpu.memory_space<vmem>>
        %dma_start3A_127 = arith.constant 0 : i32
        %dma_start3A_128 = arith.constant 0 : i32
        %dma_start3A_129 = tpu.memref_slice %arg13[%dma_start3A_127, %dma_start3A_128] : memref<51200x16xf32, #tpu.memory_space<vmem_shared>> -> memref<51200x16xf32, #tpu.memory_space<vmem_shared>>
        tpu.enqueue_indirect_dma source(%arg11 : memref<125x16xf32, #tpu.memory_space<vmem>>) target(%dma_start3A_129 : memref<51200x16xf32, #tpu.memory_space<vmem_shared>>) offsets(%dma_start3A_126 : memref<125xi32, #tpu.memory_space<vmem>>) semaphore(%arg20 : memref<!tpu.dma_semaphore, #tpu.memory_space<semaphore_mem>>) {add = true}
        %add3A_130 = arith.constant 3 : i32
        %add3A_131 = arith.addi %mul3A_81, %add3A_130 : i32
        %dma_wait3A_132 = arith.constant 0 : i32
        %dma_wait3A_133 = tpu.memref_slice %arg7[%add3A_131, %dma_wait3A_132] : memref<40x125xi32, #tpu.memory_space<vmem>> -> memref<1x125xi32, #tpu.memory_space<vmem>>
        %dma_wait3A_134 = tpu.memref_squeeze %dma_wait3A_133 : memref<1x125xi32, #tpu.memory_space<vmem>> -> memref<125xi32, #tpu.memory_space<vmem>>
        %dma_wait3A_135 = arith.constant 0 : i32
        %dma_wait3A_136 = arith.constant 0 : i32
        %dma_wait3A_137 = tpu.memref_slice %arg2[%dma_wait3A_135, %dma_wait3A_136] : memref<51200x16xf32, #tpu.memory_space<hbm>> -> memref<51200x16xf32, #tpu.memory_space<hbm>>
        tpu.wait_indirect_dma semaphore(%arg17 : memref<!tpu.dma_semaphore, #tpu.memory_space<semaphore_mem>>) src(%dma_wait3A_137 : memref<51200x16xf32, #tpu.memory_space<hbm>>) dst(%arg12 : memref<125x16xf32, #tpu.memory_space<vmem>>)
        %add3A_138 = arith.constant 3 : i32
        %add3A_139 = arith.addi %mul3A_81, %add3A_138 : i32
        %dma_start3A_140 = arith.constant 0 : i32
        %dma_start3A_141 = tpu.memref_slice %arg8[%add3A_139, %dma_start3A_140] : memref<40x125xi32, #tpu.memory_space<vmem>> -> memref<1x125xi32, #tpu.memory_space<vmem>>
        %dma_start3A_142 = tpu.memref_squeeze %dma_start3A_141 : memref<1x125xi32, #tpu.memory_space<vmem>> -> memref<125xi32, #tpu.memory_space<vmem>>
        %dma_start3A_143 = arith.constant 0 : i32
        %dma_start3A_144 = arith.constant 0 : i32
        %dma_start3A_145 = tpu.memref_slice %arg13[%dma_start3A_143, %dma_start3A_144] : memref<51200x16xf32, #tpu.memory_space<vmem_shared>> -> memref<51200x16xf32, #tpu.memory_space<vmem_shared>>
        tpu.enqueue_indirect_dma source(%arg12 : memref<125x16xf32, #tpu.memory_space<vmem>>) target(%dma_start3A_145 : memref<51200x16xf32, #tpu.memory_space<vmem_shared>>) offsets(%dma_start3A_142 : memref<125xi32, #tpu.memory_space<vmem>>) semaphore(%arg21 : memref<!tpu.dma_semaphore, #tpu.memory_space<semaphore_mem>>) {add = true}
        %add3A_146 = arith.constant 4 : i32
        %add3A_147 = arith.addi %mul3A_81, %add3A_146 : i32
        %add3A_148 = arith.constant 0 : i32
        %add3A_149 = arith.addi %add3A_147, %add3A_148 : i32
        %lt3A = arith.constant 40 : i32
        %lt3A_150 = arith.cmpi slt, %add3A_149, %lt3A : i32
        %convert_element_type3A = arith.extui %lt3A_150 : i1 to i32
        %cond3A = arith.constant 0 : i32
        %cond3A_151 = arith.cmpi ne, %convert_element_type3A, %cond3A : i32
        scf.if %cond3A_151 {
          %add3A_179 = arith.constant 0 : i32
          %add3A_180 = arith.addi %mul3A_81, %add3A_179 : i32
          %dma_wait3A_181 = arith.constant 0 : i32
          %dma_wait3A_182 = tpu.memref_slice %arg8[%add3A_180, %dma_wait3A_181] : memref<40x125xi32, #tpu.memory_space<vmem>> -> memref<1x125xi32, #tpu.memory_space<vmem>>
          %dma_wait3A_183 = tpu.memref_squeeze %dma_wait3A_182 : memref<1x125xi32, #tpu.memory_space<vmem>> -> memref<125xi32, #tpu.memory_space<vmem>>
          %dma_wait3A_184 = arith.constant 0 : i32
          %dma_wait3A_185 = arith.constant 0 : i32
          %dma_wait3A_186 = tpu.memref_slice %arg13[%dma_wait3A_184, %dma_wait3A_185] : memref<51200x16xf32, #tpu.memory_space<vmem_shared>> -> memref<51200x16xf32, #tpu.memory_space<vmem_shared>>
          tpu.wait_indirect_dma semaphore(%arg18 : memref<!tpu.dma_semaphore, #tpu.memory_space<semaphore_mem>>) src(%arg9 : memref<125x16xf32, #tpu.memory_space<vmem>>) dst(%dma_wait3A_186 : memref<51200x16xf32, #tpu.memory_space<vmem_shared>>)
          %dma_start3A_187 = arith.constant 0 : i32
          %dma_start3A_188 = tpu.memref_slice %arg7[%add3A_149, %dma_start3A_187] : memref<40x125xi32, #tpu.memory_space<vmem>> -> memref<1x125xi32, #tpu.memory_space<vmem>>
          %dma_start3A_189 = tpu.memref_squeeze %dma_start3A_188 : memref<1x125xi32, #tpu.memory_space<vmem>> -> memref<125xi32, #tpu.memory_space<vmem>>
          %dma_start3A_190 = arith.constant 0 : i32
          %dma_start3A_191 = arith.constant 0 : i32
          %dma_start3A_192 = tpu.memref_slice %arg2[%dma_start3A_190, %dma_start3A_191] : memref<51200x16xf32, #tpu.memory_space<hbm>> -> memref<51200x16xf32, #tpu.memory_space<hbm>>
          tpu.enqueue_indirect_dma source(%dma_start3A_192 : memref<51200x16xf32, #tpu.memory_space<hbm>>) target(%arg9 : memref<125x16xf32, #tpu.memory_space<vmem>>) offsets(%dma_start3A_189 : memref<125xi32, #tpu.memory_space<vmem>>) semaphore(%arg14 : memref<!tpu.dma_semaphore, #tpu.memory_space<semaphore_mem>>)
        } else {
        }
        %add3A_152 = arith.constant 4 : i32
        %add3A_153 = arith.addi %mul3A_81, %add3A_152 : i32
        %add3A_154 = arith.constant 1 : i32
        %add3A_155 = arith.addi %add3A_153, %add3A_154 : i32
        %lt3A_156 = arith.constant 40 : i32
        %lt3A_157 = arith.cmpi slt, %add3A_155, %lt3A_156 : i32
        %convert_element_type3A_158 = arith.extui %lt3A_157 : i1 to i32
        %cond3A_159 = arith.constant 0 : i32
        %cond3A_160 = arith.cmpi ne, %convert_element_type3A_158, %cond3A_159 : i32
        scf.if %cond3A_160 {
          %add3A_179 = arith.constant 1 : i32
          %add3A_180 = arith.addi %mul3A_81, %add3A_179 : i32
          %dma_wait3A_181 = arith.constant 0 : i32
          %dma_wait3A_182 = tpu.memref_slice %arg8[%add3A_180, %dma_wait3A_181] : memref<40x125xi32, #tpu.memory_space<vmem>> -> memref<1x125xi32, #tpu.memory_space<vmem>>
          %dma_wait3A_183 = tpu.memref_squeeze %dma_wait3A_182 : memref<1x125xi32, #tpu.memory_space<vmem>> -> memref<125xi32, #tpu.memory_space<vmem>>
          %dma_wait3A_184 = arith.constant 0 : i32
          %dma_wait3A_185 = arith.constant 0 : i32
          %dma_wait3A_186 = tpu.memref_slice %arg13[%dma_wait3A_184, %dma_wait3A_185] : memref<51200x16xf32, #tpu.memory_space<vmem_shared>> -> memref<51200x16xf32, #tpu.memory_space<vmem_shared>>
          tpu.wait_indirect_dma semaphore(%arg19 : memref<!tpu.dma_semaphore, #tpu.memory_space<semaphore_mem>>) src(%arg10 : memref<125x16xf32, #tpu.memory_space<vmem>>) dst(%dma_wait3A_186 : memref<51200x16xf32, #tpu.memory_space<vmem_shared>>)
          %dma_start3A_187 = arith.constant 0 : i32
          %dma_start3A_188 = tpu.memref_slice %arg7[%add3A_155, %dma_start3A_187] : memref<40x125xi32, #tpu.memory_space<vmem>> -> memref<1x125xi32, #tpu.memory_space<vmem>>
          %dma_start3A_189 = tpu.memref_squeeze %dma_start3A_188 : memref<1x125xi32, #tpu.memory_space<vmem>> -> memref<125xi32, #tpu.memory_space<vmem>>
          %dma_start3A_190 = arith.constant 0 : i32
          %dma_start3A_191 = arith.constant 0 : i32
          %dma_start3A_192 = tpu.memref_slice %arg2[%dma_start3A_190, %dma_start3A_191] : memref<51200x16xf32, #tpu.memory_space<hbm>> -> memref<51200x16xf32, #tpu.memory_space<hbm>>
          tpu.enqueue_indirect_dma source(%dma_start3A_192 : memref<51200x16xf32, #tpu.memory_space<hbm>>) target(%arg10 : memref<125x16xf32, #tpu.memory_space<vmem>>) offsets(%dma_start3A_189 : memref<125xi32, #tpu.memory_space<vmem>>) semaphore(%arg15 : memref<!tpu.dma_semaphore, #tpu.memory_space<semaphore_mem>>)
        } else {
        }
        %add3A_161 = arith.constant 4 : i32
        %add3A_162 = arith.addi %mul3A_81, %add3A_161 : i32
        %add3A_163 = arith.constant 2 : i32
        %add3A_164 = arith.addi %add3A_162, %add3A_163 : i32
        %lt3A_165 = arith.constant 40 : i32
        %lt3A_166 = arith.cmpi slt, %add3A_164, %lt3A_165 : i32
        %convert_element_type3A_167 = arith.extui %lt3A_166 : i1 to i32
        %cond3A_168 = arith.constant 0 : i32
        %cond3A_169 = arith.cmpi ne, %convert_element_type3A_167, %cond3A_168 : i32
        scf.if %cond3A_169 {
          %add3A_179 = arith.constant 2 : i32
          %add3A_180 = arith.addi %mul3A_81, %add3A_179 : i32
          %dma_wait3A_181 = arith.constant 0 : i32
          %dma_wait3A_182 = tpu.memref_slice %arg8[%add3A_180, %dma_wait3A_181] : memref<40x125xi32, #tpu.memory_space<vmem>> -> memref<1x125xi32, #tpu.memory_space<vmem>>
          %dma_wait3A_183 = tpu.memref_squeeze %dma_wait3A_182 : memref<1x125xi32, #tpu.memory_space<vmem>> -> memref<125xi32, #tpu.memory_space<vmem>>
          %dma_wait3A_184 = arith.constant 0 : i32
          %dma_wait3A_185 = arith.constant 0 : i32
          %dma_wait3A_186 = tpu.memref_slice %arg13[%dma_wait3A_184, %dma_wait3A_185] : memref<51200x16xf32, #tpu.memory_space<vmem_shared>> -> memref<51200x16xf32, #tpu.memory_space<vmem_shared>>
          tpu.wait_indirect_dma semaphore(%arg20 : memref<!tpu.dma_semaphore, #tpu.memory_space<semaphore_mem>>) src(%arg11 : memref<125x16xf32, #tpu.memory_space<vmem>>) dst(%dma_wait3A_186 : memref<51200x16xf32, #tpu.memory_space<vmem_shared>>)
          %dma_start3A_187 = arith.constant 0 : i32
          %dma_start3A_188 = tpu.memref_slice %arg7[%add3A_164, %dma_start3A_187] : memref<40x125xi32, #tpu.memory_space<vmem>> -> memref<1x125xi32, #tpu.memory_space<vmem>>
          %dma_start3A_189 = tpu.memref_squeeze %dma_start3A_188 : memref<1x125xi32, #tpu.memory_space<vmem>> -> memref<125xi32, #tpu.memory_space<vmem>>
          %dma_start3A_190 = arith.constant 0 : i32
          %dma_start3A_191 = arith.constant 0 : i32
          %dma_start3A_192 = tpu.memref_slice %arg2[%dma_start3A_190, %dma_start3A_191] : memref<51200x16xf32, #tpu.memory_space<hbm>> -> memref<51200x16xf32, #tpu.memory_space<hbm>>
          tpu.enqueue_indirect_dma source(%dma_start3A_192 : memref<51200x16xf32, #tpu.memory_space<hbm>>) target(%arg11 : memref<125x16xf32, #tpu.memory_space<vmem>>) offsets(%dma_start3A_189 : memref<125xi32, #tpu.memory_space<vmem>>) semaphore(%arg16 : memref<!tpu.dma_semaphore, #tpu.memory_space<semaphore_mem>>)
        } else {
        }
        %add3A_170 = arith.constant 4 : i32
        %add3A_171 = arith.addi %mul3A_81, %add3A_170 : i32
        %add3A_172 = arith.constant 3 : i32
        %add3A_173 = arith.addi %add3A_171, %add3A_172 : i32
        %lt3A_174 = arith.constant 40 : i32
        %lt3A_175 = arith.cmpi slt, %add3A_173, %lt3A_174 : i32
        %convert_element_type3A_176 = arith.extui %lt3A_175 : i1 to i32
        %cond3A_177 = arith.constant 0 : i32
        %cond3A_178 = arith.cmpi ne, %convert_element_type3A_176, %cond3A_177 : i32
        scf.if %cond3A_178 {
          %add3A_179 = arith.constant 3 : i32
          %add3A_180 = arith.addi %mul3A_81, %add3A_179 : i32
          %dma_wait3A_181 = arith.constant 0 : i32
          %dma_wait3A_182 = tpu.memref_slice %arg8[%add3A_180, %dma_wait3A_181] : memref<40x125xi32, #tpu.memory_space<vmem>> -> memref<1x125xi32, #tpu.memory_space<vmem>>
          %dma_wait3A_183 = tpu.memref_squeeze %dma_wait3A_182 : memref<1x125xi32, #tpu.memory_space<vmem>> -> memref<125xi32, #tpu.memory_space<vmem>>
          %dma_wait3A_184 = arith.constant 0 : i32
          %dma_wait3A_185 = arith.constant 0 : i32
          %dma_wait3A_186 = tpu.memref_slice %arg13[%dma_wait3A_184, %dma_wait3A_185] : memref<51200x16xf32, #tpu.memory_space<vmem_shared>> -> memref<51200x16xf32, #tpu.memory_space<vmem_shared>>
          tpu.wait_indirect_dma semaphore(%arg21 : memref<!tpu.dma_semaphore, #tpu.memory_space<semaphore_mem>>) src(%arg12 : memref<125x16xf32, #tpu.memory_space<vmem>>) dst(%dma_wait3A_186 : memref<51200x16xf32, #tpu.memory_space<vmem_shared>>)
          %dma_start3A_187 = arith.constant 0 : i32
          %dma_start3A_188 = tpu.memref_slice %arg7[%add3A_173, %dma_start3A_187] : memref<40x125xi32, #tpu.memory_space<vmem>> -> memref<1x125xi32, #tpu.memory_space<vmem>>
          %dma_start3A_189 = tpu.memref_squeeze %dma_start3A_188 : memref<1x125xi32, #tpu.memory_space<vmem>> -> memref<125xi32, #tpu.memory_space<vmem>>
          %dma_start3A_190 = arith.constant 0 : i32
          %dma_start3A_191 = arith.constant 0 : i32
          %dma_start3A_192 = tpu.memref_slice %arg2[%dma_start3A_190, %dma_start3A_191] : memref<51200x16xf32, #tpu.memory_space<hbm>> -> memref<51200x16xf32, #tpu.memory_space<hbm>>
          tpu.enqueue_indirect_dma source(%dma_start3A_192 : memref<51200x16xf32, #tpu.memory_space<hbm>>) target(%arg12 : memref<125x16xf32, #tpu.memory_space<vmem>>) offsets(%dma_start3A_189 : memref<125xi32, #tpu.memory_space<vmem>>) semaphore(%arg17 : memref<!tpu.dma_semaphore, #tpu.memory_space<semaphore_mem>>)
        } else {
        }
      }
      %scan3A_51 = arith.constant 10 : i32
      %dma_wait3A = arith.constant 0 : i32
      %dma_wait3A_52 = arith.constant 0 : i32
      %dma_wait3A_53 = tpu.memref_slice %arg8[%dma_wait3A, %dma_wait3A_52] : memref<40x125xi32, #tpu.memory_space<vmem>> -> memref<1x125xi32, #tpu.memory_space<vmem>>
      %dma_wait3A_54 = tpu.memref_squeeze %dma_wait3A_53 : memref<1x125xi32, #tpu.memory_space<vmem>> -> memref<125xi32, #tpu.memory_space<vmem>>
      %dma_wait3A_55 = arith.constant 0 : i32
      %dma_wait3A_56 = arith.constant 0 : i32
      %dma_wait3A_57 = tpu.memref_slice %arg13[%dma_wait3A_55, %dma_wait3A_56] : memref<51200x16xf32, #tpu.memory_space<vmem_shared>> -> memref<51200x16xf32, #tpu.memory_space<vmem_shared>>
      tpu.wait_indirect_dma semaphore(%arg18 : memref<!tpu.dma_semaphore, #tpu.memory_space<semaphore_mem>>) src(%arg9 : memref<125x16xf32, #tpu.memory_space<vmem>>) dst(%dma_wait3A_57 : memref<51200x16xf32, #tpu.memory_space<vmem_shared>>)
      %dma_wait3A_58 = arith.constant 1 : i32
      %dma_wait3A_59 = arith.constant 0 : i32
      %dma_wait3A_60 = tpu.memref_slice %arg8[%dma_wait3A_58, %dma_wait3A_59] : memref<40x125xi32, #tpu.memory_space<vmem>> -> memref<1x125xi32, #tpu.memory_space<vmem>>
      %dma_wait3A_61 = tpu.memref_squeeze %dma_wait3A_60 : memref<1x125xi32, #tpu.memory_space<vmem>> -> memref<125xi32, #tpu.memory_space<vmem>>
      %dma_wait3A_62 = arith.constant 0 : i32
      %dma_wait3A_63 = arith.constant 0 : i32
      %dma_wait3A_64 = tpu.memref_slice %arg13[%dma_wait3A_62, %dma_wait3A_63] : memref<51200x16xf32, #tpu.memory_space<vmem_shared>> -> memref<51200x16xf32, #tpu.memory_space<vmem_shared>>
      tpu.wait_indirect_dma semaphore(%arg19 : memref<!tpu.dma_semaphore, #tpu.memory_space<semaphore_mem>>) src(%arg10 : memref<125x16xf32, #tpu.memory_space<vmem>>) dst(%dma_wait3A_64 : memref<51200x16xf32, #tpu.memory_space<vmem_shared>>)
      %dma_wait3A_65 = arith.constant 2 : i32
      %dma_wait3A_66 = arith.constant 0 : i32
      %dma_wait3A_67 = tpu.memref_slice %arg8[%dma_wait3A_65, %dma_wait3A_66] : memref<40x125xi32, #tpu.memory_space<vmem>> -> memref<1x125xi32, #tpu.memory_space<vmem>>
      %dma_wait3A_68 = tpu.memref_squeeze %dma_wait3A_67 : memref<1x125xi32, #tpu.memory_space<vmem>> -> memref<125xi32, #tpu.memory_space<vmem>>
      %dma_wait3A_69 = arith.constant 0 : i32
      %dma_wait3A_70 = arith.constant 0 : i32
      %dma_wait3A_71 = tpu.memref_slice %arg13[%dma_wait3A_69, %dma_wait3A_70] : memref<51200x16xf32, #tpu.memory_space<vmem_shared>> -> memref<51200x16xf32, #tpu.memory_space<vmem_shared>>
      tpu.wait_indirect_dma semaphore(%arg20 : memref<!tpu.dma_semaphore, #tpu.memory_space<semaphore_mem>>) src(%arg11 : memref<125x16xf32, #tpu.memory_space<vmem>>) dst(%dma_wait3A_71 : memref<51200x16xf32, #tpu.memory_space<vmem_shared>>)
      %dma_wait3A_72 = arith.constant 3 : i32
      %dma_wait3A_73 = arith.constant 0 : i32
      %dma_wait3A_74 = tpu.memref_slice %arg8[%dma_wait3A_72, %dma_wait3A_73] : memref<40x125xi32, #tpu.memory_space<vmem>> -> memref<1x125xi32, #tpu.memory_space<vmem>>
      %dma_wait3A_75 = tpu.memref_squeeze %dma_wait3A_74 : memref<1x125xi32, #tpu.memory_space<vmem>> -> memref<125xi32, #tpu.memory_space<vmem>>
      %dma_wait3A_76 = arith.constant 0 : i32
      %dma_wait3A_77 = arith.constant 0 : i32
      %dma_wait3A_78 = tpu.memref_slice %arg13[%dma_wait3A_76, %dma_wait3A_77] : memref<51200x16xf32, #tpu.memory_space<vmem_shared>> -> memref<51200x16xf32, #tpu.memory_space<vmem_shared>>
      tpu.wait_indirect_dma semaphore(%arg21 : memref<!tpu.dma_semaphore, #tpu.memory_space<semaphore_mem>>) src(%arg12 : memref<125x16xf32, #tpu.memory_space<vmem>>) dst(%dma_wait3A_78 : memref<51200x16xf32, #tpu.memory_space<vmem_shared>>)
    }
    %scan3A_9 = arith.constant 10 : i32
    %barrier3A_10 = arith.constant 0 : index
    tpu.barrier barrier_id(%barrier3A_10)
    %mul3A_11 = arith.constant 3200 : i32
    %mul3A_12 = arith.muli %arg1, %mul3A_11 : i32
    %mul3A_13 = arith.constant 3200 : i32
    %mul3A_14 = arith.muli %arg1, %mul3A_13 : i32
    "tpu.region"() ({
      %run_scoped3A = tpu.sem_alloc : memref<!tpu.dma_semaphore, #tpu.memory_space<semaphore_mem>>
      %dma_start3A = arith.constant 0 : i32
      %dma_start3A_15 = tpu.memref_slice %arg6[%arg0, %mul3A_14, %dma_start3A] : memref<2x51200x16xf32, #tpu.memory_space<hbm>> -> memref<1x3200x16xf32, #tpu.memory_space<hbm>>
      %dma_start3A_16 = tpu.memref_squeeze %dma_start3A_15 : memref<1x3200x16xf32, #tpu.memory_space<hbm>> -> memref<3200x16xf32, #tpu.memory_space<hbm>>
      %dma_start3A_17 = arith.constant 0 : i32
      %dma_start3A_18 = tpu.memref_slice %arg13[%mul3A_12, %dma_start3A_17] : memref<51200x16xf32, #tpu.memory_space<vmem_shared>> -> memref<3200x16xf32, #tpu.memory_space<vmem_shared>>
      tpu.enqueue_dma source(%dma_start3A_18 : memref<3200x16xf32, #tpu.memory_space<vmem_shared>>) target(%dma_start3A_16 : memref<3200x16xf32, #tpu.memory_space<hbm>>) target_semaphore(%run_scoped3A : memref<!tpu.dma_semaphore, #tpu.memory_space<semaphore_mem>>)
      %dma_wait3A = arith.constant 0 : i32
      %dma_wait3A_19 = tpu.memref_slice %arg6[%arg0, %mul3A_14, %dma_wait3A] : memref<2x51200x16xf32, #tpu.memory_space<hbm>> -> memref<1x3200x16xf32, #tpu.memory_space<hbm>>
      %dma_wait3A_20 = tpu.memref_squeeze %dma_wait3A_19 : memref<1x3200x16xf32, #tpu.memory_space<hbm>> -> memref<3200x16xf32, #tpu.memory_space<hbm>>
      %dma_wait3A_21 = arith.constant 0 : i32
      %dma_wait3A_22 = tpu.memref_slice %arg13[%mul3A_12, %dma_wait3A_21] : memref<51200x16xf32, #tpu.memory_space<vmem_shared>> -> memref<3200x16xf32, #tpu.memory_space<vmem_shared>>
      tpu.wait_dma2 semaphore(%run_scoped3A : memref<!tpu.dma_semaphore, #tpu.memory_space<semaphore_mem>>) src(%dma_wait3A_22 : memref<3200x16xf32, #tpu.memory_space<vmem_shared>>) dst(%dma_wait3A_20 : memref<3200x16xf32, #tpu.memory_space<hbm>>)
      tpu.yield
    }) : () -> ()
    return
  }
}

module attributes {stable_mosaic.version = 14 : i64} {
  func.func @_prep_body(%arg0: i32, %arg1: memref<1x1024xf32, #tpu.memory_space<vmem>>, %arg2: memref<8x1xf32, #tpu.memory_space<vmem>>, %arg3: memref<8x1xf32, #tpu.memory_space<vmem>>, %arg4: memref<16x1024xf32, #tpu.memory_space<vmem>>) attributes {dimension_semantics = [#tpu.dimension_semantics<arbitrary>], iteration_bounds = array<i64: 50>, scalar_prefetch = 0 : i64, scratch_operands = 0 : i64, tpu.core_type = #tpu.core_type<tc>, window_params = [{transform_indices = @transform_0, window_bounds = array<i64: 1, 1024>}, {pipeline_mode = #tpu.pipeline_mode<synchronous>, transform_indices = @transform_1, window_bounds = array<i64: 8, 1>}, {pipeline_mode = #tpu.pipeline_mode<synchronous>, transform_indices = @transform_2, window_bounds = array<i64: 8, 1>}, {transform_indices = @transform_3, window_bounds = array<i64: 16, 1024>}]} {
    %get3A = arith.constant 0 : index
    %get3A_0 = arith.constant 0 : index
    %get3A_1 = vector.load %arg1[%get3A, %get3A_0] : memref<1x1024xf32, #tpu.memory_space<vmem>>, vector<1x1024xf32>
    %get3A_2 = arith.constant 0 : index
    %get3A_3 = arith.constant 0 : index
    %get3A_4 = vector.load %arg2[%get3A_2, %get3A_3] : memref<8x1xf32, #tpu.memory_space<vmem>>, vector<8x1xf32>
    %mul3A = vector.broadcast %get3A_4 : vector<8x1xf32> to vector<8x1024xf32>
    %mul3A_5 = vector.broadcast %get3A_1 : vector<1x1024xf32> to vector<8x1024xf32>
    %mul3A_6 = arith.mulf %mul3A, %mul3A_5 : vector<8x1024xf32>
    %get3A_7 = arith.constant 0 : index
    %get3A_8 = arith.constant 0 : index
    %get3A_9 = vector.load %arg3[%get3A_7, %get3A_8] : memref<8x1xf32, #tpu.memory_space<vmem>>, vector<8x1xf32>
    %add3A = vector.broadcast %get3A_9 : vector<8x1xf32> to vector<8x1024xf32>
    %add3A_10 = arith.addf %mul3A_6, %add3A : vector<8x1024xf32>
    %tanh3A = math.tanh %add3A_10 : vector<8x1024xf32>
    %broadcast_in_dim3A = arith.constant 1.000000e+00 : f32
    %broadcast_in_dim3A_11 = vector.broadcast %broadcast_in_dim3A : f32 to vector<1x1024xf32>
    %broadcast_in_dim3A_12 = arith.constant 0.000000e+00 : f32
    %broadcast_in_dim3A_13 = vector.broadcast %broadcast_in_dim3A_12 : f32 to vector<7x1024xf32>
    %concatenate3A = tpu.concatenate %tanh3A, %broadcast_in_dim3A_11, %broadcast_in_dim3A_13 in 0 : vector<8x1024xf32>, vector<1x1024xf32>, vector<7x1024xf32> -> vector<16x1024xf32>
    %swap3A = arith.constant 0 : index
    %swap3A_14 = arith.constant 0 : index
    %swap3A_15 = vector.load %arg4[%swap3A, %swap3A_14] : memref<16x1024xf32, #tpu.memory_space<vmem>>, vector<16x1024xf32>
    tpu.vector_store %arg4[%swap3A, %swap3A_14], %concatenate3A {strides = array<i32>} : memref<16x1024xf32, #tpu.memory_space<vmem>>, vector<16x1024xf32>,
    return
  }
  func.func @transform_0(%arg0: i32) -> (i32, i32) {
    %c0_i32 = arith.constant 0 : i32
    %c0_i32_0 = arith.constant 0 : i32
    return %c0_i32, %arg0 : i32, i32
  }
  func.func @transform_1(%arg0: i32) -> (i32, i32) {
    %c0_i32 = arith.constant 0 : i32
    %c0_i32_0 = arith.constant 0 : i32
    %c0_i32_1 = arith.constant 0 : i32
    return %c0_i32, %c0_i32_0 : i32, i32
  }
  func.func @transform_2(%arg0: i32) -> (i32, i32) {
    %c0_i32 = arith.constant 0 : i32
    %c0_i32_0 = arith.constant 0 : i32
    %c0_i32_1 = arith.constant 0 : i32
    return %c0_i32, %c0_i32_0 : i32, i32
  }
  func.func @transform_3(%arg0: i32) -> (i32, i32) {
    %c0_i32 = arith.constant 0 : i32
    %c0_i32_0 = arith.constant 0 : i32
    return %c0_i32, %arg0 : i32, i32
  }
}

module attributes {stable_mosaic.version = 14 : i64} {
  func.func @_mid_a_body(%arg0: memref<2x16x51200xf32, #tpu.memory_space<vmem>>, %arg1: memref<16x51200xf32, #tpu.memory_space<vmem>>, %arg2: memref<1x51200xi32, #tpu.memory_space<vmem>>, %arg3: memref<8x8xf32, #tpu.memory_space<vmem>>, %arg4: memref<8x1xf32, #tpu.memory_space<vmem>>, %arg5: memref<8x8xf32, #tpu.memory_space<vmem>>, %arg6: memref<32x16xf32, #tpu.memory_space<vmem>>, %arg7: memref<32x8xf32, #tpu.memory_space<vmem>>, %arg8: memref<32x1xf32, #tpu.memory_space<vmem>>, %arg9: memref<32x1xf32, #tpu.memory_space<vmem>>, %arg10: memref<8x1xf32, #tpu.memory_space<vmem>>, %arg11: memref<8x1xf32, #tpu.memory_space<vmem>>, %arg12: memref<8x1xf32, #tpu.memory_space<vmem>>, %arg13: memref<16x51200xf32, #tpu.memory_space<vmem>>, %arg14: memref<8x51200xf32, #tpu.memory_space<vmem>>, %arg15: memref<8x512xf32, #tpu.memory_space<vmem>>) attributes {dimension_semantics = [], scalar_prefetch = 0 : i64, scratch_operands = 0 : i64, tpu.core_type = #tpu.core_type<tc>} {
    %get3A = arith.constant 0 : index
    %get3A_0 = arith.constant 0 : index
    %get3A_1 = vector.load %arg3[%get3A, %get3A_0] : memref<8x8xf32, #tpu.memory_space<vmem>>, vector<8x8xf32>
    %get3A_2 = arith.constant 0 : index
    %get3A_3 = arith.constant 0 : index
    %get3A_4 = vector.load %arg4[%get3A_2, %get3A_3] : memref<8x1xf32, #tpu.memory_space<vmem>>, vector<8x1xf32>
    %get3A_5 = arith.constant 0 : index
    %get3A_6 = arith.constant 0 : index
    %get3A_7 = vector.load %arg5[%get3A_5, %get3A_6] : memref<8x8xf32, #tpu.memory_space<vmem>>, vector<8x8xf32>
    %get3A_8 = arith.constant 0 : index
    %get3A_9 = arith.constant 0 : index
    %get3A_10 = vector.load %arg6[%get3A_8, %get3A_9] : memref<32x16xf32, #tpu.memory_space<vmem>>, vector<32x16xf32>
    %get3A_11 = arith.constant 0 : index
    %get3A_12 = arith.constant 0 : index
    %get3A_13 = vector.load %arg7[%get3A_11, %get3A_12] : memref<32x8xf32, #tpu.memory_space<vmem>>, vector<32x8xf32>
    %get3A_14 = arith.constant 0 : index
    %get3A_15 = arith.constant 0 : index
    %get3A_16 = vector.load %arg8[%get3A_14, %get3A_15] : memref<32x1xf32, #tpu.memory_space<vmem>>, vector<32x1xf32>
    %get3A_17 = arith.constant 0 : index
    %get3A_18 = arith.constant 0 : index
    %get3A_19 = vector.load %arg9[%get3A_17, %get3A_18] : memref<32x1xf32, #tpu.memory_space<vmem>>, vector<32x1xf32>
    %get3A_20 = arith.constant 0 : index
    %get3A_21 = arith.constant 0 : index
    %get3A_22 = vector.load %arg10[%get3A_20, %get3A_21] : memref<8x1xf32, #tpu.memory_space<vmem>>, vector<8x1xf32>
    %get3A_23 = arith.constant 0 : index
    %get3A_24 = arith.constant 0 : index
    %get3A_25 = vector.load %arg11[%get3A_23, %get3A_24] : memref<8x1xf32, #tpu.memory_space<vmem>>, vector<8x1xf32>
    %get3A_26 = arith.constant 0 : index
    %get3A_27 = arith.constant 0 : index
    %get3A_28 = vector.load %arg12[%get3A_26, %get3A_27] : memref<8x1xf32, #tpu.memory_space<vmem>>, vector<8x1xf32>
    %broadcast_in_dim3A = arith.constant 1.000000e+00 : f32
    %broadcast_in_dim3A_29 = vector.broadcast %broadcast_in_dim3A : f32 to vector<1x1024xf32>
    %broadcast_in_dim3A_30 = arith.constant 0.000000e+00 : f32
    %broadcast_in_dim3A_31 = vector.broadcast %broadcast_in_dim3A_30 : f32 to vector<1x512xf32>
    %broadcast_in_dim3A_32 = arith.constant 0.000000e+00 : f32
    %broadcast_in_dim3A_33 = vector.broadcast %broadcast_in_dim3A_32 : f32 to vector<8x512xf32>
    %broadcast_in_dim3A_34 = arith.constant 0.000000e+00 : f32
    %broadcast_in_dim3A_35 = vector.broadcast %broadcast_in_dim3A_34 : f32 to vector<16x1xf32>
    %broadcast_in_dim3A_36 = arith.constant 0.000000e+00 : f32
    %broadcast_in_dim3A_37 = vector.broadcast %broadcast_in_dim3A_36 : f32 to vector<8x1xf32>
    %broadcast_in_dim3A_38 = arith.constant 0.000000e+00 : f32
    %broadcast_in_dim3A_39 = vector.broadcast %broadcast_in_dim3A_38 : f32 to vector<8x1xf32>
    %dot_general3A = arith.constant dense<0.000000e+00> : vector<32x1xf32>
    %dot_general3A_40 = tpu.matmul %get3A_10, %broadcast_in_dim3A_35, %dot_general3A {dimension_numbers = #tpu.dot_dimension_numbers<[1], [0], [0], [1], [0, 0, 1, 1], [], []>, transpose_lhs_hint = false} : vector<32x16xf32>, vector<16x1xf32>, vector<32x1xf32> -> vector<32x1xf32>
    %add3A = arith.addf %dot_general3A_40, %get3A_16 : vector<32x1xf32>
    %dot_general3A_41 = arith.constant dense<0.000000e+00> : vector<32x1xf32>
    %dot_general3A_42 = tpu.matmul %get3A_13, %broadcast_in_dim3A_37, %dot_general3A_41 {dimension_numbers = #tpu.dot_dimension_numbers<[1], [0], [0], [1], [0, 0, 1, 1], [], []>, transpose_lhs_hint = false} : vector<32x8xf32>, vector<8x1xf32>, vector<32x1xf32> -> vector<32x1xf32>
    %add3A_43 = arith.addf %add3A, %dot_general3A_42 : vector<32x1xf32>
    %add3A_44 = arith.addf %add3A_43, %get3A_19 : vector<32x1xf32>
    %slice3A = vector.extract_strided_slice %add3A_44 {offsets = [0, 0], sizes = [8, 1], strides = [1, 1]} : vector<32x1xf32> to vector<8x1xf32>
    %logistic3A = arith.negf %slice3A : vector<8x1xf32>
    %logistic3A_45 = math.exp %logistic3A : vector<8x1xf32>
    %logistic3A_46 = arith.constant 1.000000e+00 : f32
    %logistic3A_47 = vector.broadcast %logistic3A_46 : f32 to vector<8x1xf32>
    %logistic3A_48 = arith.addf %logistic3A_47, %logistic3A_45 : vector<8x1xf32>
    %logistic3A_49 = arith.divf %logistic3A_47, %logistic3A_48 : vector<8x1xf32>
    %slice3A_50 = vector.extract_strided_slice %add3A_44 {offsets = [8, 0], sizes = [8, 1], strides = [1, 1]} : vector<32x1xf32> to vector<8x1xf32>
    %logistic3A_51 = arith.negf %slice3A_50 : vector<8x1xf32>
    %logistic3A_52 = math.exp %logistic3A_51 : vector<8x1xf32>
    %logistic3A_53 = arith.constant 1.000000e+00 : f32
    %logistic3A_54 = vector.broadcast %logistic3A_53 : f32 to vector<8x1xf32>
    %logistic3A_55 = arith.addf %logistic3A_54, %logistic3A_52 : vector<8x1xf32>
    %logistic3A_56 = arith.divf %logistic3A_54, %logistic3A_55 : vector<8x1xf32>
    %slice3A_57 = vector.extract_strided_slice %add3A_44 {offsets = [16, 0], sizes = [8, 1], strides = [1, 1]} : vector<32x1xf32> to vector<8x1xf32>
    %tanh3A = math.tanh %slice3A_57 : vector<8x1xf32>
    %slice3A_58 = vector.extract_strided_slice %add3A_44 {offsets = [24, 0], sizes = [8, 1], strides = [1, 1]} : vector<32x1xf32> to vector<8x1xf32>
    %logistic3A_59 = arith.negf %slice3A_58 : vector<8x1xf32>
    %logistic3A_60 = math.exp %logistic3A_59 : vector<8x1xf32>
    %logistic3A_61 = arith.constant 1.000000e+00 : f32
    %logistic3A_62 = vector.broadcast %logistic3A_61 : f32 to vector<8x1xf32>
    %logistic3A_63 = arith.addf %logistic3A_62, %logistic3A_60 : vector<8x1xf32>
    %logistic3A_64 = arith.divf %logistic3A_62, %logistic3A_63 : vector<8x1xf32>
    %mul3A = arith.mulf %logistic3A_56, %broadcast_in_dim3A_39 : vector<8x1xf32>
    %mul3A_65 = arith.mulf %logistic3A_49, %tanh3A : vector<8x1xf32>
    %add3A_66 = arith.addf %mul3A, %mul3A_65 : vector<8x1xf32>
    %tanh3A_67 = math.tanh %add3A_66 : vector<8x1xf32>
    %mul3A_68 = arith.mulf %logistic3A_64, %tanh3A_67 : vector<8x1xf32>
    %scan3A = arith.constant 0 : i32
    %scan3A_69 = arith.constant 25 : i32
    %scan3A_70 = arith.addi %scan3A, %scan3A_69 : i32
    %scan3A_71 = arith.constant 1 : i32
    %scan3A_72:4 = scf.for %scan3A_189 = %scan3A to %scan3A_70 step %scan3A_71 iter_args(%scan3A_190 = %broadcast_in_dim3A_31, %scan3A_191 = %broadcast_in_dim3A_33, %scan3A_192 = %broadcast_in_dim3A_31, %scan3A_193 = %broadcast_in_dim3A_33) -> (vector<1x512xf32>, vector<8x512xf32>, vector<1x512xf32>, vector<8x512xf32>)  : i32 {
      %mul3A_194 = arith.constant 2 : i32
      %mul3A_195 = arith.muli %scan3A_189, %mul3A_194 : i32
      %add3A_196 = arith.constant 0 : i32
      %add3A_197 = arith.addi %mul3A_195, %add3A_196 : i32
      %mul3A_198 = arith.constant 1024 : i32
      %mul3A_199 = arith.muli %add3A_197, %mul3A_198 : i32
      %get3A_200 = arith.constant 0 : index
      %get3A_201 = arith.constant 0 : index
      %get3A_202 = arith.index_cast %mul3A_199 : i32 to index
      %get3A_203 = vector.load %arg0[%get3A_200, %get3A_201, %get3A_202] : memref<2x16x51200xf32, #tpu.memory_space<vmem>>, vector<1x16x1024xf32>
      %get3A_204 = vector.shape_cast %get3A_203 : vector<1x16x1024xf32> to vector<16x1024xf32>
      %get3A_205 = arith.constant 1 : index
      %get3A_206 = arith.constant 0 : index
      %get3A_207 = arith.index_cast %mul3A_199 : i32 to index
      %get3A_208 = vector.load %arg0[%get3A_205, %get3A_206, %get3A_207] : memref<2x16x51200xf32, #tpu.memory_space<vmem>>, vector<1x16x1024xf32>
      %get3A_209 = vector.shape_cast %get3A_208 : vector<1x16x1024xf32> to vector<16x1024xf32>
      %add3A_210 = arith.addf %get3A_204, %get3A_209 : vector<16x1024xf32>
      %slice3A_211 = vector.extract_strided_slice %add3A_210 {offsets = [8, 0], sizes = [1, 1024], strides = [1, 1]} : vector<16x1024xf32> to vector<1x1024xf32>
      %slice3A_212 = vector.extract_strided_slice %add3A_210 {offsets = [0, 0], sizes = [8, 1024], strides = [1, 1]} : vector<16x1024xf32> to vector<8x1024xf32>
      %max3A_213 = arith.constant 1.000000e+00 : f32
      %max3A_214 = vector.broadcast %max3A_213 : f32 to vector<1x1024xf32>
      %max3A_215 = arith.maximumf %slice3A_211, %max3A_214 : vector<1x1024xf32>
      %div3A_216 = vector.broadcast %max3A_215 : vector<1x1024xf32> to vector<8x1024xf32>
      %div3A_217 = arith.divf %slice3A_212, %div3A_216 : vector<8x1024xf32>
      %get3A_218 = arith.constant 0 : index
      %get3A_219 = arith.index_cast %mul3A_199 : i32 to index
      %get3A_220 = vector.load %arg1[%get3A_218, %get3A_219] : memref<16x51200xf32, #tpu.memory_space<vmem>>, vector<8x1024xf32>
      %dot_general3A_221 = arith.constant dense<0.000000e+00> : vector<8x1024xf32>
      %dot_general3A_222 = tpu.matmul %get3A_1, %div3A_217, %dot_general3A_221 {dimension_numbers = #tpu.dot_dimension_numbers<[1], [0], [0], [1], [0, 0, 1, 1], [], []>, transpose_lhs_hint = false} : vector<8x8xf32>, vector<8x1024xf32>, vector<8x1024xf32> -> vector<8x1024xf32>
      %dot_general3A_223 = arith.constant dense<0.000000e+00> : vector<8x1024xf32>
      %dot_general3A_224 = tpu.matmul %get3A_7, %get3A_220, %dot_general3A_223 {dimension_numbers = #tpu.dot_dimension_numbers<[1], [0], [0], [1], [0, 0, 1, 1], [], []>, transpose_lhs_hint = false} : vector<8x8xf32>, vector<8x1024xf32>, vector<8x1024xf32> -> vector<8x1024xf32>
      %add3A_225 = arith.addf %dot_general3A_222, %dot_general3A_224 : vector<8x1024xf32>
      %add3A_226 = vector.broadcast %get3A_4 : vector<8x1xf32> to vector<8x1024xf32>
      %add3A_227 = arith.addf %add3A_225, %add3A_226 : vector<8x1024xf32>
      %tanh3A_228 = math.tanh %add3A_227 : vector<8x1024xf32>
      %swap3A_229 = arith.constant 0 : index
      %swap3A_230 = arith.index_cast %mul3A_199 : i32 to index
      %swap3A_231 = vector.load %arg14[%swap3A_229, %swap3A_230] : memref<8x51200xf32, #tpu.memory_space<vmem>>, vector<8x1024xf32>
      tpu.vector_store %arg14[%swap3A_229, %swap3A_230], %tanh3A_228 {strides = array<i32>} : memref<8x51200xf32, #tpu.memory_space<vmem>>, vector<8x1024xf32>,
      %mul3A_232 = arith.constant 1024 : i32
      %mul3A_233 = arith.muli %add3A_197, %mul3A_232 : i32
      %get3A_234 = arith.constant 0 : index
      %get3A_235 = arith.index_cast %mul3A_233 : i32 to index
      %get3A_236 = vector.load %arg2[%get3A_234, %get3A_235] : memref<1x51200xi32, #tpu.memory_space<vmem>>, vector<1x1024xi32>
      %iota3A = tpu.iota {dimensions = array<i32: 0>} : vector<512x1024xi32>
      %eq3A = vector.broadcast %get3A_236 : vector<1x1024xi32> to vector<512x1024xi32>
      %eq3A_237 = arith.cmpi eq, %iota3A, %eq3A : vector<512x1024xi32>
      %jit3A = arith.constant 1.000000e+00 : f32
      %jit3A_238 = arith.constant 0.000000e+00 : f32
      %broadcast_in_dim3A_239 = vector.broadcast %jit3A : f32 to vector<512x1024xf32>
      %broadcast_in_dim3A_240 = vector.broadcast %jit3A_238 : f32 to vector<512x1024xf32>
      %select_n3A = arith.select %eq3A_237, %broadcast_in_dim3A_239, %broadcast_in_dim3A_240 : vector<512x1024xi1>, vector<512x1024xf32>
      %mul3A_241 = vector.broadcast %mul3A_68 : vector<8x1xf32> to vector<8x1024xf32>
      %mul3A_242 = arith.mulf %tanh3A_228, %mul3A_241 : vector<8x1024xf32>
      %reduce_sum3A = arith.constant dense<0.000000e+00> : vector<1024xf32>
      %reduce_sum3A_243 = vector.multi_reduction <add>, %mul3A_242, %reduce_sum3A [0] : vector<8x1024xf32> to vector<1024xf32>
      %broadcast_in_dim3A_244 = vector.shape_cast %reduce_sum3A_243 : vector<1024xf32> to vector<1x1024xf32>
      %exp3A = math.exp %broadcast_in_dim3A_244 : vector<1x1024xf32>
      %dot_general3A_245 = arith.constant dense<0.000000e+00> : vector<1x512xf32>
      %dot_general3A_246 = tpu.matmul %exp3A, %select_n3A, %dot_general3A_245 {dimension_numbers = #tpu.dot_dimension_numbers<[1], [1], [0], [0], [0, 0, 1, 0], [], []>, transpose_lhs_hint = false} : vector<1x1024xf32>, vector<512x1024xf32>, vector<1x512xf32> -> vector<1x512xf32>
      %add3A_247 = arith.addf %scan3A_192, %dot_general3A_246 : vector<1x512xf32>
      %mul3A_248 = vector.broadcast %exp3A : vector<1x1024xf32> to vector<8x1024xf32>
      %mul3A_249 = arith.mulf %mul3A_248, %tanh3A_228 : vector<8x1024xf32>
      %dot_general3A_250 = arith.constant dense<0.000000e+00> : vector<8x512xf32>
      %dot_general3A_251 = tpu.matmul %mul3A_249, %select_n3A, %dot_general3A_250 {dimension_numbers = #tpu.dot_dimension_numbers<[1], [1], [0], [0], [0, 0, 1, 0], [], []>, transpose_lhs_hint = false} : vector<8x1024xf32>, vector<512x1024xf32>, vector<8x512xf32> -> vector<8x512xf32>
      %add3A_252 = arith.addf %scan3A_193, %dot_general3A_251 : vector<8x512xf32>
      %dot_general3A_253 = arith.constant dense<0.000000e+00> : vector<1x512xf32>
      %dot_general3A_254 = tpu.matmul %broadcast_in_dim3A_29, %select_n3A, %dot_general3A_253 {dimension_numbers = #tpu.dot_dimension_numbers<[1], [1], [0], [0], [0, 0, 1, 0], [], []>, transpose_lhs_hint = false} : vector<1x1024xf32>, vector<512x1024xf32>, vector<1x512xf32> -> vector<1x512xf32>
      %add3A_255 = arith.addf %scan3A_190, %dot_general3A_254 : vector<1x512xf32>
      %dot_general3A_256 = arith.constant dense<0.000000e+00> : vector<8x512xf32>
      %dot_general3A_257 = tpu.matmul %tanh3A_228, %select_n3A, %dot_general3A_256 {dimension_numbers = #tpu.dot_dimension_numbers<[1], [1], [0], [0], [0, 0, 1, 0], [], []>, transpose_lhs_hint = false} : vector<8x1024xf32>, vector<512x1024xf32>, vector<8x512xf32> -> vector<8x512xf32>
      %add3A_258 = arith.addf %scan3A_191, %dot_general3A_257 : vector<8x512xf32>
      %mul3A_259 = arith.constant 2 : i32
      %mul3A_260 = arith.muli %scan3A_189, %mul3A_259 : i32
      %add3A_261 = arith.constant 1 : i32
      %add3A_262 = arith.addi %mul3A_260, %add3A_261 : i32
      %mul3A_263 = arith.constant 1024 : i32
      %mul3A_264 = arith.muli %add3A_262, %mul3A_263 : i32
      %get3A_265 = arith.constant 0 : index
      %get3A_266 = arith.constant 0 : index
      %get3A_267 = arith.index_cast %mul3A_264 : i32 to index
      %get3A_268 = vector.load %arg0[%get3A_265, %get3A_266, %get3A_267] : memref<2x16x51200xf32, #tpu.memory_space<vmem>>, vector<1x16x1024xf32>
      %get3A_269 = vector.shape_cast %get3A_268 : vector<1x16x1024xf32> to vector<16x1024xf32>
      %get3A_270 = arith.constant 1 : index
      %get3A_271 = arith.constant 0 : index
      %get3A_272 = arith.index_cast %mul3A_264 : i32 to index
      %get3A_273 = vector.load %arg0[%get3A_270, %get3A_271, %get3A_272] : memref<2x16x51200xf32, #tpu.memory_space<vmem>>, vector<1x16x1024xf32>
      %get3A_274 = vector.shape_cast %get3A_273 : vector<1x16x1024xf32> to vector<16x1024xf32>
      %add3A_275 = arith.addf %get3A_269, %get3A_274 : vector<16x1024xf32>
      %slice3A_276 = vector.extract_strided_slice %add3A_275 {offsets = [8, 0], sizes = [1, 1024], strides = [1, 1]} : vector<16x1024xf32> to vector<1x1024xf32>
      %slice3A_277 = vector.extract_strided_slice %add3A_275 {offsets = [0, 0], sizes = [8, 1024], strides = [1, 1]} : vector<16x1024xf32> to vector<8x1024xf32>
      %max3A_278 = arith.constant 1.000000e+00 : f32
      %max3A_279 = vector.broadcast %max3A_278 : f32 to vector<1x1024xf32>
      %max3A_280 = arith.maximumf %slice3A_276, %max3A_279 : vector<1x1024xf32>
      %div3A_281 = vector.broadcast %max3A_280 : vector<1x1024xf32> to vector<8x1024xf32>
      %div3A_282 = arith.divf %slice3A_277, %div3A_281 : vector<8x1024xf32>
      %get3A_283 = arith.constant 0 : index
      %get3A_284 = arith.index_cast %mul3A_264 : i32 to index
      %get3A_285 = vector.load %arg1[%get3A_283, %get3A_284] : memref<16x51200xf32, #tpu.memory_space<vmem>>, vector<8x1024xf32>
      %dot_general3A_286 = arith.constant dense<0.000000e+00> : vector<8x1024xf32>
      %dot_general3A_287 = tpu.matmul %get3A_1, %div3A_282, %dot_general3A_286 {dimension_numbers = #tpu.dot_dimension_numbers<[1], [0], [0], [1], [0, 0, 1, 1], [], []>, transpose_lhs_hint = false} : vector<8x8xf32>, vector<8x1024xf32>, vector<8x1024xf32> -> vector<8x1024xf32>
      %dot_general3A_288 = arith.constant dense<0.000000e+00> : vector<8x1024xf32>
      %dot_general3A_289 = tpu.matmul %get3A_7, %get3A_285, %dot_general3A_288 {dimension_numbers = #tpu.dot_dimension_numbers<[1], [0], [0], [1], [0, 0, 1, 1], [], []>, transpose_lhs_hint = false} : vector<8x8xf32>, vector<8x1024xf32>, vector<8x1024xf32> -> vector<8x1024xf32>
      %add3A_290 = arith.addf %dot_general3A_287, %dot_general3A_289 : vector<8x1024xf32>
      %add3A_291 = vector.broadcast %get3A_4 : vector<8x1xf32> to vector<8x1024xf32>
      %add3A_292 = arith.addf %add3A_290, %add3A_291 : vector<8x1024xf32>
      %tanh3A_293 = math.tanh %add3A_292 : vector<8x1024xf32>
      %swap3A_294 = arith.constant 0 : index
      %swap3A_295 = arith.index_cast %mul3A_264 : i32 to index
      %swap3A_296 = vector.load %arg14[%swap3A_294, %swap3A_295] : memref<8x51200xf32, #tpu.memory_space<vmem>>, vector<8x1024xf32>
      tpu.vector_store %arg14[%swap3A_294, %swap3A_295], %tanh3A_293 {strides = array<i32>} : memref<8x51200xf32, #tpu.memory_space<vmem>>, vector<8x1024xf32>,
      %mul3A_297 = arith.constant 1024 : i32
      %mul3A_298 = arith.muli %add3A_262, %mul3A_297 : i32
      %get3A_299 = arith.constant 0 : index
      %get3A_300 = arith.index_cast %mul3A_298 : i32 to index
      %get3A_301 = vector.load %arg2[%get3A_299, %get3A_300] : memref<1x51200xi32, #tpu.memory_space<vmem>>, vector<1x1024xi32>
      %iota3A_302 = tpu.iota {dimensions = array<i32: 0>} : vector<512x1024xi32>
      %eq3A_303 = vector.broadcast %get3A_301 : vector<1x1024xi32> to vector<512x1024xi32>
      %eq3A_304 = arith.cmpi eq, %iota3A_302, %eq3A_303 : vector<512x1024xi32>
      %jit3A_305 = arith.constant 1.000000e+00 : f32
      %jit3A_306 = arith.constant 0.000000e+00 : f32
      %broadcast_in_dim3A_307 = vector.broadcast %jit3A_305 : f32 to vector<512x1024xf32>
      %broadcast_in_dim3A_308 = vector.broadcast %jit3A_306 : f32 to vector<512x1024xf32>
      %select_n3A_309 = arith.select %eq3A_304, %broadcast_in_dim3A_307, %broadcast_in_dim3A_308 : vector<512x1024xi1>, vector<512x1024xf32>
      %mul3A_310 = vector.broadcast %mul3A_68 : vector<8x1xf32> to vector<8x1024xf32>
      %mul3A_311 = arith.mulf %tanh3A_293, %mul3A_310 : vector<8x1024xf32>
      %reduce_sum3A_312 = arith.constant dense<0.000000e+00> : vector<1024xf32>
      %reduce_sum3A_313 = vector.multi_reduction <add>, %mul3A_311, %reduce_sum3A_312 [0] : vector<8x1024xf32> to vector<1024xf32>
      %broadcast_in_dim3A_314 = vector.shape_cast %reduce_sum3A_313 : vector<1024xf32> to vector<1x1024xf32>
      %exp3A_315 = math.exp %broadcast_in_dim3A_314 : vector<1x1024xf32>
      %dot_general3A_316 = arith.constant dense<0.000000e+00> : vector<1x512xf32>
      %dot_general3A_317 = tpu.matmul %exp3A_315, %select_n3A_309, %dot_general3A_316 {dimension_numbers = #tpu.dot_dimension_numbers<[1], [1], [0], [0], [0, 0, 1, 0], [], []>, transpose_lhs_hint = false} : vector<1x1024xf32>, vector<512x1024xf32>, vector<1x512xf32> -> vector<1x512xf32>
      %add3A_318 = arith.addf %add3A_247, %dot_general3A_317 : vector<1x512xf32>
      %mul3A_319 = vector.broadcast %exp3A_315 : vector<1x1024xf32> to vector<8x1024xf32>
      %mul3A_320 = arith.mulf %mul3A_319, %tanh3A_293 : vector<8x1024xf32>
      %dot_general3A_321 = arith.constant dense<0.000000e+00> : vector<8x512xf32>
      %dot_general3A_322 = tpu.matmul %mul3A_320, %select_n3A_309, %dot_general3A_321 {dimension_numbers = #tpu.dot_dimension_numbers<[1], [1], [0], [0], [0, 0, 1, 0], [], []>, transpose_lhs_hint = false} : vector<8x1024xf32>, vector<512x1024xf32>, vector<8x512xf32> -> vector<8x512xf32>
      %add3A_323 = arith.addf %add3A_252, %dot_general3A_322 : vector<8x512xf32>
      %dot_general3A_324 = arith.constant dense<0.000000e+00> : vector<1x512xf32>
      %dot_general3A_325 = tpu.matmul %broadcast_in_dim3A_29, %select_n3A_309, %dot_general3A_324 {dimension_numbers = #tpu.dot_dimension_numbers<[1], [1], [0], [0], [0, 0, 1, 0], [], []>, transpose_lhs_hint = false} : vector<1x1024xf32>, vector<512x1024xf32>, vector<1x512xf32> -> vector<1x512xf32>
      %add3A_326 = arith.addf %add3A_255, %dot_general3A_325 : vector<1x512xf32>
      %dot_general3A_327 = arith.constant dense<0.000000e+00> : vector<8x512xf32>
      %dot_general3A_328 = tpu.matmul %tanh3A_293, %select_n3A_309, %dot_general3A_327 {dimension_numbers = #tpu.dot_dimension_numbers<[1], [1], [0], [0], [0, 0, 1, 0], [], []>, transpose_lhs_hint = false} : vector<8x1024xf32>, vector<512x1024xf32>, vector<8x512xf32> -> vector<8x512xf32>
      %add3A_329 = arith.addf %add3A_258, %dot_general3A_328 : vector<8x512xf32>
      scf.yield %add3A_326, %add3A_329, %add3A_318, %add3A_323 : vector<1x512xf32>, vector<8x512xf32>, vector<1x512xf32>, vector<8x512xf32>
    }
    %scan3A_73 = arith.constant 25 : i32
    %max3A = arith.constant 1.000000e+00 : f32
    %max3A_74 = vector.broadcast %max3A : f32 to vector<1x512xf32>
    %max3A_75 = arith.maximumf %scan3A_72#0, %max3A_74 : vector<1x512xf32>
    %div3A = vector.broadcast %max3A_75 : vector<1x512xf32> to vector<8x512xf32>
    %div3A_76 = arith.divf %scan3A_72#1, %div3A : vector<8x512xf32>
    %broadcast_in_dim3A_77 = arith.constant 0.000000e+00 : f32
    %broadcast_in_dim3A_78 = vector.broadcast %broadcast_in_dim3A_77 : f32 to vector<8x512xf32>
    %add3A_79 = vector.broadcast %mul3A_68 : vector<8x1xf32> to vector<8x512xf32>
    %add3A_80 = arith.addf %add3A_79, %broadcast_in_dim3A_78 : vector<8x512xf32>
    %add3A_81 = arith.constant 1.000000e-16 : f32
    %add3A_82 = vector.broadcast %add3A_81 : f32 to vector<1x512xf32>
    %add3A_83 = arith.addf %scan3A_72#2, %add3A_82 : vector<1x512xf32>
    %div3A_84 = vector.broadcast %add3A_83 : vector<1x512xf32> to vector<8x512xf32>
    %div3A_85 = arith.divf %scan3A_72#3, %div3A_84 : vector<8x512xf32>
    %concatenate3A = tpu.concatenate %add3A_80, %div3A_85 in 0 : vector<8x512xf32>, vector<8x512xf32> -> vector<16x512xf32>
    %dot_general3A_86 = arith.constant dense<0.000000e+00> : vector<32x512xf32>
    %dot_general3A_87 = tpu.matmul %get3A_10, %concatenate3A, %dot_general3A_86 {dimension_numbers = #tpu.dot_dimension_numbers<[1], [0], [0], [1], [0, 0, 1, 1], [], []>, transpose_lhs_hint = false} : vector<32x16xf32>, vector<16x512xf32>, vector<32x512xf32> -> vector<32x512xf32>
    %add3A_88 = vector.broadcast %get3A_16 : vector<32x1xf32> to vector<32x512xf32>
    %add3A_89 = arith.addf %dot_general3A_87, %add3A_88 : vector<32x512xf32>
    %dot_general3A_90 = arith.constant dense<0.000000e+00> : vector<32x512xf32>
    %dot_general3A_91 = tpu.matmul %get3A_13, %add3A_80, %dot_general3A_90 {dimension_numbers = #tpu.dot_dimension_numbers<[1], [0], [0], [1], [0, 0, 1, 1], [], []>, transpose_lhs_hint = false} : vector<32x8xf32>, vector<8x512xf32>, vector<32x512xf32> -> vector<32x512xf32>
    %add3A_92 = arith.addf %add3A_89, %dot_general3A_91 : vector<32x512xf32>
    %add3A_93 = vector.broadcast %get3A_19 : vector<32x1xf32> to vector<32x512xf32>
    %add3A_94 = arith.addf %add3A_92, %add3A_93 : vector<32x512xf32>
    %slice3A_95 = vector.extract_strided_slice %add3A_94 {offsets = [0, 0], sizes = [8, 512], strides = [1, 1]} : vector<32x512xf32> to vector<8x512xf32>
    %logistic3A_96 = arith.negf %slice3A_95 : vector<8x512xf32>
    %logistic3A_97 = math.exp %logistic3A_96 : vector<8x512xf32>
    %logistic3A_98 = arith.constant 1.000000e+00 : f32
    %logistic3A_99 = vector.broadcast %logistic3A_98 : f32 to vector<8x512xf32>
    %logistic3A_100 = arith.addf %logistic3A_99, %logistic3A_97 : vector<8x512xf32>
    %logistic3A_101 = arith.divf %logistic3A_99, %logistic3A_100 : vector<8x512xf32>
    %slice3A_102 = vector.extract_strided_slice %add3A_94 {offsets = [8, 0], sizes = [8, 512], strides = [1, 1]} : vector<32x512xf32> to vector<8x512xf32>
    %logistic3A_103 = arith.negf %slice3A_102 : vector<8x512xf32>
    %logistic3A_104 = math.exp %logistic3A_103 : vector<8x512xf32>
    %logistic3A_105 = arith.constant 1.000000e+00 : f32
    %logistic3A_106 = vector.broadcast %logistic3A_105 : f32 to vector<8x512xf32>
    %logistic3A_107 = arith.addf %logistic3A_106, %logistic3A_104 : vector<8x512xf32>
    %logistic3A_108 = arith.divf %logistic3A_106, %logistic3A_107 : vector<8x512xf32>
    %slice3A_109 = vector.extract_strided_slice %add3A_94 {offsets = [16, 0], sizes = [8, 512], strides = [1, 1]} : vector<32x512xf32> to vector<8x512xf32>
    %tanh3A_110 = math.tanh %slice3A_109 : vector<8x512xf32>
    %slice3A_111 = vector.extract_strided_slice %add3A_94 {offsets = [24, 0], sizes = [8, 512], strides = [1, 1]} : vector<32x512xf32> to vector<8x512xf32>
    %logistic3A_112 = arith.negf %slice3A_111 : vector<8x512xf32>
    %logistic3A_113 = math.exp %logistic3A_112 : vector<8x512xf32>
    %logistic3A_114 = arith.constant 1.000000e+00 : f32
    %logistic3A_115 = vector.broadcast %logistic3A_114 : f32 to vector<8x512xf32>
    %logistic3A_116 = arith.addf %logistic3A_115, %logistic3A_113 : vector<8x512xf32>
    %logistic3A_117 = arith.divf %logistic3A_115, %logistic3A_116 : vector<8x512xf32>
    %mul3A_118 = vector.broadcast %add3A_66 : vector<8x1xf32> to vector<8x512xf32>
    %mul3A_119 = arith.mulf %logistic3A_108, %mul3A_118 : vector<8x512xf32>
    %mul3A_120 = arith.mulf %logistic3A_101, %tanh3A_110 : vector<8x512xf32>
    %add3A_121 = arith.addf %mul3A_119, %mul3A_120 : vector<8x512xf32>
    %tanh3A_122 = math.tanh %add3A_121 : vector<8x512xf32>
    %mul3A_123 = arith.mulf %logistic3A_117, %tanh3A_122 : vector<8x512xf32>
    %scan3A_124 = arith.constant 0 : i32
    %scan3A_125 = arith.constant 25 : i32
    %scan3A_126 = arith.addi %scan3A_124, %scan3A_125 : i32
    %scan3A_127 = arith.constant 1 : i32
    %scan3A_128:3 = scf.for %scan3A_189 = %scan3A_124 to %scan3A_126 step %scan3A_127 iter_args(%scan3A_190 = %broadcast_in_dim3A_31, %scan3A_191 = %broadcast_in_dim3A_33, %scan3A_192 = %broadcast_in_dim3A_33) -> (vector<1x512xf32>, vector<8x512xf32>, vector<8x512xf32>)  : i32 {
      %mul3A_193 = arith.constant 2 : i32
      %mul3A_194 = arith.muli %scan3A_189, %mul3A_193 : i32
      %add3A_195 = arith.constant 0 : i32
      %add3A_196 = arith.addi %mul3A_194, %add3A_195 : i32
      %mul3A_197 = arith.constant 1024 : i32
      %mul3A_198 = arith.muli %add3A_196, %mul3A_197 : i32
      %get3A_199 = arith.constant 0 : index
      %get3A_200 = arith.index_cast %mul3A_198 : i32 to index
      %get3A_201 = vector.load %arg14[%get3A_199, %get3A_200] : memref<8x51200xf32, #tpu.memory_space<vmem>>, vector<8x1024xf32>
      %mul3A_202 = arith.constant 1024 : i32
      %mul3A_203 = arith.muli %add3A_196, %mul3A_202 : i32
      %get3A_204 = arith.constant 0 : index
      %get3A_205 = arith.index_cast %mul3A_203 : i32 to index
      %get3A_206 = vector.load %arg2[%get3A_204, %get3A_205] : memref<1x51200xi32, #tpu.memory_space<vmem>>, vector<1x1024xi32>
      %iota3A = tpu.iota {dimensions = array<i32: 0>} : vector<512x1024xi32>
      %eq3A = vector.broadcast %get3A_206 : vector<1x1024xi32> to vector<512x1024xi32>
      %eq3A_207 = arith.cmpi eq, %iota3A, %eq3A : vector<512x1024xi32>
      %jit3A = arith.constant 1.000000e+00 : f32
      %jit3A_208 = arith.constant 0.000000e+00 : f32
      %broadcast_in_dim3A_209 = vector.broadcast %jit3A : f32 to vector<512x1024xf32>
      %broadcast_in_dim3A_210 = vector.broadcast %jit3A_208 : f32 to vector<512x1024xf32>
      %select_n3A = arith.select %eq3A_207, %broadcast_in_dim3A_209, %broadcast_in_dim3A_210 : vector<512x1024xi1>, vector<512x1024xf32>
      %dot_general3A_211 = arith.constant dense<0.000000e+00> : vector<8x1024xf32>
      %dot_general3A_212 = tpu.matmul %mul3A_123, %select_n3A, %dot_general3A_211 {dimension_numbers = #tpu.dot_dimension_numbers<[1], [0], [0], [1], [0, 0, 1, 1], [], []>, transpose_lhs_hint = false} : vector<8x512xf32>, vector<512x1024xf32>, vector<8x1024xf32> -> vector<8x1024xf32>
      %mul3A_213 = arith.mulf %get3A_201, %dot_general3A_212 : vector<8x1024xf32>
      %reduce_sum3A = arith.constant dense<0.000000e+00> : vector<1024xf32>
      %reduce_sum3A_214 = vector.multi_reduction <add>, %mul3A_213, %reduce_sum3A [0] : vector<8x1024xf32> to vector<1024xf32>
      %broadcast_in_dim3A_215 = vector.shape_cast %reduce_sum3A_214 : vector<1024xf32> to vector<1x1024xf32>
      %exp3A = math.exp %broadcast_in_dim3A_215 : vector<1x1024xf32>
      %dot_general3A_216 = arith.constant dense<0.000000e+00> : vector<1x512xf32>
      %dot_general3A_217 = tpu.matmul %exp3A, %select_n3A, %dot_general3A_216 {dimension_numbers = #tpu.dot_dimension_numbers<[1], [1], [0], [0], [0, 0, 1, 0], [], []>, transpose_lhs_hint = false} : vector<1x1024xf32>, vector<512x1024xf32>, vector<1x512xf32> -> vector<1x512xf32>
      %add3A_218 = arith.addf %scan3A_190, %dot_general3A_217 : vector<1x512xf32>
      %mul3A_219 = vector.broadcast %exp3A : vector<1x1024xf32> to vector<8x1024xf32>
      %mul3A_220 = arith.mulf %mul3A_219, %get3A_201 : vector<8x1024xf32>
      %dot_general3A_221 = arith.constant dense<0.000000e+00> : vector<8x512xf32>
      %dot_general3A_222 = tpu.matmul %mul3A_220, %select_n3A, %dot_general3A_221 {dimension_numbers = #tpu.dot_dimension_numbers<[1], [1], [0], [0], [0, 0, 1, 0], [], []>, transpose_lhs_hint = false} : vector<8x1024xf32>, vector<512x1024xf32>, vector<8x512xf32> -> vector<8x512xf32>
      %add3A_223 = arith.addf %scan3A_191, %dot_general3A_222 : vector<8x512xf32>
      %dot_general3A_224 = arith.constant dense<0.000000e+00> : vector<8x1024xf32>
      %dot_general3A_225 = tpu.matmul %div3A_76, %select_n3A, %dot_general3A_224 {dimension_numbers = #tpu.dot_dimension_numbers<[1], [0], [0], [1], [0, 0, 1, 1], [], []>, transpose_lhs_hint = false} : vector<8x512xf32>, vector<512x1024xf32>, vector<8x1024xf32> -> vector<8x1024xf32>
      %mul3A_226 = vector.broadcast %get3A_28 : vector<8x1xf32> to vector<8x1024xf32>
      %mul3A_227 = arith.mulf %dot_general3A_225, %mul3A_226 : vector<8x1024xf32>
      %sub3A = arith.subf %get3A_201, %mul3A_227 : vector<8x1024xf32>
      %mul3A_228 = arith.mulf %sub3A, %sub3A : vector<8x1024xf32>
      %dot_general3A_229 = arith.constant dense<0.000000e+00> : vector<8x512xf32>
      %dot_general3A_230 = tpu.matmul %mul3A_228, %select_n3A, %dot_general3A_229 {dimension_numbers = #tpu.dot_dimension_numbers<[1], [1], [0], [0], [0, 0, 1, 0], [], []>, transpose_lhs_hint = false} : vector<8x1024xf32>, vector<512x1024xf32>, vector<8x512xf32> -> vector<8x512xf32>
      %add3A_231 = arith.addf %scan3A_192, %dot_general3A_230 : vector<8x512xf32>
      %mul3A_232 = arith.constant 2 : i32
      %mul3A_233 = arith.muli %scan3A_189, %mul3A_232 : i32
      %add3A_234 = arith.constant 1 : i32
      %add3A_235 = arith.addi %mul3A_233, %add3A_234 : i32
      %mul3A_236 = arith.constant 1024 : i32
      %mul3A_237 = arith.muli %add3A_235, %mul3A_236 : i32
      %get3A_238 = arith.constant 0 : index
      %get3A_239 = arith.index_cast %mul3A_237 : i32 to index
      %get3A_240 = vector.load %arg14[%get3A_238, %get3A_239] : memref<8x51200xf32, #tpu.memory_space<vmem>>, vector<8x1024xf32>
      %mul3A_241 = arith.constant 1024 : i32
      %mul3A_242 = arith.muli %add3A_235, %mul3A_241 : i32
      %get3A_243 = arith.constant 0 : index
      %get3A_244 = arith.index_cast %mul3A_242 : i32 to index
      %get3A_245 = vector.load %arg2[%get3A_243, %get3A_244] : memref<1x51200xi32, #tpu.memory_space<vmem>>, vector<1x1024xi32>
      %iota3A_246 = tpu.iota {dimensions = array<i32: 0>} : vector<512x1024xi32>
      %eq3A_247 = vector.broadcast %get3A_245 : vector<1x1024xi32> to vector<512x1024xi32>
      %eq3A_248 = arith.cmpi eq, %iota3A_246, %eq3A_247 : vector<512x1024xi32>
      %jit3A_249 = arith.constant 1.000000e+00 : f32
      %jit3A_250 = arith.constant 0.000000e+00 : f32
      %broadcast_in_dim3A_251 = vector.broadcast %jit3A_249 : f32 to vector<512x1024xf32>
      %broadcast_in_dim3A_252 = vector.broadcast %jit3A_250 : f32 to vector<512x1024xf32>
      %select_n3A_253 = arith.select %eq3A_248, %broadcast_in_dim3A_251, %broadcast_in_dim3A_252 : vector<512x1024xi1>, vector<512x1024xf32>
      %dot_general3A_254 = arith.constant dense<0.000000e+00> : vector<8x1024xf32>
      %dot_general3A_255 = tpu.matmul %mul3A_123, %select_n3A_253, %dot_general3A_254 {dimension_numbers = #tpu.dot_dimension_numbers<[1], [0], [0], [1], [0, 0, 1, 1], [], []>, transpose_lhs_hint = false} : vector<8x512xf32>, vector<512x1024xf32>, vector<8x1024xf32> -> vector<8x1024xf32>
      %mul3A_256 = arith.mulf %get3A_240, %dot_general3A_255 : vector<8x1024xf32>
      %reduce_sum3A_257 = arith.constant dense<0.000000e+00> : vector<1024xf32>
      %reduce_sum3A_258 = vector.multi_reduction <add>, %mul3A_256, %reduce_sum3A_257 [0] : vector<8x1024xf32> to vector<1024xf32>
      %broadcast_in_dim3A_259 = vector.shape_cast %reduce_sum3A_258 : vector<1024xf32> to vector<1x1024xf32>
      %exp3A_260 = math.exp %broadcast_in_dim3A_259 : vector<1x1024xf32>
      %dot_general3A_261 = arith.constant dense<0.000000e+00> : vector<1x512xf32>
      %dot_general3A_262 = tpu.matmul %exp3A_260, %select_n3A_253, %dot_general3A_261 {dimension_numbers = #tpu.dot_dimension_numbers<[1], [1], [0], [0], [0, 0, 1, 0], [], []>, transpose_lhs_hint = false} : vector<1x1024xf32>, vector<512x1024xf32>, vector<1x512xf32> -> vector<1x512xf32>
      %add3A_263 = arith.addf %add3A_218, %dot_general3A_262 : vector<1x512xf32>
      %mul3A_264 = vector.broadcast %exp3A_260 : vector<1x1024xf32> to vector<8x1024xf32>
      %mul3A_265 = arith.mulf %mul3A_264, %get3A_240 : vector<8x1024xf32>
      %dot_general3A_266 = arith.constant dense<0.000000e+00> : vector<8x512xf32>
      %dot_general3A_267 = tpu.matmul %mul3A_265, %select_n3A_253, %dot_general3A_266 {dimension_numbers = #tpu.dot_dimension_numbers<[1], [1], [0], [0], [0, 0, 1, 0], [], []>, transpose_lhs_hint = false} : vector<8x1024xf32>, vector<512x1024xf32>, vector<8x512xf32> -> vector<8x512xf32>
      %add3A_268 = arith.addf %add3A_223, %dot_general3A_267 : vector<8x512xf32>
      %dot_general3A_269 = arith.constant dense<0.000000e+00> : vector<8x1024xf32>
      %dot_general3A_270 = tpu.matmul %div3A_76, %select_n3A_253, %dot_general3A_269 {dimension_numbers = #tpu.dot_dimension_numbers<[1], [0], [0], [1], [0, 0, 1, 1], [], []>, transpose_lhs_hint = false} : vector<8x512xf32>, vector<512x1024xf32>, vector<8x1024xf32> -> vector<8x1024xf32>
      %mul3A_271 = vector.broadcast %get3A_28 : vector<8x1xf32> to vector<8x1024xf32>
      %mul3A_272 = arith.mulf %dot_general3A_270, %mul3A_271 : vector<8x1024xf32>
      %sub3A_273 = arith.subf %get3A_240, %mul3A_272 : vector<8x1024xf32>
      %mul3A_274 = arith.mulf %sub3A_273, %sub3A_273 : vector<8x1024xf32>
      %dot_general3A_275 = arith.constant dense<0.000000e+00> : vector<8x512xf32>
      %dot_general3A_276 = tpu.matmul %mul3A_274, %select_n3A_253, %dot_general3A_275 {dimension_numbers = #tpu.dot_dimension_numbers<[1], [1], [0], [0], [0, 0, 1, 0], [], []>, transpose_lhs_hint = false} : vector<8x1024xf32>, vector<512x1024xf32>, vector<8x512xf32> -> vector<8x512xf32>
      %add3A_277 = arith.addf %add3A_231, %dot_general3A_276 : vector<8x512xf32>
      scf.yield %add3A_263, %add3A_268, %add3A_277 : vector<1x512xf32>, vector<8x512xf32>, vector<8x512xf32>
    }
    %scan3A_129 = arith.constant 25 : i32
    %add3A_130 = arith.constant 1.000000e-16 : f32
    %add3A_131 = vector.broadcast %add3A_130 : f32 to vector<1x512xf32>
    %add3A_132 = arith.addf %scan3A_128#0, %add3A_131 : vector<1x512xf32>
    %div3A_133 = vector.broadcast %add3A_132 : vector<1x512xf32> to vector<8x512xf32>
    %div3A_134 = arith.divf %scan3A_128#1, %div3A_133 : vector<8x512xf32>
    %concatenate3A_135 = tpu.concatenate %mul3A_123, %div3A_134 in 0 : vector<8x512xf32>, vector<8x512xf32> -> vector<16x512xf32>
    %dot_general3A_136 = arith.constant dense<0.000000e+00> : vector<32x512xf32>
    %dot_general3A_137 = tpu.matmul %get3A_10, %concatenate3A_135, %dot_general3A_136 {dimension_numbers = #tpu.dot_dimension_numbers<[1], [0], [0], [1], [0, 0, 1, 1], [], []>, transpose_lhs_hint = false} : vector<32x16xf32>, vector<16x512xf32>, vector<32x512xf32> -> vector<32x512xf32>
    %add3A_138 = vector.broadcast %get3A_16 : vector<32x1xf32> to vector<32x512xf32>
    %add3A_139 = arith.addf %dot_general3A_137, %add3A_138 : vector<32x512xf32>
    %dot_general3A_140 = arith.constant dense<0.000000e+00> : vector<32x512xf32>
    %dot_general3A_141 = tpu.matmul %get3A_13, %mul3A_123, %dot_general3A_140 {dimension_numbers = #tpu.dot_dimension_numbers<[1], [0], [0], [1], [0, 0, 1, 1], [], []>, transpose_lhs_hint = false} : vector<32x8xf32>, vector<8x512xf32>, vector<32x512xf32> -> vector<32x512xf32>
    %add3A_142 = arith.addf %add3A_139, %dot_general3A_141 : vector<32x512xf32>
    %add3A_143 = vector.broadcast %get3A_19 : vector<32x1xf32> to vector<32x512xf32>
    %add3A_144 = arith.addf %add3A_142, %add3A_143 : vector<32x512xf32>
    %slice3A_145 = vector.extract_strided_slice %add3A_144 {offsets = [0, 0], sizes = [8, 512], strides = [1, 1]} : vector<32x512xf32> to vector<8x512xf32>
    %logistic3A_146 = arith.negf %slice3A_145 : vector<8x512xf32>
    %logistic3A_147 = math.exp %logistic3A_146 : vector<8x512xf32>
    %logistic3A_148 = arith.constant 1.000000e+00 : f32
    %logistic3A_149 = vector.broadcast %logistic3A_148 : f32 to vector<8x512xf32>
    %logistic3A_150 = arith.addf %logistic3A_149, %logistic3A_147 : vector<8x512xf32>
    %logistic3A_151 = arith.divf %logistic3A_149, %logistic3A_150 : vector<8x512xf32>
    %slice3A_152 = vector.extract_strided_slice %add3A_144 {offsets = [8, 0], sizes = [8, 512], strides = [1, 1]} : vector<32x512xf32> to vector<8x512xf32>
    %logistic3A_153 = arith.negf %slice3A_152 : vector<8x512xf32>
    %logistic3A_154 = math.exp %logistic3A_153 : vector<8x512xf32>
    %logistic3A_155 = arith.constant 1.000000e+00 : f32
    %logistic3A_156 = vector.broadcast %logistic3A_155 : f32 to vector<8x512xf32>
    %logistic3A_157 = arith.addf %logistic3A_156, %logistic3A_154 : vector<8x512xf32>
    %logistic3A_158 = arith.divf %logistic3A_156, %logistic3A_157 : vector<8x512xf32>
    %slice3A_159 = vector.extract_strided_slice %add3A_144 {offsets = [16, 0], sizes = [8, 512], strides = [1, 1]} : vector<32x512xf32> to vector<8x512xf32>
    %tanh3A_160 = math.tanh %slice3A_159 : vector<8x512xf32>
    %slice3A_161 = vector.extract_strided_slice %add3A_144 {offsets = [24, 0], sizes = [8, 512], strides = [1, 1]} : vector<32x512xf32> to vector<8x512xf32>
    %logistic3A_162 = arith.negf %slice3A_161 : vector<8x512xf32>
    %logistic3A_163 = math.exp %logistic3A_162 : vector<8x512xf32>
    %logistic3A_164 = arith.constant 1.000000e+00 : f32
    %logistic3A_165 = vector.broadcast %logistic3A_164 : f32 to vector<8x512xf32>
    %logistic3A_166 = arith.addf %logistic3A_165, %logistic3A_163 : vector<8x512xf32>
    %logistic3A_167 = arith.divf %logistic3A_165, %logistic3A_166 : vector<8x512xf32>
    %mul3A_168 = arith.mulf %logistic3A_158, %add3A_121 : vector<8x512xf32>
    %mul3A_169 = arith.mulf %logistic3A_151, %tanh3A_160 : vector<8x512xf32>
    %add3A_170 = arith.addf %mul3A_168, %mul3A_169 : vector<8x512xf32>
    %tanh3A_171 = math.tanh %add3A_170 : vector<8x512xf32>
    %mul3A_172 = arith.mulf %logistic3A_167, %tanh3A_171 : vector<8x512xf32>
    %swap3A = arith.constant 0 : index
    %swap3A_173 = arith.constant 0 : index
    %swap3A_174 = vector.load %arg15[%swap3A, %swap3A_173] : memref<8x512xf32, #tpu.memory_space<vmem>>, vector<8x512xf32>
    tpu.vector_store %arg15[%swap3A, %swap3A_173], %mul3A_172 {strides = array<i32>} : memref<8x512xf32, #tpu.memory_space<vmem>>, vector<8x512xf32>,
    %div3A_175 = vector.broadcast %max3A_75 : vector<1x512xf32> to vector<8x512xf32>
    %div3A_176 = arith.divf %scan3A_128#2, %div3A_175 : vector<8x512xf32>
    %add3A_177 = arith.constant 9.99999974E-6 : f32
    %add3A_178 = vector.broadcast %add3A_177 : f32 to vector<8x512xf32>
    %add3A_179 = arith.addf %div3A_176, %add3A_178 : vector<8x512xf32>
    %rsqrt3A = math.rsqrt %add3A_179 : vector<8x512xf32>
    %broadcast_in_dim3A_180 = arith.constant 1.000000e+00 : f32
    %broadcast_in_dim3A_181 = vector.broadcast %broadcast_in_dim3A_180 : f32 to vector<1x1024xf32>
    %broadcast_in_dim3A_182 = arith.constant 0.000000e+00 : f32
    %broadcast_in_dim3A_183 = vector.broadcast %broadcast_in_dim3A_182 : f32 to vector<7x1024xf32>
    %scan3A_184 = arith.constant 0 : i32
    %scan3A_185 = arith.constant 25 : i32
    %scan3A_186 = arith.addi %scan3A_184, %scan3A_185 : i32
    %scan3A_187 = arith.constant 1 : i32
    scf.for %scan3A_189 = %scan3A_184 to %scan3A_186 step %scan3A_187  : i32 {
      %mul3A_190 = arith.constant 2 : i32
      %mul3A_191 = arith.muli %scan3A_189, %mul3A_190 : i32
      %add3A_192 = arith.constant 0 : i32
      %add3A_193 = arith.addi %mul3A_191, %add3A_192 : i32
      %mul3A_194 = arith.constant 1024 : i32
      %mul3A_195 = arith.muli %add3A_193, %mul3A_194 : i32
      %mul3A_196 = arith.constant 1024 : i32
      %mul3A_197 = arith.muli %add3A_193, %mul3A_196 : i32
      %get3A_198 = arith.constant 0 : index
      %get3A_199 = arith.index_cast %mul3A_197 : i32 to index
      %get3A_200 = vector.load %arg2[%get3A_198, %get3A_199] : memref<1x51200xi32, #tpu.memory_space<vmem>>, vector<1x1024xi32>
      %iota3A = tpu.iota {dimensions = array<i32: 0>} : vector<512x1024xi32>
      %eq3A = vector.broadcast %get3A_200 : vector<1x1024xi32> to vector<512x1024xi32>
      %eq3A_201 = arith.cmpi eq, %iota3A, %eq3A : vector<512x1024xi32>
      %jit3A = arith.constant 1.000000e+00 : f32
      %jit3A_202 = arith.constant 0.000000e+00 : f32
      %broadcast_in_dim3A_203 = vector.broadcast %jit3A : f32 to vector<512x1024xf32>
      %broadcast_in_dim3A_204 = vector.broadcast %jit3A_202 : f32 to vector<512x1024xf32>
      %select_n3A = arith.select %eq3A_201, %broadcast_in_dim3A_203, %broadcast_in_dim3A_204 : vector<512x1024xi1>, vector<512x1024xf32>
      %get3A_205 = arith.constant 0 : index
      %get3A_206 = arith.index_cast %mul3A_195 : i32 to index
      %get3A_207 = vector.load %arg14[%get3A_205, %get3A_206] : memref<8x51200xf32, #tpu.memory_space<vmem>>, vector<8x1024xf32>
      %dot_general3A_208 = arith.constant dense<0.000000e+00> : vector<8x1024xf32>
      %dot_general3A_209 = tpu.matmul %div3A_76, %select_n3A, %dot_general3A_208 {dimension_numbers = #tpu.dot_dimension_numbers<[1], [0], [0], [1], [0, 0, 1, 1], [], []>, transpose_lhs_hint = false} : vector<8x512xf32>, vector<512x1024xf32>, vector<8x1024xf32> -> vector<8x1024xf32>
      %mul3A_210 = vector.broadcast %get3A_28 : vector<8x1xf32> to vector<8x1024xf32>
      %mul3A_211 = arith.mulf %dot_general3A_209, %mul3A_210 : vector<8x1024xf32>
      %sub3A = arith.subf %get3A_207, %mul3A_211 : vector<8x1024xf32>
      %mul3A_212 = vector.broadcast %get3A_22 : vector<8x1xf32> to vector<8x1024xf32>
      %mul3A_213 = arith.mulf %mul3A_212, %sub3A : vector<8x1024xf32>
      %dot_general3A_214 = arith.constant dense<0.000000e+00> : vector<8x1024xf32>
      %dot_general3A_215 = tpu.matmul %rsqrt3A, %select_n3A, %dot_general3A_214 {dimension_numbers = #tpu.dot_dimension_numbers<[1], [0], [0], [1], [0, 0, 1, 1], [], []>, transpose_lhs_hint = false} : vector<8x512xf32>, vector<512x1024xf32>, vector<8x1024xf32> -> vector<8x1024xf32>
      %mul3A_216 = arith.mulf %mul3A_213, %dot_general3A_215 : vector<8x1024xf32>
      %add3A_217 = vector.broadcast %get3A_25 : vector<8x1xf32> to vector<8x1024xf32>
      %add3A_218 = arith.addf %mul3A_216, %add3A_217 : vector<8x1024xf32>
      %concatenate3A_219 = tpu.concatenate %add3A_218, %broadcast_in_dim3A_181, %broadcast_in_dim3A_183 in 0 : vector<8x1024xf32>, vector<1x1024xf32>, vector<7x1024xf32> -> vector<16x1024xf32>
      %swap3A_220 = arith.constant 0 : index
      %swap3A_221 = arith.index_cast %mul3A_195 : i32 to index
      %swap3A_222 = vector.load %arg13[%swap3A_220, %swap3A_221] : memref<16x51200xf32, #tpu.memory_space<vmem>>, vector<16x1024xf32>
      tpu.vector_store %arg13[%swap3A_220, %swap3A_221], %concatenate3A_219 {strides = array<i32>} : memref<16x51200xf32, #tpu.memory_space<vmem>>, vector<16x1024xf32>,
      %mul3A_223 = arith.constant 2 : i32
      %mul3A_224 = arith.muli %scan3A_189, %mul3A_223 : i32
      %add3A_225 = arith.constant 1 : i32
      %add3A_226 = arith.addi %mul3A_224, %add3A_225 : i32
      %mul3A_227 = arith.constant 1024 : i32
      %mul3A_228 = arith.muli %add3A_226, %mul3A_227 : i32
      %mul3A_229 = arith.constant 1024 : i32
      %mul3A_230 = arith.muli %add3A_226, %mul3A_229 : i32
      %get3A_231 = arith.constant 0 : index
      %get3A_232 = arith.index_cast %mul3A_230 : i32 to index
      %get3A_233 = vector.load %arg2[%get3A_231, %get3A_232] : memref<1x51200xi32, #tpu.memory_space<vmem>>, vector<1x1024xi32>
      %iota3A_234 = tpu.iota {dimensions = array<i32: 0>} : vector<512x1024xi32>
      %eq3A_235 = vector.broadcast %get3A_233 : vector<1x1024xi32> to vector<512x1024xi32>
      %eq3A_236 = arith.cmpi eq, %iota3A_234, %eq3A_235 : vector<512x1024xi32>
      %jit3A_237 = arith.constant 1.000000e+00 : f32
      %jit3A_238 = arith.constant 0.000000e+00 : f32
      %broadcast_in_dim3A_239 = vector.broadcast %jit3A_237 : f32 to vector<512x1024xf32>
      %broadcast_in_dim3A_240 = vector.broadcast %jit3A_238 : f32 to vector<512x1024xf32>
      %select_n3A_241 = arith.select %eq3A_236, %broadcast_in_dim3A_239, %broadcast_in_dim3A_240 : vector<512x1024xi1>, vector<512x1024xf32>
      %get3A_242 = arith.constant 0 : index
      %get3A_243 = arith.index_cast %mul3A_228 : i32 to index
      %get3A_244 = vector.load %arg14[%get3A_242, %get3A_243] : memref<8x51200xf32, #tpu.memory_space<vmem>>, vector<8x1024xf32>
      %dot_general3A_245 = arith.constant dense<0.000000e+00> : vector<8x1024xf32>
      %dot_general3A_246 = tpu.matmul %div3A_76, %select_n3A_241, %dot_general3A_245 {dimension_numbers = #tpu.dot_dimension_numbers<[1], [0], [0], [1], [0, 0, 1, 1], [], []>, transpose_lhs_hint = false} : vector<8x512xf32>, vector<512x1024xf32>, vector<8x1024xf32> -> vector<8x1024xf32>
      %mul3A_247 = vector.broadcast %get3A_28 : vector<8x1xf32> to vector<8x1024xf32>
      %mul3A_248 = arith.mulf %dot_general3A_246, %mul3A_247 : vector<8x1024xf32>
      %sub3A_249 = arith.subf %get3A_244, %mul3A_248 : vector<8x1024xf32>
      %mul3A_250 = vector.broadcast %get3A_22 : vector<8x1xf32> to vector<8x1024xf32>
      %mul3A_251 = arith.mulf %mul3A_250, %sub3A_249 : vector<8x1024xf32>
      %dot_general3A_252 = arith.constant dense<0.000000e+00> : vector<8x1024xf32>
      %dot_general3A_253 = tpu.matmul %rsqrt3A, %select_n3A_241, %dot_general3A_252 {dimension_numbers = #tpu.dot_dimension_numbers<[1], [0], [0], [1], [0, 0, 1, 1], [], []>, transpose_lhs_hint = false} : vector<8x512xf32>, vector<512x1024xf32>, vector<8x1024xf32> -> vector<8x1024xf32>
      %mul3A_254 = arith.mulf %mul3A_251, %dot_general3A_253 : vector<8x1024xf32>
      %add3A_255 = vector.broadcast %get3A_25 : vector<8x1xf32> to vector<8x1024xf32>
      %add3A_256 = arith.addf %mul3A_254, %add3A_255 : vector<8x1024xf32>
      %concatenate3A_257 = tpu.concatenate %add3A_256, %broadcast_in_dim3A_181, %broadcast_in_dim3A_183 in 0 : vector<8x1024xf32>, vector<1x1024xf32>, vector<7x1024xf32> -> vector<16x1024xf32>
      %swap3A_258 = arith.constant 0 : index
      %swap3A_259 = arith.index_cast %mul3A_228 : i32 to index
      %swap3A_260 = vector.load %arg13[%swap3A_258, %swap3A_259] : memref<16x51200xf32, #tpu.memory_space<vmem>>, vector<16x1024xf32>
      tpu.vector_store %arg13[%swap3A_258, %swap3A_259], %concatenate3A_257 {strides = array<i32>} : memref<16x51200xf32, #tpu.memory_space<vmem>>, vector<16x1024xf32>,
    }
    %scan3A_188 = arith.constant 25 : i32
    return
  }
}

module attributes {stable_mosaic.version = 14 : i64} {
  func.func @_mid_b_body(%arg0: memref<8x51200xf32, #tpu.memory_space<vmem>>, %arg1: memref<1x51200xi32, #tpu.memory_space<vmem>>, %arg2: memref<8x512xf32, #tpu.memory_space<vmem>>, %arg3: memref<16x512xf32, #tpu.memory_space<vmem>>) attributes {dimension_semantics = [], scalar_prefetch = 0 : i64, scratch_operands = 0 : i64, tpu.core_type = #tpu.core_type<tc>} {
    %get3A = arith.constant 0 : index
    %get3A_0 = arith.constant 0 : index
    %get3A_1 = vector.load %arg2[%get3A, %get3A_0] : memref<8x512xf32, #tpu.memory_space<vmem>>, vector<8x512xf32>
    %broadcast_in_dim3A = arith.constant 0.000000e+00 : f32
    %broadcast_in_dim3A_2 = vector.broadcast %broadcast_in_dim3A : f32 to vector<1x512xf32>
    %broadcast_in_dim3A_3 = arith.constant 0.000000e+00 : f32
    %broadcast_in_dim3A_4 = vector.broadcast %broadcast_in_dim3A_3 : f32 to vector<8x512xf32>
    %scan3A = arith.constant 0 : i32
    %scan3A_5 = arith.constant 25 : i32
    %scan3A_6 = arith.addi %scan3A, %scan3A_5 : i32
    %scan3A_7 = arith.constant 1 : i32
    %scan3A_8:2 = scf.for %scan3A_15 = %scan3A to %scan3A_6 step %scan3A_7 iter_args(%scan3A_16 = %broadcast_in_dim3A_2, %scan3A_17 = %broadcast_in_dim3A_4) -> (vector<1x512xf32>, vector<8x512xf32>)  : i32 {
      %mul3A = arith.constant 2 : i32
      %mul3A_18 = arith.muli %scan3A_15, %mul3A : i32
      %add3A_19 = arith.constant 0 : i32
      %add3A_20 = arith.addi %mul3A_18, %add3A_19 : i32
      %mul3A_21 = arith.constant 1024 : i32
      %mul3A_22 = arith.muli %add3A_20, %mul3A_21 : i32
      %get3A_23 = arith.constant 0 : index
      %get3A_24 = arith.index_cast %mul3A_22 : i32 to index
      %get3A_25 = vector.load %arg0[%get3A_23, %get3A_24] : memref<8x51200xf32, #tpu.memory_space<vmem>>, vector<8x1024xf32>
      %mul3A_26 = arith.constant 1024 : i32
      %mul3A_27 = arith.muli %add3A_20, %mul3A_26 : i32
      %get3A_28 = arith.constant 0 : index
      %get3A_29 = arith.index_cast %mul3A_27 : i32 to index
      %get3A_30 = vector.load %arg1[%get3A_28, %get3A_29] : memref<1x51200xi32, #tpu.memory_space<vmem>>, vector<1x1024xi32>
      %iota3A = tpu.iota {dimensions = array<i32: 0>} : vector<512x1024xi32>
      %eq3A = vector.broadcast %get3A_30 : vector<1x1024xi32> to vector<512x1024xi32>
      %eq3A_31 = arith.cmpi eq, %iota3A, %eq3A : vector<512x1024xi32>
      %jit3A = arith.constant 1.000000e+00 : f32
      %jit3A_32 = arith.constant 0.000000e+00 : f32
      %broadcast_in_dim3A_33 = vector.broadcast %jit3A : f32 to vector<512x1024xf32>
      %broadcast_in_dim3A_34 = vector.broadcast %jit3A_32 : f32 to vector<512x1024xf32>
      %select_n3A = arith.select %eq3A_31, %broadcast_in_dim3A_33, %broadcast_in_dim3A_34 : vector<512x1024xi1>, vector<512x1024xf32>
      %dot_general3A = arith.constant dense<0.000000e+00> : vector<8x1024xf32>
      %dot_general3A_35 = tpu.matmul %get3A_1, %select_n3A, %dot_general3A {dimension_numbers = #tpu.dot_dimension_numbers<[1], [0], [0], [1], [0, 0, 1, 1], [], []>, transpose_lhs_hint = false} : vector<8x512xf32>, vector<512x1024xf32>, vector<8x1024xf32> -> vector<8x1024xf32>
      %mul3A_36 = arith.mulf %get3A_25, %dot_general3A_35 : vector<8x1024xf32>
      %reduce_sum3A = arith.constant dense<0.000000e+00> : vector<1024xf32>
      %reduce_sum3A_37 = vector.multi_reduction <add>, %mul3A_36, %reduce_sum3A [0] : vector<8x1024xf32> to vector<1024xf32>
      %broadcast_in_dim3A_38 = vector.shape_cast %reduce_sum3A_37 : vector<1024xf32> to vector<1x1024xf32>
      %exp3A = math.exp %broadcast_in_dim3A_38 : vector<1x1024xf32>
      %dot_general3A_39 = arith.constant dense<0.000000e+00> : vector<1x512xf32>
      %dot_general3A_40 = tpu.matmul %exp3A, %select_n3A, %dot_general3A_39 {dimension_numbers = #tpu.dot_dimension_numbers<[1], [1], [0], [0], [0, 0, 1, 0], [], []>, transpose_lhs_hint = false} : vector<1x1024xf32>, vector<512x1024xf32>, vector<1x512xf32> -> vector<1x512xf32>
      %add3A_41 = arith.addf %scan3A_16, %dot_general3A_40 : vector<1x512xf32>
      %mul3A_42 = vector.broadcast %exp3A : vector<1x1024xf32> to vector<8x1024xf32>
      %mul3A_43 = arith.mulf %mul3A_42, %get3A_25 : vector<8x1024xf32>
      %dot_general3A_44 = arith.constant dense<0.000000e+00> : vector<8x512xf32>
      %dot_general3A_45 = tpu.matmul %mul3A_43, %select_n3A, %dot_general3A_44 {dimension_numbers = #tpu.dot_dimension_numbers<[1], [1], [0], [0], [0, 0, 1, 0], [], []>, transpose_lhs_hint = false} : vector<8x1024xf32>, vector<512x1024xf32>, vector<8x512xf32> -> vector<8x512xf32>
      %add3A_46 = arith.addf %scan3A_17, %dot_general3A_45 : vector<8x512xf32>
      %mul3A_47 = arith.constant 2 : i32
      %mul3A_48 = arith.muli %scan3A_15, %mul3A_47 : i32
      %add3A_49 = arith.constant 1 : i32
      %add3A_50 = arith.addi %mul3A_48, %add3A_49 : i32
      %mul3A_51 = arith.constant 1024 : i32
      %mul3A_52 = arith.muli %add3A_50, %mul3A_51 : i32
      %get3A_53 = arith.constant 0 : index
      %get3A_54 = arith.index_cast %mul3A_52 : i32 to index
      %get3A_55 = vector.load %arg0[%get3A_53, %get3A_54] : memref<8x51200xf32, #tpu.memory_space<vmem>>, vector<8x1024xf32>
      %mul3A_56 = arith.constant 1024 : i32
      %mul3A_57 = arith.muli %add3A_50, %mul3A_56 : i32
      %get3A_58 = arith.constant 0 : index
      %get3A_59 = arith.index_cast %mul3A_57 : i32 to index
      %get3A_60 = vector.load %arg1[%get3A_58, %get3A_59] : memref<1x51200xi32, #tpu.memory_space<vmem>>, vector<1x1024xi32>
      %iota3A_61 = tpu.iota {dimensions = array<i32: 0>} : vector<512x1024xi32>
      %eq3A_62 = vector.broadcast %get3A_60 : vector<1x1024xi32> to vector<512x1024xi32>
      %eq3A_63 = arith.cmpi eq, %iota3A_61, %eq3A_62 : vector<512x1024xi32>
      %jit3A_64 = arith.constant 1.000000e+00 : f32
      %jit3A_65 = arith.constant 0.000000e+00 : f32
      %broadcast_in_dim3A_66 = vector.broadcast %jit3A_64 : f32 to vector<512x1024xf32>
      %broadcast_in_dim3A_67 = vector.broadcast %jit3A_65 : f32 to vector<512x1024xf32>
      %select_n3A_68 = arith.select %eq3A_63, %broadcast_in_dim3A_66, %broadcast_in_dim3A_67 : vector<512x1024xi1>, vector<512x1024xf32>
      %dot_general3A_69 = arith.constant dense<0.000000e+00> : vector<8x1024xf32>
      %dot_general3A_70 = tpu.matmul %get3A_1, %select_n3A_68, %dot_general3A_69 {dimension_numbers = #tpu.dot_dimension_numbers<[1], [0], [0], [1], [0, 0, 1, 1], [], []>, transpose_lhs_hint = false} : vector<8x512xf32>, vector<512x1024xf32>, vector<8x1024xf32> -> vector<8x1024xf32>
      %mul3A_71 = arith.mulf %get3A_55, %dot_general3A_70 : vector<8x1024xf32>
      %reduce_sum3A_72 = arith.constant dense<0.000000e+00> : vector<1024xf32>
      %reduce_sum3A_73 = vector.multi_reduction <add>, %mul3A_71, %reduce_sum3A_72 [0] : vector<8x1024xf32> to vector<1024xf32>
      %broadcast_in_dim3A_74 = vector.shape_cast %reduce_sum3A_73 : vector<1024xf32> to vector<1x1024xf32>
      %exp3A_75 = math.exp %broadcast_in_dim3A_74 : vector<1x1024xf32>
      %dot_general3A_76 = arith.constant dense<0.000000e+00> : vector<1x512xf32>
      %dot_general3A_77 = tpu.matmul %exp3A_75, %select_n3A_68, %dot_general3A_76 {dimension_numbers = #tpu.dot_dimension_numbers<[1], [1], [0], [0], [0, 0, 1, 0], [], []>, transpose_lhs_hint = false} : vector<1x1024xf32>, vector<512x1024xf32>, vector<1x512xf32> -> vector<1x512xf32>
      %add3A_78 = arith.addf %add3A_41, %dot_general3A_77 : vector<1x512xf32>
      %mul3A_79 = vector.broadcast %exp3A_75 : vector<1x1024xf32> to vector<8x1024xf32>
      %mul3A_80 = arith.mulf %mul3A_79, %get3A_55 : vector<8x1024xf32>
      %dot_general3A_81 = arith.constant dense<0.000000e+00> : vector<8x512xf32>
      %dot_general3A_82 = tpu.matmul %mul3A_80, %select_n3A_68, %dot_general3A_81 {dimension_numbers = #tpu.dot_dimension_numbers<[1], [1], [0], [0], [0, 0, 1, 0], [], []>, transpose_lhs_hint = false} : vector<8x1024xf32>, vector<512x1024xf32>, vector<8x512xf32> -> vector<8x512xf32>
      %add3A_83 = arith.addf %add3A_46, %dot_general3A_82 : vector<8x512xf32>
      scf.yield %add3A_78, %add3A_83 : vector<1x512xf32>, vector<8x512xf32>
    }
    %scan3A_9 = arith.constant 25 : i32
    %add3A = arith.constant 1.000000e-16 : f32
    %add3A_10 = vector.broadcast %add3A : f32 to vector<1x512xf32>
    %add3A_11 = arith.addf %scan3A_8#0, %add3A_10 : vector<1x512xf32>
    %div3A = vector.broadcast %add3A_11 : vector<1x512xf32> to vector<8x512xf32>
    %div3A_12 = arith.divf %scan3A_8#1, %div3A : vector<8x512xf32>
    %concatenate3A = tpu.concatenate %get3A_1, %div3A_12 in 0 : vector<8x512xf32>, vector<8x512xf32> -> vector<16x512xf32>
    %swap3A = arith.constant 0 : index
    %swap3A_13 = arith.constant 0 : index
    %swap3A_14 = vector.load %arg3[%swap3A, %swap3A_13] : memref<16x512xf32, #tpu.memory_space<vmem>>, vector<16x512xf32>
    tpu.vector_store %arg3[%swap3A, %swap3A_13], %concatenate3A {strides = array<i32>} : memref<16x512xf32, #tpu.memory_space<vmem>>, vector<16x512xf32>,
    return
  }
}

module attributes {stable_mosaic.version = 14 : i64} {
  func.func @_last_layer_body(%arg0: memref<2x16x51200xf32, #tpu.memory_space<vmem>>, %arg1: memref<16x51200xf32, #tpu.memory_space<vmem>>, %arg2: memref<1x51200xi32, #tpu.memory_space<vmem>>, %arg3: memref<8x8xf32, #tpu.memory_space<vmem>>, %arg4: memref<8x1xf32, #tpu.memory_space<vmem>>, %arg5: memref<8x8xf32, #tpu.memory_space<vmem>>, %arg6: memref<32x16xf32, #tpu.memory_space<vmem>>, %arg7: memref<32x8xf32, #tpu.memory_space<vmem>>, %arg8: memref<32x1xf32, #tpu.memory_space<vmem>>, %arg9: memref<32x1xf32, #tpu.memory_space<vmem>>, %arg10: memref<16x512xf32, #tpu.memory_space<vmem>>, %arg11: memref<16x512xf32, #tpu.memory_space<vmem>>, %arg12: memref<48x1xf32, #tpu.memory_space<vmem>>, %arg13: memref<1x1xf32, #tpu.memory_space<vmem>>, %arg14: memref<1x512xf32, #tpu.memory_space<vmem>>, %arg15: memref<8x51200xf32, #tpu.memory_space<vmem>>) attributes {dimension_semantics = [], scalar_prefetch = 0 : i64, scratch_operands = 1 : i64, tpu.core_type = #tpu.core_type<tc>} {
    %get3A = arith.constant 0 : index
    %get3A_0 = arith.constant 0 : index
    %get3A_1 = vector.load %arg3[%get3A, %get3A_0] : memref<8x8xf32, #tpu.memory_space<vmem>>, vector<8x8xf32>
    %get3A_2 = arith.constant 0 : index
    %get3A_3 = arith.constant 0 : index
    %get3A_4 = vector.load %arg4[%get3A_2, %get3A_3] : memref<8x1xf32, #tpu.memory_space<vmem>>, vector<8x1xf32>
    %get3A_5 = arith.constant 0 : index
    %get3A_6 = arith.constant 0 : index
    %get3A_7 = vector.load %arg5[%get3A_5, %get3A_6] : memref<8x8xf32, #tpu.memory_space<vmem>>, vector<8x8xf32>
    %get3A_8 = arith.constant 0 : index
    %get3A_9 = arith.constant 0 : index
    %get3A_10 = vector.load %arg6[%get3A_8, %get3A_9] : memref<32x16xf32, #tpu.memory_space<vmem>>, vector<32x16xf32>
    %get3A_11 = arith.constant 0 : index
    %get3A_12 = arith.constant 0 : index
    %get3A_13 = vector.load %arg7[%get3A_11, %get3A_12] : memref<32x8xf32, #tpu.memory_space<vmem>>, vector<32x8xf32>
    %get3A_14 = arith.constant 0 : index
    %get3A_15 = arith.constant 0 : index
    %get3A_16 = vector.load %arg8[%get3A_14, %get3A_15] : memref<32x1xf32, #tpu.memory_space<vmem>>, vector<32x1xf32>
    %get3A_17 = arith.constant 0 : index
    %get3A_18 = arith.constant 0 : index
    %get3A_19 = vector.load %arg9[%get3A_17, %get3A_18] : memref<32x1xf32, #tpu.memory_space<vmem>>, vector<32x1xf32>
    %broadcast_in_dim3A = arith.constant 0.000000e+00 : f32
    %broadcast_in_dim3A_20 = vector.broadcast %broadcast_in_dim3A : f32 to vector<1x512xf32>
    %broadcast_in_dim3A_21 = arith.constant 0.000000e+00 : f32
    %broadcast_in_dim3A_22 = vector.broadcast %broadcast_in_dim3A_21 : f32 to vector<8x512xf32>
    %broadcast_in_dim3A_23 = arith.constant 0.000000e+00 : f32
    %broadcast_in_dim3A_24 = vector.broadcast %broadcast_in_dim3A_23 : f32 to vector<16x1xf32>
    %broadcast_in_dim3A_25 = arith.constant 0.000000e+00 : f32
    %broadcast_in_dim3A_26 = vector.broadcast %broadcast_in_dim3A_25 : f32 to vector<8x1xf32>
    %broadcast_in_dim3A_27 = arith.constant 0.000000e+00 : f32
    %broadcast_in_dim3A_28 = vector.broadcast %broadcast_in_dim3A_27 : f32 to vector<8x1xf32>
    %dot_general3A = arith.constant dense<0.000000e+00> : vector<32x1xf32>
    %dot_general3A_29 = tpu.matmul %get3A_10, %broadcast_in_dim3A_24, %dot_general3A {dimension_numbers = #tpu.dot_dimension_numbers<[1], [0], [0], [1], [0, 0, 1, 1], [], []>, transpose_lhs_hint = false} : vector<32x16xf32>, vector<16x1xf32>, vector<32x1xf32> -> vector<32x1xf32>
    %add3A = arith.addf %dot_general3A_29, %get3A_16 : vector<32x1xf32>
    %dot_general3A_30 = arith.constant dense<0.000000e+00> : vector<32x1xf32>
    %dot_general3A_31 = tpu.matmul %get3A_13, %broadcast_in_dim3A_26, %dot_general3A_30 {dimension_numbers = #tpu.dot_dimension_numbers<[1], [0], [0], [1], [0, 0, 1, 1], [], []>, transpose_lhs_hint = false} : vector<32x8xf32>, vector<8x1xf32>, vector<32x1xf32> -> vector<32x1xf32>
    %add3A_32 = arith.addf %add3A, %dot_general3A_31 : vector<32x1xf32>
    %add3A_33 = arith.addf %add3A_32, %get3A_19 : vector<32x1xf32>
    %slice3A = vector.extract_strided_slice %add3A_33 {offsets = [0, 0], sizes = [8, 1], strides = [1, 1]} : vector<32x1xf32> to vector<8x1xf32>
    %logistic3A = arith.negf %slice3A : vector<8x1xf32>
    %logistic3A_34 = math.exp %logistic3A : vector<8x1xf32>
    %logistic3A_35 = arith.constant 1.000000e+00 : f32
    %logistic3A_36 = vector.broadcast %logistic3A_35 : f32 to vector<8x1xf32>
    %logistic3A_37 = arith.addf %logistic3A_36, %logistic3A_34 : vector<8x1xf32>
    %logistic3A_38 = arith.divf %logistic3A_36, %logistic3A_37 : vector<8x1xf32>
    %slice3A_39 = vector.extract_strided_slice %add3A_33 {offsets = [8, 0], sizes = [8, 1], strides = [1, 1]} : vector<32x1xf32> to vector<8x1xf32>
    %logistic3A_40 = arith.negf %slice3A_39 : vector<8x1xf32>
    %logistic3A_41 = math.exp %logistic3A_40 : vector<8x1xf32>
    %logistic3A_42 = arith.constant 1.000000e+00 : f32
    %logistic3A_43 = vector.broadcast %logistic3A_42 : f32 to vector<8x1xf32>
    %logistic3A_44 = arith.addf %logistic3A_43, %logistic3A_41 : vector<8x1xf32>
    %logistic3A_45 = arith.divf %logistic3A_43, %logistic3A_44 : vector<8x1xf32>
    %slice3A_46 = vector.extract_strided_slice %add3A_33 {offsets = [16, 0], sizes = [8, 1], strides = [1, 1]} : vector<32x1xf32> to vector<8x1xf32>
    %tanh3A = math.tanh %slice3A_46 : vector<8x1xf32>
    %slice3A_47 = vector.extract_strided_slice %add3A_33 {offsets = [24, 0], sizes = [8, 1], strides = [1, 1]} : vector<32x1xf32> to vector<8x1xf32>
    %logistic3A_48 = arith.negf %slice3A_47 : vector<8x1xf32>
    %logistic3A_49 = math.exp %logistic3A_48 : vector<8x1xf32>
    %logistic3A_50 = arith.constant 1.000000e+00 : f32
    %logistic3A_51 = vector.broadcast %logistic3A_50 : f32 to vector<8x1xf32>
    %logistic3A_52 = arith.addf %logistic3A_51, %logistic3A_49 : vector<8x1xf32>
    %logistic3A_53 = arith.divf %logistic3A_51, %logistic3A_52 : vector<8x1xf32>
    %mul3A = arith.mulf %logistic3A_45, %broadcast_in_dim3A_28 : vector<8x1xf32>
    %mul3A_54 = arith.mulf %logistic3A_38, %tanh3A : vector<8x1xf32>
    %add3A_55 = arith.addf %mul3A, %mul3A_54 : vector<8x1xf32>
    %tanh3A_56 = math.tanh %add3A_55 : vector<8x1xf32>
    %mul3A_57 = arith.mulf %logistic3A_53, %tanh3A_56 : vector<8x1xf32>
    %scan3A = arith.constant 0 : i32
    %scan3A_58 = arith.constant 25 : i32
    %scan3A_59 = arith.addi %scan3A, %scan3A_58 : i32
    %scan3A_60 = arith.constant 1 : i32
    %scan3A_61:2 = scf.for %scan3A_192 = %scan3A to %scan3A_59 step %scan3A_60 iter_args(%scan3A_193 = %broadcast_in_dim3A_20, %scan3A_194 = %broadcast_in_dim3A_22) -> (vector<1x512xf32>, vector<8x512xf32>)  : i32 {
      %mul3A_195 = arith.constant 2 : i32
      %mul3A_196 = arith.muli %scan3A_192, %mul3A_195 : i32
      %add3A_197 = arith.constant 0 : i32
      %add3A_198 = arith.addi %mul3A_196, %add3A_197 : i32
      %mul3A_199 = arith.constant 1024 : i32
      %mul3A_200 = arith.muli %add3A_198, %mul3A_199 : i32
      %get3A_201 = arith.constant 0 : index
      %get3A_202 = arith.constant 0 : index
      %get3A_203 = arith.index_cast %mul3A_200 : i32 to index
      %get3A_204 = vector.load %arg0[%get3A_201, %get3A_202, %get3A_203] : memref<2x16x51200xf32, #tpu.memory_space<vmem>>, vector<1x16x1024xf32>
      %get3A_205 = vector.shape_cast %get3A_204 : vector<1x16x1024xf32> to vector<16x1024xf32>
      %get3A_206 = arith.constant 1 : index
      %get3A_207 = arith.constant 0 : index
      %get3A_208 = arith.index_cast %mul3A_200 : i32 to index
      %get3A_209 = vector.load %arg0[%get3A_206, %get3A_207, %get3A_208] : memref<2x16x51200xf32, #tpu.memory_space<vmem>>, vector<1x16x1024xf32>
      %get3A_210 = vector.shape_cast %get3A_209 : vector<1x16x1024xf32> to vector<16x1024xf32>
      %add3A_211 = arith.addf %get3A_205, %get3A_210 : vector<16x1024xf32>
      %slice3A_212 = vector.extract_strided_slice %add3A_211 {offsets = [8, 0], sizes = [1, 1024], strides = [1, 1]} : vector<16x1024xf32> to vector<1x1024xf32>
      %slice3A_213 = vector.extract_strided_slice %add3A_211 {offsets = [0, 0], sizes = [8, 1024], strides = [1, 1]} : vector<16x1024xf32> to vector<8x1024xf32>
      %max3A = arith.constant 1.000000e+00 : f32
      %max3A_214 = vector.broadcast %max3A : f32 to vector<1x1024xf32>
      %max3A_215 = arith.maximumf %slice3A_212, %max3A_214 : vector<1x1024xf32>
      %div3A_216 = vector.broadcast %max3A_215 : vector<1x1024xf32> to vector<8x1024xf32>
      %div3A_217 = arith.divf %slice3A_213, %div3A_216 : vector<8x1024xf32>
      %get3A_218 = arith.constant 0 : index
      %get3A_219 = arith.index_cast %mul3A_200 : i32 to index
      %get3A_220 = vector.load %arg1[%get3A_218, %get3A_219] : memref<16x51200xf32, #tpu.memory_space<vmem>>, vector<8x1024xf32>
      %dot_general3A_221 = arith.constant dense<0.000000e+00> : vector<8x1024xf32>
      %dot_general3A_222 = tpu.matmul %get3A_1, %div3A_217, %dot_general3A_221 {dimension_numbers = #tpu.dot_dimension_numbers<[1], [0], [0], [1], [0, 0, 1, 1], [], []>, transpose_lhs_hint = false} : vector<8x8xf32>, vector<8x1024xf32>, vector<8x1024xf32> -> vector<8x1024xf32>
      %dot_general3A_223 = arith.constant dense<0.000000e+00> : vector<8x1024xf32>
      %dot_general3A_224 = tpu.matmul %get3A_7, %get3A_220, %dot_general3A_223 {dimension_numbers = #tpu.dot_dimension_numbers<[1], [0], [0], [1], [0, 0, 1, 1], [], []>, transpose_lhs_hint = false} : vector<8x8xf32>, vector<8x1024xf32>, vector<8x1024xf32> -> vector<8x1024xf32>
      %add3A_225 = arith.addf %dot_general3A_222, %dot_general3A_224 : vector<8x1024xf32>
      %add3A_226 = vector.broadcast %get3A_4 : vector<8x1xf32> to vector<8x1024xf32>
      %add3A_227 = arith.addf %add3A_225, %add3A_226 : vector<8x1024xf32>
      %tanh3A_228 = math.tanh %add3A_227 : vector<8x1024xf32>
      %swap3A_229 = arith.constant 0 : index
      %swap3A_230 = arith.index_cast %mul3A_200 : i32 to index
      %swap3A_231 = vector.load %arg15[%swap3A_229, %swap3A_230] : memref<8x51200xf32, #tpu.memory_space<vmem>>, vector<8x1024xf32>
      tpu.vector_store %arg15[%swap3A_229, %swap3A_230], %tanh3A_228 {strides = array<i32>} : memref<8x51200xf32, #tpu.memory_space<vmem>>, vector<8x1024xf32>,
      %mul3A_232 = arith.constant 1024 : i32
      %mul3A_233 = arith.muli %add3A_198, %mul3A_232 : i32
      %get3A_234 = arith.constant 0 : index
      %get3A_235 = arith.index_cast %mul3A_233 : i32 to index
      %get3A_236 = vector.load %arg2[%get3A_234, %get3A_235] : memref<1x51200xi32, #tpu.memory_space<vmem>>, vector<1x1024xi32>
      %iota3A = tpu.iota {dimensions = array<i32: 0>} : vector<512x1024xi32>
      %eq3A = vector.broadcast %get3A_236 : vector<1x1024xi32> to vector<512x1024xi32>
      %eq3A_237 = arith.cmpi eq, %iota3A, %eq3A : vector<512x1024xi32>
      %jit3A = arith.constant 1.000000e+00 : f32
      %jit3A_238 = arith.constant 0.000000e+00 : f32
      %broadcast_in_dim3A_239 = vector.broadcast %jit3A : f32 to vector<512x1024xf32>
      %broadcast_in_dim3A_240 = vector.broadcast %jit3A_238 : f32 to vector<512x1024xf32>
      %select_n3A = arith.select %eq3A_237, %broadcast_in_dim3A_239, %broadcast_in_dim3A_240 : vector<512x1024xi1>, vector<512x1024xf32>
      %mul3A_241 = vector.broadcast %mul3A_57 : vector<8x1xf32> to vector<8x1024xf32>
      %mul3A_242 = arith.mulf %tanh3A_228, %mul3A_241 : vector<8x1024xf32>
      %reduce_sum3A_243 = arith.constant dense<0.000000e+00> : vector<1024xf32>
      %reduce_sum3A_244 = vector.multi_reduction <add>, %mul3A_242, %reduce_sum3A_243 [0] : vector<8x1024xf32> to vector<1024xf32>
      %broadcast_in_dim3A_245 = vector.shape_cast %reduce_sum3A_244 : vector<1024xf32> to vector<1x1024xf32>
      %exp3A = math.exp %broadcast_in_dim3A_245 : vector<1x1024xf32>
      %dot_general3A_246 = arith.constant dense<0.000000e+00> : vector<1x512xf32>
      %dot_general3A_247 = tpu.matmul %exp3A, %select_n3A, %dot_general3A_246 {dimension_numbers = #tpu.dot_dimension_numbers<[1], [1], [0], [0], [0, 0, 1, 0], [], []>, transpose_lhs_hint = false} : vector<1x1024xf32>, vector<512x1024xf32>, vector<1x512xf32> -> vector<1x512xf32>
      %add3A_248 = arith.addf %scan3A_193, %dot_general3A_247 : vector<1x512xf32>
      %mul3A_249 = vector.broadcast %exp3A : vector<1x1024xf32> to vector<8x1024xf32>
      %mul3A_250 = arith.mulf %mul3A_249, %tanh3A_228 : vector<8x1024xf32>
      %dot_general3A_251 = arith.constant dense<0.000000e+00> : vector<8x512xf32>
      %dot_general3A_252 = tpu.matmul %mul3A_250, %select_n3A, %dot_general3A_251 {dimension_numbers = #tpu.dot_dimension_numbers<[1], [1], [0], [0], [0, 0, 1, 0], [], []>, transpose_lhs_hint = false} : vector<8x1024xf32>, vector<512x1024xf32>, vector<8x512xf32> -> vector<8x512xf32>
      %add3A_253 = arith.addf %scan3A_194, %dot_general3A_252 : vector<8x512xf32>
      %mul3A_254 = arith.constant 2 : i32
      %mul3A_255 = arith.muli %scan3A_192, %mul3A_254 : i32
      %add3A_256 = arith.constant 1 : i32
      %add3A_257 = arith.addi %mul3A_255, %add3A_256 : i32
      %mul3A_258 = arith.constant 1024 : i32
      %mul3A_259 = arith.muli %add3A_257, %mul3A_258 : i32
      %get3A_260 = arith.constant 0 : index
      %get3A_261 = arith.constant 0 : index
      %get3A_262 = arith.index_cast %mul3A_259 : i32 to index
      %get3A_263 = vector.load %arg0[%get3A_260, %get3A_261, %get3A_262] : memref<2x16x51200xf32, #tpu.memory_space<vmem>>, vector<1x16x1024xf32>
      %get3A_264 = vector.shape_cast %get3A_263 : vector<1x16x1024xf32> to vector<16x1024xf32>
      %get3A_265 = arith.constant 1 : index
      %get3A_266 = arith.constant 0 : index
      %get3A_267 = arith.index_cast %mul3A_259 : i32 to index
      %get3A_268 = vector.load %arg0[%get3A_265, %get3A_266, %get3A_267] : memref<2x16x51200xf32, #tpu.memory_space<vmem>>, vector<1x16x1024xf32>
      %get3A_269 = vector.shape_cast %get3A_268 : vector<1x16x1024xf32> to vector<16x1024xf32>
      %add3A_270 = arith.addf %get3A_264, %get3A_269 : vector<16x1024xf32>
      %slice3A_271 = vector.extract_strided_slice %add3A_270 {offsets = [8, 0], sizes = [1, 1024], strides = [1, 1]} : vector<16x1024xf32> to vector<1x1024xf32>
      %slice3A_272 = vector.extract_strided_slice %add3A_270 {offsets = [0, 0], sizes = [8, 1024], strides = [1, 1]} : vector<16x1024xf32> to vector<8x1024xf32>
      %max3A_273 = arith.constant 1.000000e+00 : f32
      %max3A_274 = vector.broadcast %max3A_273 : f32 to vector<1x1024xf32>
      %max3A_275 = arith.maximumf %slice3A_271, %max3A_274 : vector<1x1024xf32>
      %div3A_276 = vector.broadcast %max3A_275 : vector<1x1024xf32> to vector<8x1024xf32>
      %div3A_277 = arith.divf %slice3A_272, %div3A_276 : vector<8x1024xf32>
      %get3A_278 = arith.constant 0 : index
      %get3A_279 = arith.index_cast %mul3A_259 : i32 to index
      %get3A_280 = vector.load %arg1[%get3A_278, %get3A_279] : memref<16x51200xf32, #tpu.memory_space<vmem>>, vector<8x1024xf32>
      %dot_general3A_281 = arith.constant dense<0.000000e+00> : vector<8x1024xf32>
      %dot_general3A_282 = tpu.matmul %get3A_1, %div3A_277, %dot_general3A_281 {dimension_numbers = #tpu.dot_dimension_numbers<[1], [0], [0], [1], [0, 0, 1, 1], [], []>, transpose_lhs_hint = false} : vector<8x8xf32>, vector<8x1024xf32>, vector<8x1024xf32> -> vector<8x1024xf32>
      %dot_general3A_283 = arith.constant dense<0.000000e+00> : vector<8x1024xf32>
      %dot_general3A_284 = tpu.matmul %get3A_7, %get3A_280, %dot_general3A_283 {dimension_numbers = #tpu.dot_dimension_numbers<[1], [0], [0], [1], [0, 0, 1, 1], [], []>, transpose_lhs_hint = false} : vector<8x8xf32>, vector<8x1024xf32>, vector<8x1024xf32> -> vector<8x1024xf32>
      %add3A_285 = arith.addf %dot_general3A_282, %dot_general3A_284 : vector<8x1024xf32>
      %add3A_286 = vector.broadcast %get3A_4 : vector<8x1xf32> to vector<8x1024xf32>
      %add3A_287 = arith.addf %add3A_285, %add3A_286 : vector<8x1024xf32>
      %tanh3A_288 = math.tanh %add3A_287 : vector<8x1024xf32>
      %swap3A_289 = arith.constant 0 : index
      %swap3A_290 = arith.index_cast %mul3A_259 : i32 to index
      %swap3A_291 = vector.load %arg15[%swap3A_289, %swap3A_290] : memref<8x51200xf32, #tpu.memory_space<vmem>>, vector<8x1024xf32>
      tpu.vector_store %arg15[%swap3A_289, %swap3A_290], %tanh3A_288 {strides = array<i32>} : memref<8x51200xf32, #tpu.memory_space<vmem>>, vector<8x1024xf32>,
      %mul3A_292 = arith.constant 1024 : i32
      %mul3A_293 = arith.muli %add3A_257, %mul3A_292 : i32
      %get3A_294 = arith.constant 0 : index
      %get3A_295 = arith.index_cast %mul3A_293 : i32 to index
      %get3A_296 = vector.load %arg2[%get3A_294, %get3A_295] : memref<1x51200xi32, #tpu.memory_space<vmem>>, vector<1x1024xi32>
      %iota3A_297 = tpu.iota {dimensions = array<i32: 0>} : vector<512x1024xi32>
      %eq3A_298 = vector.broadcast %get3A_296 : vector<1x1024xi32> to vector<512x1024xi32>
      %eq3A_299 = arith.cmpi eq, %iota3A_297, %eq3A_298 : vector<512x1024xi32>
      %jit3A_300 = arith.constant 1.000000e+00 : f32
      %jit3A_301 = arith.constant 0.000000e+00 : f32
      %broadcast_in_dim3A_302 = vector.broadcast %jit3A_300 : f32 to vector<512x1024xf32>
      %broadcast_in_dim3A_303 = vector.broadcast %jit3A_301 : f32 to vector<512x1024xf32>
      %select_n3A_304 = arith.select %eq3A_299, %broadcast_in_dim3A_302, %broadcast_in_dim3A_303 : vector<512x1024xi1>, vector<512x1024xf32>
      %mul3A_305 = vector.broadcast %mul3A_57 : vector<8x1xf32> to vector<8x1024xf32>
      %mul3A_306 = arith.mulf %tanh3A_288, %mul3A_305 : vector<8x1024xf32>
      %reduce_sum3A_307 = arith.constant dense<0.000000e+00> : vector<1024xf32>
      %reduce_sum3A_308 = vector.multi_reduction <add>, %mul3A_306, %reduce_sum3A_307 [0] : vector<8x1024xf32> to vector<1024xf32>
      %broadcast_in_dim3A_309 = vector.shape_cast %reduce_sum3A_308 : vector<1024xf32> to vector<1x1024xf32>
      %exp3A_310 = math.exp %broadcast_in_dim3A_309 : vector<1x1024xf32>
      %dot_general3A_311 = arith.constant dense<0.000000e+00> : vector<1x512xf32>
      %dot_general3A_312 = tpu.matmul %exp3A_310, %select_n3A_304, %dot_general3A_311 {dimension_numbers = #tpu.dot_dimension_numbers<[1], [1], [0], [0], [0, 0, 1, 0], [], []>, transpose_lhs_hint = false} : vector<1x1024xf32>, vector<512x1024xf32>, vector<1x512xf32> -> vector<1x512xf32>
      %add3A_313 = arith.addf %add3A_248, %dot_general3A_312 : vector<1x512xf32>
      %mul3A_314 = vector.broadcast %exp3A_310 : vector<1x1024xf32> to vector<8x1024xf32>
      %mul3A_315 = arith.mulf %mul3A_314, %tanh3A_288 : vector<8x1024xf32>
      %dot_general3A_316 = arith.constant dense<0.000000e+00> : vector<8x512xf32>
      %dot_general3A_317 = tpu.matmul %mul3A_315, %select_n3A_304, %dot_general3A_316 {dimension_numbers = #tpu.dot_dimension_numbers<[1], [1], [0], [0], [0, 0, 1, 0], [], []>, transpose_lhs_hint = false} : vector<8x1024xf32>, vector<512x1024xf32>, vector<8x512xf32> -> vector<8x512xf32>
      %add3A_318 = arith.addf %add3A_253, %dot_general3A_317 : vector<8x512xf32>
      scf.yield %add3A_313, %add3A_318 : vector<1x512xf32>, vector<8x512xf32>
    }
    %scan3A_62 = arith.constant 25 : i32
    %broadcast_in_dim3A_63 = arith.constant 0.000000e+00 : f32
    %broadcast_in_dim3A_64 = vector.broadcast %broadcast_in_dim3A_63 : f32 to vector<8x512xf32>
    %add3A_65 = vector.broadcast %mul3A_57 : vector<8x1xf32> to vector<8x512xf32>
    %add3A_66 = arith.addf %add3A_65, %broadcast_in_dim3A_64 : vector<8x512xf32>
    %add3A_67 = arith.constant 1.000000e-16 : f32
    %add3A_68 = vector.broadcast %add3A_67 : f32 to vector<1x512xf32>
    %add3A_69 = arith.addf %scan3A_61#0, %add3A_68 : vector<1x512xf32>
    %div3A = vector.broadcast %add3A_69 : vector<1x512xf32> to vector<8x512xf32>
    %div3A_70 = arith.divf %scan3A_61#1, %div3A : vector<8x512xf32>
    %concatenate3A = tpu.concatenate %add3A_66, %div3A_70 in 0 : vector<8x512xf32>, vector<8x512xf32> -> vector<16x512xf32>
    %dot_general3A_71 = arith.constant dense<0.000000e+00> : vector<32x512xf32>
    %dot_general3A_72 = tpu.matmul %get3A_10, %concatenate3A, %dot_general3A_71 {dimension_numbers = #tpu.dot_dimension_numbers<[1], [0], [0], [1], [0, 0, 1, 1], [], []>, transpose_lhs_hint = false} : vector<32x16xf32>, vector<16x512xf32>, vector<32x512xf32> -> vector<32x512xf32>
    %add3A_73 = vector.broadcast %get3A_16 : vector<32x1xf32> to vector<32x512xf32>
    %add3A_74 = arith.addf %dot_general3A_72, %add3A_73 : vector<32x512xf32>
    %dot_general3A_75 = arith.constant dense<0.000000e+00> : vector<32x512xf32>
    %dot_general3A_76 = tpu.matmul %get3A_13, %add3A_66, %dot_general3A_75 {dimension_numbers = #tpu.dot_dimension_numbers<[1], [0], [0], [1], [0, 0, 1, 1], [], []>, transpose_lhs_hint = false} : vector<32x8xf32>, vector<8x512xf32>, vector<32x512xf32> -> vector<32x512xf32>
    %add3A_77 = arith.addf %add3A_74, %dot_general3A_76 : vector<32x512xf32>
    %add3A_78 = vector.broadcast %get3A_19 : vector<32x1xf32> to vector<32x512xf32>
    %add3A_79 = arith.addf %add3A_77, %add3A_78 : vector<32x512xf32>
    %slice3A_80 = vector.extract_strided_slice %add3A_79 {offsets = [0, 0], sizes = [8, 512], strides = [1, 1]} : vector<32x512xf32> to vector<8x512xf32>
    %logistic3A_81 = arith.negf %slice3A_80 : vector<8x512xf32>
    %logistic3A_82 = math.exp %logistic3A_81 : vector<8x512xf32>
    %logistic3A_83 = arith.constant 1.000000e+00 : f32
    %logistic3A_84 = vector.broadcast %logistic3A_83 : f32 to vector<8x512xf32>
    %logistic3A_85 = arith.addf %logistic3A_84, %logistic3A_82 : vector<8x512xf32>
    %logistic3A_86 = arith.divf %logistic3A_84, %logistic3A_85 : vector<8x512xf32>
    %slice3A_87 = vector.extract_strided_slice %add3A_79 {offsets = [8, 0], sizes = [8, 512], strides = [1, 1]} : vector<32x512xf32> to vector<8x512xf32>
    %logistic3A_88 = arith.negf %slice3A_87 : vector<8x512xf32>
    %logistic3A_89 = math.exp %logistic3A_88 : vector<8x512xf32>
    %logistic3A_90 = arith.constant 1.000000e+00 : f32
    %logistic3A_91 = vector.broadcast %logistic3A_90 : f32 to vector<8x512xf32>
    %logistic3A_92 = arith.addf %logistic3A_91, %logistic3A_89 : vector<8x512xf32>
    %logistic3A_93 = arith.divf %logistic3A_91, %logistic3A_92 : vector<8x512xf32>
    %slice3A_94 = vector.extract_strided_slice %add3A_79 {offsets = [16, 0], sizes = [8, 512], strides = [1, 1]} : vector<32x512xf32> to vector<8x512xf32>
    %tanh3A_95 = math.tanh %slice3A_94 : vector<8x512xf32>
    %slice3A_96 = vector.extract_strided_slice %add3A_79 {offsets = [24, 0], sizes = [8, 512], strides = [1, 1]} : vector<32x512xf32> to vector<8x512xf32>
    %logistic3A_97 = arith.negf %slice3A_96 : vector<8x512xf32>
    %logistic3A_98 = math.exp %logistic3A_97 : vector<8x512xf32>
    %logistic3A_99 = arith.constant 1.000000e+00 : f32
    %logistic3A_100 = vector.broadcast %logistic3A_99 : f32 to vector<8x512xf32>
    %logistic3A_101 = arith.addf %logistic3A_100, %logistic3A_98 : vector<8x512xf32>
    %logistic3A_102 = arith.divf %logistic3A_100, %logistic3A_101 : vector<8x512xf32>
    %mul3A_103 = vector.broadcast %add3A_55 : vector<8x1xf32> to vector<8x512xf32>
    %mul3A_104 = arith.mulf %logistic3A_93, %mul3A_103 : vector<8x512xf32>
    %mul3A_105 = arith.mulf %logistic3A_86, %tanh3A_95 : vector<8x512xf32>
    %add3A_106 = arith.addf %mul3A_104, %mul3A_105 : vector<8x512xf32>
    %tanh3A_107 = math.tanh %add3A_106 : vector<8x512xf32>
    %mul3A_108 = arith.mulf %logistic3A_102, %tanh3A_107 : vector<8x512xf32>
    %scan3A_109 = arith.constant 0 : i32
    %scan3A_110 = arith.constant 25 : i32
    %scan3A_111 = arith.addi %scan3A_109, %scan3A_110 : i32
    %scan3A_112 = arith.constant 1 : i32
    %scan3A_113:2 = scf.for %scan3A_192 = %scan3A_109 to %scan3A_111 step %scan3A_112 iter_args(%scan3A_193 = %broadcast_in_dim3A_20, %scan3A_194 = %broadcast_in_dim3A_22) -> (vector<1x512xf32>, vector<8x512xf32>)  : i32 {
      %mul3A_195 = arith.constant 2 : i32
      %mul3A_196 = arith.muli %scan3A_192, %mul3A_195 : i32
      %add3A_197 = arith.constant 0 : i32
      %add3A_198 = arith.addi %mul3A_196, %add3A_197 : i32
      %mul3A_199 = arith.constant 1024 : i32
      %mul3A_200 = arith.muli %add3A_198, %mul3A_199 : i32
      %get3A_201 = arith.constant 0 : index
      %get3A_202 = arith.index_cast %mul3A_200 : i32 to index
      %get3A_203 = vector.load %arg15[%get3A_201, %get3A_202] : memref<8x51200xf32, #tpu.memory_space<vmem>>, vector<8x1024xf32>
      %mul3A_204 = arith.constant 1024 : i32
      %mul3A_205 = arith.muli %add3A_198, %mul3A_204 : i32
      %get3A_206 = arith.constant 0 : index
      %get3A_207 = arith.index_cast %mul3A_205 : i32 to index
      %get3A_208 = vector.load %arg2[%get3A_206, %get3A_207] : memref<1x51200xi32, #tpu.memory_space<vmem>>, vector<1x1024xi32>
      %iota3A = tpu.iota {dimensions = array<i32: 0>} : vector<512x1024xi32>
      %eq3A = vector.broadcast %get3A_208 : vector<1x1024xi32> to vector<512x1024xi32>
      %eq3A_209 = arith.cmpi eq, %iota3A, %eq3A : vector<512x1024xi32>
      %jit3A = arith.constant 1.000000e+00 : f32
      %jit3A_210 = arith.constant 0.000000e+00 : f32
      %broadcast_in_dim3A_211 = vector.broadcast %jit3A : f32 to vector<512x1024xf32>
      %broadcast_in_dim3A_212 = vector.broadcast %jit3A_210 : f32 to vector<512x1024xf32>
      %select_n3A = arith.select %eq3A_209, %broadcast_in_dim3A_211, %broadcast_in_dim3A_212 : vector<512x1024xi1>, vector<512x1024xf32>
      %dot_general3A_213 = arith.constant dense<0.000000e+00> : vector<8x1024xf32>
      %dot_general3A_214 = tpu.matmul %mul3A_108, %select_n3A, %dot_general3A_213 {dimension_numbers = #tpu.dot_dimension_numbers<[1], [0], [0], [1], [0, 0, 1, 1], [], []>, transpose_lhs_hint = false} : vector<8x512xf32>, vector<512x1024xf32>, vector<8x1024xf32> -> vector<8x1024xf32>
      %mul3A_215 = arith.mulf %get3A_203, %dot_general3A_214 : vector<8x1024xf32>
      %reduce_sum3A_216 = arith.constant dense<0.000000e+00> : vector<1024xf32>
      %reduce_sum3A_217 = vector.multi_reduction <add>, %mul3A_215, %reduce_sum3A_216 [0] : vector<8x1024xf32> to vector<1024xf32>
      %broadcast_in_dim3A_218 = vector.shape_cast %reduce_sum3A_217 : vector<1024xf32> to vector<1x1024xf32>
      %exp3A = math.exp %broadcast_in_dim3A_218 : vector<1x1024xf32>
      %dot_general3A_219 = arith.constant dense<0.000000e+00> : vector<1x512xf32>
      %dot_general3A_220 = tpu.matmul %exp3A, %select_n3A, %dot_general3A_219 {dimension_numbers = #tpu.dot_dimension_numbers<[1], [1], [0], [0], [0, 0, 1, 0], [], []>, transpose_lhs_hint = false} : vector<1x1024xf32>, vector<512x1024xf32>, vector<1x512xf32> -> vector<1x512xf32>
      %add3A_221 = arith.addf %scan3A_193, %dot_general3A_220 : vector<1x512xf32>
      %mul3A_222 = vector.broadcast %exp3A : vector<1x1024xf32> to vector<8x1024xf32>
      %mul3A_223 = arith.mulf %mul3A_222, %get3A_203 : vector<8x1024xf32>
      %dot_general3A_224 = arith.constant dense<0.000000e+00> : vector<8x512xf32>
      %dot_general3A_225 = tpu.matmul %mul3A_223, %select_n3A, %dot_general3A_224 {dimension_numbers = #tpu.dot_dimension_numbers<[1], [1], [0], [0], [0, 0, 1, 0], [], []>, transpose_lhs_hint = false} : vector<8x1024xf32>, vector<512x1024xf32>, vector<8x512xf32> -> vector<8x512xf32>
      %add3A_226 = arith.addf %scan3A_194, %dot_general3A_225 : vector<8x512xf32>
      %mul3A_227 = arith.constant 2 : i32
      %mul3A_228 = arith.muli %scan3A_192, %mul3A_227 : i32
      %add3A_229 = arith.constant 1 : i32
      %add3A_230 = arith.addi %mul3A_228, %add3A_229 : i32
      %mul3A_231 = arith.constant 1024 : i32
      %mul3A_232 = arith.muli %add3A_230, %mul3A_231 : i32
      %get3A_233 = arith.constant 0 : index
      %get3A_234 = arith.index_cast %mul3A_232 : i32 to index
      %get3A_235 = vector.load %arg15[%get3A_233, %get3A_234] : memref<8x51200xf32, #tpu.memory_space<vmem>>, vector<8x1024xf32>
      %mul3A_236 = arith.constant 1024 : i32
      %mul3A_237 = arith.muli %add3A_230, %mul3A_236 : i32
      %get3A_238 = arith.constant 0 : index
      %get3A_239 = arith.index_cast %mul3A_237 : i32 to index
      %get3A_240 = vector.load %arg2[%get3A_238, %get3A_239] : memref<1x51200xi32, #tpu.memory_space<vmem>>, vector<1x1024xi32>
      %iota3A_241 = tpu.iota {dimensions = array<i32: 0>} : vector<512x1024xi32>
      %eq3A_242 = vector.broadcast %get3A_240 : vector<1x1024xi32> to vector<512x1024xi32>
      %eq3A_243 = arith.cmpi eq, %iota3A_241, %eq3A_242 : vector<512x1024xi32>
      %jit3A_244 = arith.constant 1.000000e+00 : f32
      %jit3A_245 = arith.constant 0.000000e+00 : f32
      %broadcast_in_dim3A_246 = vector.broadcast %jit3A_244 : f32 to vector<512x1024xf32>
      %broadcast_in_dim3A_247 = vector.broadcast %jit3A_245 : f32 to vector<512x1024xf32>
      %select_n3A_248 = arith.select %eq3A_243, %broadcast_in_dim3A_246, %broadcast_in_dim3A_247 : vector<512x1024xi1>, vector<512x1024xf32>
      %dot_general3A_249 = arith.constant dense<0.000000e+00> : vector<8x1024xf32>
      %dot_general3A_250 = tpu.matmul %mul3A_108, %select_n3A_248, %dot_general3A_249 {dimension_numbers = #tpu.dot_dimension_numbers<[1], [0], [0], [1], [0, 0, 1, 1], [], []>, transpose_lhs_hint = false} : vector<8x512xf32>, vector<512x1024xf32>, vector<8x1024xf32> -> vector<8x1024xf32>
      %mul3A_251 = arith.mulf %get3A_235, %dot_general3A_250 : vector<8x1024xf32>
      %reduce_sum3A_252 = arith.constant dense<0.000000e+00> : vector<1024xf32>
      %reduce_sum3A_253 = vector.multi_reduction <add>, %mul3A_251, %reduce_sum3A_252 [0] : vector<8x1024xf32> to vector<1024xf32>
      %broadcast_in_dim3A_254 = vector.shape_cast %reduce_sum3A_253 : vector<1024xf32> to vector<1x1024xf32>
      %exp3A_255 = math.exp %broadcast_in_dim3A_254 : vector<1x1024xf32>
      %dot_general3A_256 = arith.constant dense<0.000000e+00> : vector<1x512xf32>
      %dot_general3A_257 = tpu.matmul %exp3A_255, %select_n3A_248, %dot_general3A_256 {dimension_numbers = #tpu.dot_dimension_numbers<[1], [1], [0], [0], [0, 0, 1, 0], [], []>, transpose_lhs_hint = false} : vector<1x1024xf32>, vector<512x1024xf32>, vector<1x512xf32> -> vector<1x512xf32>
      %add3A_258 = arith.addf %add3A_221, %dot_general3A_257 : vector<1x512xf32>
      %mul3A_259 = vector.broadcast %exp3A_255 : vector<1x1024xf32> to vector<8x1024xf32>
      %mul3A_260 = arith.mulf %mul3A_259, %get3A_235 : vector<8x1024xf32>
      %dot_general3A_261 = arith.constant dense<0.000000e+00> : vector<8x512xf32>
      %dot_general3A_262 = tpu.matmul %mul3A_260, %select_n3A_248, %dot_general3A_261 {dimension_numbers = #tpu.dot_dimension_numbers<[1], [1], [0], [0], [0, 0, 1, 0], [], []>, transpose_lhs_hint = false} : vector<8x1024xf32>, vector<512x1024xf32>, vector<8x512xf32> -> vector<8x512xf32>
      %add3A_263 = arith.addf %add3A_226, %dot_general3A_262 : vector<8x512xf32>
      scf.yield %add3A_258, %add3A_263 : vector<1x512xf32>, vector<8x512xf32>
    }
    %scan3A_114 = arith.constant 25 : i32
    %add3A_115 = arith.constant 1.000000e-16 : f32
    %add3A_116 = vector.broadcast %add3A_115 : f32 to vector<1x512xf32>
    %add3A_117 = arith.addf %scan3A_113#0, %add3A_116 : vector<1x512xf32>
    %div3A_118 = vector.broadcast %add3A_117 : vector<1x512xf32> to vector<8x512xf32>
    %div3A_119 = arith.divf %scan3A_113#1, %div3A_118 : vector<8x512xf32>
    %concatenate3A_120 = tpu.concatenate %mul3A_108, %div3A_119 in 0 : vector<8x512xf32>, vector<8x512xf32> -> vector<16x512xf32>
    %dot_general3A_121 = arith.constant dense<0.000000e+00> : vector<32x512xf32>
    %dot_general3A_122 = tpu.matmul %get3A_10, %concatenate3A_120, %dot_general3A_121 {dimension_numbers = #tpu.dot_dimension_numbers<[1], [0], [0], [1], [0, 0, 1, 1], [], []>, transpose_lhs_hint = false} : vector<32x16xf32>, vector<16x512xf32>, vector<32x512xf32> -> vector<32x512xf32>
    %add3A_123 = vector.broadcast %get3A_16 : vector<32x1xf32> to vector<32x512xf32>
    %add3A_124 = arith.addf %dot_general3A_122, %add3A_123 : vector<32x512xf32>
    %dot_general3A_125 = arith.constant dense<0.000000e+00> : vector<32x512xf32>
    %dot_general3A_126 = tpu.matmul %get3A_13, %mul3A_108, %dot_general3A_125 {dimension_numbers = #tpu.dot_dimension_numbers<[1], [0], [0], [1], [0, 0, 1, 1], [], []>, transpose_lhs_hint = false} : vector<32x8xf32>, vector<8x512xf32>, vector<32x512xf32> -> vector<32x512xf32>
    %add3A_127 = arith.addf %add3A_124, %dot_general3A_126 : vector<32x512xf32>
    %add3A_128 = vector.broadcast %get3A_19 : vector<32x1xf32> to vector<32x512xf32>
    %add3A_129 = arith.addf %add3A_127, %add3A_128 : vector<32x512xf32>
    %slice3A_130 = vector.extract_strided_slice %add3A_129 {offsets = [0, 0], sizes = [8, 512], strides = [1, 1]} : vector<32x512xf32> to vector<8x512xf32>
    %logistic3A_131 = arith.negf %slice3A_130 : vector<8x512xf32>
    %logistic3A_132 = math.exp %logistic3A_131 : vector<8x512xf32>
    %logistic3A_133 = arith.constant 1.000000e+00 : f32
    %logistic3A_134 = vector.broadcast %logistic3A_133 : f32 to vector<8x512xf32>
    %logistic3A_135 = arith.addf %logistic3A_134, %logistic3A_132 : vector<8x512xf32>
    %logistic3A_136 = arith.divf %logistic3A_134, %logistic3A_135 : vector<8x512xf32>
    %slice3A_137 = vector.extract_strided_slice %add3A_129 {offsets = [8, 0], sizes = [8, 512], strides = [1, 1]} : vector<32x512xf32> to vector<8x512xf32>
    %logistic3A_138 = arith.negf %slice3A_137 : vector<8x512xf32>
    %logistic3A_139 = math.exp %logistic3A_138 : vector<8x512xf32>
    %logistic3A_140 = arith.constant 1.000000e+00 : f32
    %logistic3A_141 = vector.broadcast %logistic3A_140 : f32 to vector<8x512xf32>
    %logistic3A_142 = arith.addf %logistic3A_141, %logistic3A_139 : vector<8x512xf32>
    %logistic3A_143 = arith.divf %logistic3A_141, %logistic3A_142 : vector<8x512xf32>
    %slice3A_144 = vector.extract_strided_slice %add3A_129 {offsets = [16, 0], sizes = [8, 512], strides = [1, 1]} : vector<32x512xf32> to vector<8x512xf32>
    %tanh3A_145 = math.tanh %slice3A_144 : vector<8x512xf32>
    %slice3A_146 = vector.extract_strided_slice %add3A_129 {offsets = [24, 0], sizes = [8, 512], strides = [1, 1]} : vector<32x512xf32> to vector<8x512xf32>
    %logistic3A_147 = arith.negf %slice3A_146 : vector<8x512xf32>
    %logistic3A_148 = math.exp %logistic3A_147 : vector<8x512xf32>
    %logistic3A_149 = arith.constant 1.000000e+00 : f32
    %logistic3A_150 = vector.broadcast %logistic3A_149 : f32 to vector<8x512xf32>
    %logistic3A_151 = arith.addf %logistic3A_150, %logistic3A_148 : vector<8x512xf32>
    %logistic3A_152 = arith.divf %logistic3A_150, %logistic3A_151 : vector<8x512xf32>
    %mul3A_153 = arith.mulf %logistic3A_143, %add3A_106 : vector<8x512xf32>
    %mul3A_154 = arith.mulf %logistic3A_136, %tanh3A_145 : vector<8x512xf32>
    %add3A_155 = arith.addf %mul3A_153, %mul3A_154 : vector<8x512xf32>
    %tanh3A_156 = math.tanh %add3A_155 : vector<8x512xf32>
    %mul3A_157 = arith.mulf %logistic3A_152, %tanh3A_156 : vector<8x512xf32>
    %scan3A_158 = arith.constant 0 : i32
    %scan3A_159 = arith.constant 25 : i32
    %scan3A_160 = arith.addi %scan3A_158, %scan3A_159 : i32
    %scan3A_161 = arith.constant 1 : i32
    %scan3A_162:2 = scf.for %scan3A_192 = %scan3A_158 to %scan3A_160 step %scan3A_161 iter_args(%scan3A_193 = %broadcast_in_dim3A_20, %scan3A_194 = %broadcast_in_dim3A_22) -> (vector<1x512xf32>, vector<8x512xf32>)  : i32 {
      %mul3A_195 = arith.constant 2 : i32
      %mul3A_196 = arith.muli %scan3A_192, %mul3A_195 : i32
      %add3A_197 = arith.constant 0 : i32
      %add3A_198 = arith.addi %mul3A_196, %add3A_197 : i32
      %mul3A_199 = arith.constant 1024 : i32
      %mul3A_200 = arith.muli %add3A_198, %mul3A_199 : i32
      %get3A_201 = arith.constant 0 : index
      %get3A_202 = arith.index_cast %mul3A_200 : i32 to index
      %get3A_203 = vector.load %arg15[%get3A_201, %get3A_202] : memref<8x51200xf32, #tpu.memory_space<vmem>>, vector<8x1024xf32>
      %mul3A_204 = arith.constant 1024 : i32
      %mul3A_205 = arith.muli %add3A_198, %mul3A_204 : i32
      %get3A_206 = arith.constant 0 : index
      %get3A_207 = arith.index_cast %mul3A_205 : i32 to index
      %get3A_208 = vector.load %arg2[%get3A_206, %get3A_207] : memref<1x51200xi32, #tpu.memory_space<vmem>>, vector<1x1024xi32>
      %iota3A = tpu.iota {dimensions = array<i32: 0>} : vector<512x1024xi32>
      %eq3A = vector.broadcast %get3A_208 : vector<1x1024xi32> to vector<512x1024xi32>
      %eq3A_209 = arith.cmpi eq, %iota3A, %eq3A : vector<512x1024xi32>
      %jit3A = arith.constant 1.000000e+00 : f32
      %jit3A_210 = arith.constant 0.000000e+00 : f32
      %broadcast_in_dim3A_211 = vector.broadcast %jit3A : f32 to vector<512x1024xf32>
      %broadcast_in_dim3A_212 = vector.broadcast %jit3A_210 : f32 to vector<512x1024xf32>
      %select_n3A = arith.select %eq3A_209, %broadcast_in_dim3A_211, %broadcast_in_dim3A_212 : vector<512x1024xi1>, vector<512x1024xf32>
      %dot_general3A_213 = arith.constant dense<0.000000e+00> : vector<8x1024xf32>
      %dot_general3A_214 = tpu.matmul %mul3A_157, %select_n3A, %dot_general3A_213 {dimension_numbers = #tpu.dot_dimension_numbers<[1], [0], [0], [1], [0, 0, 1, 1], [], []>, transpose_lhs_hint = false} : vector<8x512xf32>, vector<512x1024xf32>, vector<8x1024xf32> -> vector<8x1024xf32>
      %mul3A_215 = arith.mulf %get3A_203, %dot_general3A_214 : vector<8x1024xf32>
      %reduce_sum3A_216 = arith.constant dense<0.000000e+00> : vector<1024xf32>
      %reduce_sum3A_217 = vector.multi_reduction <add>, %mul3A_215, %reduce_sum3A_216 [0] : vector<8x1024xf32> to vector<1024xf32>
      %broadcast_in_dim3A_218 = vector.shape_cast %reduce_sum3A_217 : vector<1024xf32> to vector<1x1024xf32>
      %exp3A = math.exp %broadcast_in_dim3A_218 : vector<1x1024xf32>
      %dot_general3A_219 = arith.constant dense<0.000000e+00> : vector<1x512xf32>
      %dot_general3A_220 = tpu.matmul %exp3A, %select_n3A, %dot_general3A_219 {dimension_numbers = #tpu.dot_dimension_numbers<[1], [1], [0], [0], [0, 0, 1, 0], [], []>, transpose_lhs_hint = false} : vector<1x1024xf32>, vector<512x1024xf32>, vector<1x512xf32> -> vector<1x512xf32>
      %add3A_221 = arith.addf %scan3A_193, %dot_general3A_220 : vector<1x512xf32>
      %mul3A_222 = vector.broadcast %exp3A : vector<1x1024xf32> to vector<8x1024xf32>
      %mul3A_223 = arith.mulf %mul3A_222, %get3A_203 : vector<8x1024xf32>
      %dot_general3A_224 = arith.constant dense<0.000000e+00> : vector<8x512xf32>
      %dot_general3A_225 = tpu.matmul %mul3A_223, %select_n3A, %dot_general3A_224 {dimension_numbers = #tpu.dot_dimension_numbers<[1], [1], [0], [0], [0, 0, 1, 0], [], []>, transpose_lhs_hint = false} : vector<8x1024xf32>, vector<512x1024xf32>, vector<8x512xf32> -> vector<8x512xf32>
      %add3A_226 = arith.addf %scan3A_194, %dot_general3A_225 : vector<8x512xf32>
      %mul3A_227 = arith.constant 2 : i32
      %mul3A_228 = arith.muli %scan3A_192, %mul3A_227 : i32
      %add3A_229 = arith.constant 1 : i32
      %add3A_230 = arith.addi %mul3A_228, %add3A_229 : i32
      %mul3A_231 = arith.constant 1024 : i32
      %mul3A_232 = arith.muli %add3A_230, %mul3A_231 : i32
      %get3A_233 = arith.constant 0 : index
      %get3A_234 = arith.index_cast %mul3A_232 : i32 to index
      %get3A_235 = vector.load %arg15[%get3A_233, %get3A_234] : memref<8x51200xf32, #tpu.memory_space<vmem>>, vector<8x1024xf32>
      %mul3A_236 = arith.constant 1024 : i32
      %mul3A_237 = arith.muli %add3A_230, %mul3A_236 : i32
      %get3A_238 = arith.constant 0 : index
      %get3A_239 = arith.index_cast %mul3A_237 : i32 to index
      %get3A_240 = vector.load %arg2[%get3A_238, %get3A_239] : memref<1x51200xi32, #tpu.memory_space<vmem>>, vector<1x1024xi32>
      %iota3A_241 = tpu.iota {dimensions = array<i32: 0>} : vector<512x1024xi32>
      %eq3A_242 = vector.broadcast %get3A_240 : vector<1x1024xi32> to vector<512x1024xi32>
      %eq3A_243 = arith.cmpi eq, %iota3A_241, %eq3A_242 : vector<512x1024xi32>
      %jit3A_244 = arith.constant 1.000000e+00 : f32
      %jit3A_245 = arith.constant 0.000000e+00 : f32
      %broadcast_in_dim3A_246 = vector.broadcast %jit3A_244 : f32 to vector<512x1024xf32>
      %broadcast_in_dim3A_247 = vector.broadcast %jit3A_245 : f32 to vector<512x1024xf32>
      %select_n3A_248 = arith.select %eq3A_243, %broadcast_in_dim3A_246, %broadcast_in_dim3A_247 : vector<512x1024xi1>, vector<512x1024xf32>
      %dot_general3A_249 = arith.constant dense<0.000000e+00> : vector<8x1024xf32>
      %dot_general3A_250 = tpu.matmul %mul3A_157, %select_n3A_248, %dot_general3A_249 {dimension_numbers = #tpu.dot_dimension_numbers<[1], [0], [0], [1], [0, 0, 1, 1], [], []>, transpose_lhs_hint = false} : vector<8x512xf32>, vector<512x1024xf32>, vector<8x1024xf32> -> vector<8x1024xf32>
      %mul3A_251 = arith.mulf %get3A_235, %dot_general3A_250 : vector<8x1024xf32>
      %reduce_sum3A_252 = arith.constant dense<0.000000e+00> : vector<1024xf32>
      %reduce_sum3A_253 = vector.multi_reduction <add>, %mul3A_251, %reduce_sum3A_252 [0] : vector<8x1024xf32> to vector<1024xf32>
      %broadcast_in_dim3A_254 = vector.shape_cast %reduce_sum3A_253 : vector<1024xf32> to vector<1x1024xf32>
      %exp3A_255 = math.exp %broadcast_in_dim3A_254 : vector<1x1024xf32>
      %dot_general3A_256 = arith.constant dense<0.000000e+00> : vector<1x512xf32>
      %dot_general3A_257 = tpu.matmul %exp3A_255, %select_n3A_248, %dot_general3A_256 {dimension_numbers = #tpu.dot_dimension_numbers<[1], [1], [0], [0], [0, 0, 1, 0], [], []>, transpose_lhs_hint = false} : vector<1x1024xf32>, vector<512x1024xf32>, vector<1x512xf32> -> vector<1x512xf32>
      %add3A_258 = arith.addf %add3A_221, %dot_general3A_257 : vector<1x512xf32>
      %mul3A_259 = vector.broadcast %exp3A_255 : vector<1x1024xf32> to vector<8x1024xf32>
      %mul3A_260 = arith.mulf %mul3A_259, %get3A_235 : vector<8x1024xf32>
      %dot_general3A_261 = arith.constant dense<0.000000e+00> : vector<8x512xf32>
      %dot_general3A_262 = tpu.matmul %mul3A_260, %select_n3A_248, %dot_general3A_261 {dimension_numbers = #tpu.dot_dimension_numbers<[1], [1], [0], [0], [0, 0, 1, 0], [], []>, transpose_lhs_hint = false} : vector<8x1024xf32>, vector<512x1024xf32>, vector<8x512xf32> -> vector<8x512xf32>
      %add3A_263 = arith.addf %add3A_226, %dot_general3A_262 : vector<8x512xf32>
      scf.yield %add3A_258, %add3A_263 : vector<1x512xf32>, vector<8x512xf32>
    }
    %scan3A_163 = arith.constant 25 : i32
    %add3A_164 = arith.constant 1.000000e-16 : f32
    %add3A_165 = vector.broadcast %add3A_164 : f32 to vector<1x512xf32>
    %add3A_166 = arith.addf %scan3A_162#0, %add3A_165 : vector<1x512xf32>
    %div3A_167 = vector.broadcast %add3A_166 : vector<1x512xf32> to vector<8x512xf32>
    %div3A_168 = arith.divf %scan3A_162#1, %div3A_167 : vector<8x512xf32>
    %concatenate3A_169 = tpu.concatenate %mul3A_157, %div3A_168 in 0 : vector<8x512xf32>, vector<8x512xf32> -> vector<16x512xf32>
    %get3A_170 = arith.constant 0 : index
    %get3A_171 = arith.constant 0 : index
    %get3A_172 = vector.load %arg10[%get3A_170, %get3A_171] : memref<16x512xf32, #tpu.memory_space<vmem>>, vector<16x512xf32>
    %get3A_173 = arith.constant 0 : index
    %get3A_174 = arith.constant 0 : index
    %get3A_175 = vector.load %arg11[%get3A_173, %get3A_174] : memref<16x512xf32, #tpu.memory_space<vmem>>, vector<16x512xf32>
    %concatenate3A_176 = tpu.concatenate %get3A_172, %get3A_175, %concatenate3A_169 in 0 : vector<16x512xf32>, vector<16x512xf32>, vector<16x512xf32> -> vector<48x512xf32>
    %get3A_177 = arith.constant 0 : index
    %get3A_178 = arith.constant 0 : index
    %get3A_179 = vector.load %arg12[%get3A_177, %get3A_178] : memref<48x1xf32, #tpu.memory_space<vmem>>, vector<48x1xf32>
    %mul3A_180 = vector.broadcast %get3A_179 : vector<48x1xf32> to vector<48x512xf32>
    %mul3A_181 = arith.mulf %concatenate3A_176, %mul3A_180 : vector<48x512xf32>
    %reduce_sum3A = arith.constant dense<0.000000e+00> : vector<512xf32>
    %reduce_sum3A_182 = vector.multi_reduction <add>, %mul3A_181, %reduce_sum3A [0] : vector<48x512xf32> to vector<512xf32>
    %broadcast_in_dim3A_183 = vector.shape_cast %reduce_sum3A_182 : vector<512xf32> to vector<1x512xf32>
    %get3A_184 = arith.constant 0 : index
    %get3A_185 = arith.constant 0 : index
    %get3A_186 = vector.load %arg13[%get3A_184, %get3A_185] : memref<1x1xf32, #tpu.memory_space<vmem>>, vector<1x1xf32>
    %add3A_187 = vector.broadcast %get3A_186 : vector<1x1xf32> to vector<1x512xf32>
    %add3A_188 = arith.addf %broadcast_in_dim3A_183, %add3A_187 : vector<1x512xf32>
    %tanh3A_189 = math.tanh %add3A_188 : vector<1x512xf32>
    %swap3A = arith.constant 0 : index
    %swap3A_190 = arith.constant 0 : index
    %swap3A_191 = vector.load %arg14[%swap3A, %swap3A_190] : memref<1x512xf32, #tpu.memory_space<vmem>>, vector<1x512xf32>
    tpu.vector_store %arg14[%swap3A, %swap3A_190], %tanh3A_189 {strides = array<i32>} : memref<1x512xf32, #tpu.memory_space<vmem>>, vector<1x512xf32>,
    return
  }
}

</mosaic_0001>

<sc_bundles>
// kernel: kernel.11.cloned.1.call-start
scs
__scs_entry_jumppad:
0x0: {  	(pc) =	sbr.rel $0x88, $3  }
0x1: {  	(tag) =	ssettag $0x0;
	lr =	simm.s32 $0x1  }
0x2: {  	[smem:$0x3F7F] =	sst lr;
	_ =	strace $0xD0000000  }
0x3: {  	_ = 	snop  }
0x4: {  	_ = 	snop  }
0x5: {  	_ = 	snop  }
0x6: {  	_ = 	snop  }
0x7: {  	_ = 	snop  }
__scs_overlays_trampoline_lowered:
0x8: {  	[smem:$0x3F8E] =	sst s0  }
0x9: {  	[smem:$0x3F8F] =	sst s1  }
0xa: {  	[smem:$0x3F90] =	sst s2  }
0xb: {  	[smem:$0x3F91] =	sst s3  }
0xc: {  	[smem:$0x3F92] =	sst s4  }
0xd: {  	[smem:$0x3F93] =	sst s5  }
0xe: {  	[smem:$0x3F94] =	sst s6  }
0xf: {  	[smem:$0x3F95] =	sst s7  }
0x10: {  	[smem:$0x3F96] =	sst s8  }
0x11: {  	[smem:$0x3F97] =	sst s9;
	s0 =	simm.s32 @!p0 $0x0  }
0x12: {  	s1 =	sld [smem:$0x3F7D];
	s0 =	simm.s32 @p0 $0x1  }
0x13: {  	[smem:$0x3F98] =	sst s0;
	s0 =	simm.s32 @!p1 $0x0  }
0x14: {  	s2 =	sld [smem:$0x3F7C];
	s0 =	simm.s32 @p1 $0x1  }
0x15: {  	[smem:$0x3F99] =	sst s0;
	s0 =	simm.s32 @!p2 $0x0  }
0x16: {  	s3 =	sld [smem:$0x3FDB];
	s0 =	simm.s32 @p2 $0x1  }
0x17: {  	s4 =	simm.s32 $0x1BF5;
	[smem:$0x3F9B] =	sst s0  }
0x18: {  	s0 =	sld [smem:$0x3F7E];
	_ =	swait.ge [sflag:s4], $0x0  }
0x19: {  	s7 =	sld [smem:$0x3F7F]  }
0x1a: {  	s8 =	sadd.s32 $0xFFFFE003, lr  }
0x1b: {  	s9 =	sadd.s32 $0xFFFFFEF7, lr;
	s5 =	simm.s32 $0xFFFFFFFF;
	p2 =	slt.u32 s8, $0xFFFFF086  }
0x1c: {  	p1 =	slt.u32 s9, $0xF7A;
	s5 =	simm.s32 @!p2 $0x0  }
0x1d: {  	s5 =	simm.s32 @p1 $0x1;
	p0 =	seq.s32 s7, s2  }
0x1e: {  	s7 =	smul.u32 @!p0 $0xF7A, s2;
	p2 =	seq.s32 @!p0 s5, $0x0  }
0x1f: {  	s9 =	smul.u32 $0xF7A, s1;
	s8 =	simm.s32 @!p0 $0x1BF5;
	p2 =	por !p2, p0  }
0x20: {  	[sflag:s8] =	ssyncset.s32 @!p0 $0xFFFFF086;
	s6 =	sadd.s32 @!p0 s3, s7;
	s7 =	simm.s32 @!p0 $0x108  }
0x21: {  	s3 =	sadd.s32 s3, s9;
	s6 =	sadd.s32 @!p0 $0x88, s6;
	s7 =	simm.s32 @p2 $0x1082  }
0x22: {  	[simem:s7], [sflag:s8] =	dma.local @!p0 [hbm:s6], $0xF7A  }
0x23: {  	s9 =	sor.u32 $0xD0000000, s2;
	s6 =	simm.s32 $0x108;
	_ =	swait.ge @!p0 [sflag:s8], $0x0  }
0x24: {  	s3 =	sadd.s32 $0x88, s3;
	s6 =	simm.s32 @!p1 $0x1082;
	[sflag:s4] =	ssyncset.s32 $0xFFFFF086  }
0x25: {  	[simem:s6], [sflag:s4] =	dma.local [hbm:s3], $0xF7A  }
0x26: {  	[smem:$0x3F7F] =	sst s1;
	(tag) =	ssettag s2;
	_ =	strace s9  }
0x27: {  	s1 =	sld [smem:$0x3F8F]  }
0x28: {  	s2 =	sld [smem:$0x3F90]  }
0x29: {  	s4 =	sld [smem:$0x3F92]  }
0x2a: {  	p0 =	seq.s32 s5, $0x0;
	s5 =	sld [smem:$0x3F93]  }
0x2b: {  	s6 =	sld [smem:$0x3F94]  }
0x2c: {  	s7 =	sld [smem:$0x3F95]  }
0x2d: {  	s3 =	simm.s32 $0x108;
	s8 =	sld [smem:$0x3F96]  }
0x2e: {  	s3 =	simm.s32 @!p0 $0x1082;
	s9 =	sld [smem:$0x3F97]  }
0x2f: {  	lr =	sadd.s32 s0, s3;
	s0 =	sld [smem:$0x3F8E]  }
0x30: {  	s3 =	sld [smem:$0x3F91]  }
0x31: {  	[smem:$0x3F9A] =	sst s10  }
0x32: {  	s10 =	sld [smem:$0x3F98];
	_ =	sdelay $0x3  }
0x33: {  	p0 =	seq.s32 s10, $0x1;
	s10 =	sld [smem:$0x3F9A];
	_ =	sdelay $0x3  }
0x34: {  	[smem:$0x3F9A] =	sst s10  }
0x35: {  	s10 =	sld [smem:$0x3F99];
	_ =	sdelay $0x3  }
0x36: {  	p1 =	seq.s32 s10, $0x1;
	s10 =	sld [smem:$0x3F9A];
	_ =	sdelay $0x3  }
0x37: {  	[smem:$0x3F9A] =	sst s10  }
0x38: {  	s10 =	sld [smem:$0x3F9B]  }
0x39: {  	_ = 	snop;
	(pc) =	sbr.ind lr, $3  }
0x3a: {  	_ = 	snop  }
0x3b: {  	_ = 	snop  }
0x3c: {  	p2 =	seq.s32 s10, $0x1;
	s10 =	sld [smem:$0x3F9A]  }
0x3d: {  	_ =	shalt  }
0x3e: {  	_ =	shalt  }
0x3f: {  	_ =	shalt  }
0x40: {  	_ =	shalt  }
0x41: {  	_ =	shalt  }
0x42: {  	_ =	shalt  }
0x43: {  	_ =	shalt  }
0x44: {  	_ =	shalt  }
0x45: {  	_ =	shalt  }
0x46: {  	_ =	shalt  }
0x47: {  	_ =	shalt  }
0x48: {  	_ =	shalt  }
0x49: {  	_ =	shalt  }
0x4a: {  	_ =	shalt  }
0x4b: {  	_ =	shalt  }
0x4c: {  	_ =	shalt  }
0x4d: {  	_ =	shalt  }
0x4e: {  	_ =	shalt  }
0x4f: {  	_ =	shalt  }
0x50: {  	_ =	shalt  }
0x51: {  	_ =	shalt  }
0x52: {  	_ =	shalt  }
0x53: {  	_ =	shalt  }
0x54: {  	_ =	shalt  }
0x55: {  	_ =	shalt  }
0x56: {  	_ =	shalt  }
0x57: {  	_ =	shalt  }
0x58: {  	_ =	shalt  }
0x59: {  	_ =	shalt  }
0x5a: {  	_ =	shalt  }
0x5b: {  	_ =	shalt  }
0x5c: {  	_ =	shalt  }
0x5d: {  	_ =	shalt  }
0x5e: {  	_ =	shalt  }
0x5f: {  	_ =	shalt  }
0x60: {  	_ =	shalt  }
0x61: {  	_ =	shalt  }
0x62: {  	_ =	shalt  }
0x63: {  	_ =	shalt  }
0x64: {  	_ =	shalt  }
0x65: {  	_ =	shalt  }
0x66: {  	_ =	shalt  }
0x67: {  	_ =	shalt  }
0x68: {  	_ =	shalt  }
0x69: {  	_ =	shalt  }
0x6a: {  	_ =	shalt  }
0x6b: {  	_ =	shalt  }
0x6c: {  	_ =	shalt  }
0x6d: {  	_ =	shalt  }
0x6e: {  	_ =	shalt  }
0x6f: {  	_ =	shalt  }
0x70: {  	_ =	shalt  }
0x71: {  	_ =	shalt  }
0x72: {  	_ =	shalt  }
0x73: {  	_ =	shalt  }
0x74: {  	_ =	shalt  }
0x75: {  	_ =	shalt  }
0x76: {  	_ =	shalt  }
0x77: {  	_ =	shalt  }
0x78: {  	_ =	shalt  }
0x79: {  	_ =	shalt  }
0x7a: {  	_ =	shalt  }
0x7b: {  	_ =	shalt  }
0x7c: {  	_ =	shalt  }
0x7d: {  	_ =	shalt  }
0x7e: {  	_ =	shalt  }
0x7f: {  	_ =	shalt  }
0x80: {  	_ =	shalt  }
0x81: {  	_ =	shalt  }
0x82: {  	_ =	shalt  }
0x83: {  	_ =	shalt  }
0x84: {  	_ =	shalt  }
0x85: {  	_ =	shalt  }
0x86: {  	_ =	shalt  }
0x87: {  	_ =	shalt  }
.Lfunc_end0:
.L_simem_size_0:
called_computation_lowered:
.L_overlay_start_0:
0x88: {  	s2 =	sld [smem:$0x3FD9]  }
0x89: {  	s3 =	sld [smem:$0x3FFE];
	_ =	sdelay $0x1  }
0x8a: {  	s1 =	srdreg.scid  }
0x8b: {  	s0 =	sand.u32 $0x1, s1  }
0x8c: {  	s16 =	sshll.u32 s0, $0xA;
	s2 =	sadd.s32 s3, s2  }
0x8d: {  	s2 =	sadd.s32 s2, s16  }
0x8e: {  	[smem:$0x3FA6] =	sst s2  }
0x8f: {  	_ = 	snop  }
0x90: {  	(tm) =	ssettm $0x1  }
0x91: {  	s17 =	sld [smem:$0x3FFB];
	_ =	sdelay $0x3  }
0x92: {  	_ =	strace s17  }
0x93: {  	s2 =	sld [smem:$0x3FFC];
	_ =	sdelay $0x3  }
0x94: {  	_ =	strace s2  }
0x95: {  	s2 =	sld [smem:$0x3FFD];
	_ =	sdelay $0x3  }
0x96: {  	_ =	strace s2  }
0x97: {  	_ =	strace $0x8FFFFFFF  }
0x98: {  	s18 =	sld [smem:$0x3FDB];
	_ =	sdelay $0x1  }
0x99: {  	s19 =	simm.s32 $_scs_section_size  }
0x9a: {  	s4 =	simm.s32 $_size__tile_overlayer_lowered;
	s5 =	simm.s32 $_tile_overlayer_lowered  }
0x9b: {  	s22 =	simm.s32 $0x1BFF;
	s21 =	sshll.u32 s5, $0x1;
	s2 =	sadd.s32 s19, s18  }
0x9c: {  	s6 =	simm.s32 $0x0;
	s20 =	sshll.u32 s4, $0x1;
	s4 =	sadd.s32 s21, s2  }
0x9d: {  	[timem:s6], [sflag:s22] =	dma.local [hbm:s4], s20  }
0x9e: {  	_ =	swait.ge [sflag:s22], s20  }
0x9f: {  	s3 =	ssub.s32 $0x0, s20;
	[sflag:s22] =	ssyncset.done $0x0  }
0xa0: {  	[sflag:s22] =	ssyncadd.s32 s3;
	_ =	sdelay $0x1  }
0xa1: {  	s23 =	simm.s32 $0x1B8B  }
0xa2: {  	_ =	swait.ge [sflag:s23], $0x1  }
0xa3: {  	[sflag:s23] =	ssyncset.done $0x0  }
0xa4: {  	s25 =	simm.s32 $0x1B8E;
	s24 =	sld [smem:$0x3FFE];
	[sflag:s23] =	ssyncadd.s32 $0xFFFFFFFF  }
0xa5: {  	s26 =	simm.s32 $execute0_lowered;
	[smem:$0x3FD2] =	sst s25  }
0xa6: {  	s4 =	sshll.u32 s26, $0x1;
	_ =	strace $0x80000046;
	[dreg:$0x1] =	wrdreg $0xFFFFFFFF  }
0xa7: {  	s28 =	simm.s32 $_size_execute0_lowered;
	s2 =	sadd.s32 s2, s4;
	[dreg:$0x0] =	wrdreg $0x0  }
0xa8: {  	s4 =	sshll.u32 s28, $0x1;
	[dreg:$0x2] =	wrdreg s2  }
0xa9: {  	[dreg:$0x3] =	wrdreg s4  }
0xaa: {  	[dreg:$0x4] =	wrdreg $0xC0  }
0xab: {  	_ =	task [dreg:s6], $0x5FFFF  }
0xac: {  	[dreg:$0x1] =	wrdreg $0xFFFFFFFF  }
0xad: {  	[dreg:$0x0] =	wrdreg $0x60  }
0xae: {  	[dreg:$0x2] =	wrdreg s24  }
0xaf: {  	[dreg:$0x3] =	wrdreg $0x47400  }
0xb0: {  	[dreg:$0x4] =	wrdreg $0x9  }
0xb1: {  	_ =	task.clear_ibuf [dreg:s6], $0x5FFFF;
	_ =	strace $0x90000046  }
0xb2: {  	s29 =	simm.s32 $0x9;
	_ =	strace $0x80000048  }
0xb3: {  	_ =	swait.ge [sflag:s29], $0x1  }
0xb4: {  	[sflag:s29] =	ssyncadd.s32 $0xFFFFFFFF  }
0xb5: {  	_ =	strace $0x90000048  }
0xb6: {  	_ =	sfence  }
0xb7: {  	s30 =	sld [smem:$0x0];
	_ =	sdelay $0x2  }
0xb8: {  	s31 =	sshll.u32 s1, $0xD;
	s1 =	sshrl.u32 s1, $0x2  }
0xb9: {  	s3 =	sand.u32 $0x4000, s31;
	s1 =	sadd.s32 s1, s30  }
0xba: {  	s0 =	sor.u32 s3, s0;
	s1 =	sshll.u32 s1, $0x11  }
0xbb: {  	s0 =	sor.u32 s1, s0  }
0xbc: {  	s0 =	sadd.s32 $0x8F2B, s0  }
0xbd: {  	[sflag:s0] =	ssyncadd.remote.s32 $0x1  }
0xbe: {  	_ =	sfence.sel $0xFFFF  }
0xbf: {  	[dreg:$0x0] =	wrdreg $0xFFFFFFFF;
	(pc) =	sbr.abs _section_cstart, $3  }
0xc0: {  	[dreg:$0x1] =	wrdreg $0xFFFFFFFF  }
0xc1: {  	_ =	task.clear_ibuf [dreg:s6], $0x2FFFF;
	_ =	strace $0x9FFFFFFF  }
0xc2: {  	(tm) =	ssettm $0x7FFFFFFF  }
0xc3: {  	_ =	shalt  }
tec
execute0_lowered:
.L_overlay_start_1:
0x0: {  	(tag) =	ssettag $0x1  }
0x1: {  	s0 =	rddreg [dreg:$0x0]  }
0x2: {  	s2 =	rddreg [dreg:$0x1]  }
0x3: {  	s1 =	srdreg.scid;
	s3 =	stileid.u32;
	s11 =	simm.s32 $0x0  }
0x4: {  	s13 =	simm.s32 $0x9;
	s14 =	simm.s32 $0x1400;
	s15 =	simm.s32 $0x7D  }
0x5: {  	s16 =	simm.s32 $0x2800;
	s17 =	simm.s32 $0x80;
	s18 =	simm.s32 $0x2FD0  }
0x6: {  	s19 =	simm.s32 $0x100;
	s20 =	simm.s32 $0x37A0;
	s21 =	simm.s32 $0x180  }
0x7: {  	s22 =	simm.s32 $0x3F70;
	s28 =	simm.s32 $0x5;
	s29 =	simm.s32 $0x6  }
0x8: {  	s30 =	simm.s32 $0x7;
	s31 =	simm.s32 $0x8;
	s1 =	sand.u32 $0x1, s1  }
0x9: {  	s7 =	smul.u32 $0xC800, s3;
	[smem:$0x7FF] =	sst s11;
	s4 =	sadd.s32 $0x68400, s0  }
0xa: {  	s5 =	sadd.s32 $0x36400, s0;
	s6 =	sadd.s32 $0x4400, s0;
	s10 =	sadd.s32 $0x81400, s0  }
0xb: {  	s25 =	sshll.u32 s3, $0x6;
	s8 =	smul.u32 $0xC8000, s1;
	_ =	strace $0x80000047  }
0xc: {  	s9 =	ssub.s32 $0x2, s1;
	[dreg:$0x4] =	wrdreg s10;
	s1 =	sshll.u32 s1, $0x4  }
0xd: {  	s12 =	sor.u32 $0x1C09, s25;
	s25 =	simm.s32 $0x3;
	s10 =	simm.s32 $0x2780  }
0xe: {  	s23 =	sshrl.u32 s9, $0x1;
	s1 =	sor.u32 s3, s1;
	[dreg:$0x5] =	wrdreg s12  }
0xf: {  	s8 =	sadd.s32 s7, s8;
	s24 =	ssub.s32 s9, s23;
	s7 =	sadd.s32 s7, s2  }
0x10: {  	s9 =	smul.u32 $0x190, s1;
	s23 =	simm.s32 $0x1;
	s1 =	simm.s32 $0x2680  }
0x11: {  	s8 =	sshrl.u32 s8, $0x3;
	s26 =	smax.u32 s24, $0x1;
	s24 =	simm.s32 $0x2  }
0x12: {  	s0 =	sadd.s32 s8, s0;
	[dreg:$0x7] =	wrdreg s26;
	s8 =	sshrl.u32 s7, $0x3  }
0x13: {  	s26 =	simm.s32 $0x4;
	s0 =	sadd.s32 $0x82E00, s0;
	[dreg:$0x8] =	wrdreg s8  }
0x14: {  	s7 =	simm.s32 $0x2700;
	[dreg:$0x6] =	wrdreg s0;
	s0 =	simm.s32 $0x2600  }
.LBB2_1:
0x15: {  	[dreg:$0x3] =	wrdreg s11  }
0x16: {  	s3 =	rddreg [dreg:$0x4]  }
0x17: {  	[spmem:s8], [sflag:s12] =	dma.local [hbm:s3], $0x1900  }
0x18: {  	_ =	swait.ge [sflag:s13], $0x1900  }
0x19: {  	[sflag:s13] =	ssyncset.done $0x0  }
0x1a: {  	[sflag:s13] =	ssyncadd.s32 $0xFFFFE700  }
0x1b: {  	s11 =	simm.s32 $0x0;
	[bflag:$0x0] =	sbarrier.arrive $0xFFFF  }
.LBB2_2:
0x1c: {  	s8 =	smul.u32 $0x28, s11;
	_ =	sdelay $0x1  }
0x1d: {  	s8 =	sadd.s32 s9, s8  }
0x1e: {  	s8 =	sshll.u32 s8, $0x4  }
0x1f: {  	s3 =	simm.s32 $0x0;
	s12 =	sadd.s32 s5, s8  }
0x20: {  	[tilespmem:s3], [sflag:$0x9] =	stream.linear.gather [hbm4b:s12+s3], $0x1400, $0x38;
	[tilespmem:$0x10F40] =	vst v63  }
0x21: {  	_ =	swait.ge [sflag:s13], $0x1400  }
0x22: {  	[sflag:s13] =	ssyncset.done $0x0  }
0x23: {  	s8 =	sadd.s32 s6, s8;
	[sflag:s13] =	ssyncadd.s32 $0xFFFFEC00  }
0x24: {  	[tilespmem:s14], [sflag:$0x9] =	stream.linear.gather [hbm4b:s8+s3], $0x1400, $0x38;
	[tilespmem:$0x10F40] =	vst v63  }
0x25: {  	_ =	swait.ge [sflag:s13], $0x1400  }
0x26: {  	[sflag:s13] =	ssyncset.done $0x0  }
0x27: {  	[sflag:s13] =	ssyncadd.s32 $0xFFFFEC00  }
0x28: {  	[tilespmem:s16], [sflag:$0x1] =	stream.indirect.gather [hbm4b:s4+s15], $0x10, s3, s15, $0xb8;
	[tilespmem:$0x10F40] =	vst v63  }
0x29: {  	_ = 	snop  }
0x2a: {  	[tilespmem:s18], [sflag:$0x2] =	stream.indirect.gather [hbm4b:s4+s15], $0x10, s17, s15, $0xb8;
	[tilespmem:$0x10F40] =	vst v63  }
0x2b: {  	_ = 	snop  }
0x2c: {  	[tilespmem:s20], [sflag:$0x3] =	stream.indirect.gather [hbm4b:s4+s15], $0x10, s19, s15, $0xb8;
	[tilespmem:$0x10F40] =	vst v63  }
0x2d: {  	_ = 	snop  }
0x2e: {  	[tilespmem:s22], [sflag:$0x4] =	stream.indirect.gather [hbm4b:s4+s15], $0x10, s21, s15, $0xb8;
	[tilespmem:$0x10F40] =	vst v63  }
0x2f: {  	_ =	swait.ge [sflag:s23], $0x7D0  }
0x30: {  	[sflag:s23] =	ssyncset.done $0x0  }
0x31: {  	s12 =	simm.s32 $0x1400;
	[sflag:s23] =	ssyncadd.s32 $0xFFFFF830  }
0x32: {  	[spmem:s2] =	stream.indirect.scatter.add.f32 [tilespmem:s16], [sflag:$0x5], $0x10, s12, s15, $0xb8;
	[tilespmem:$0x10F40] =	vst v63  }
0x33: {  	_ =	swait.ge [sflag:s24], $0x7D0  }
0x34: {  	[sflag:s24] =	ssyncset.done $0x0  }
0x35: {  	s8 =	simm.s32 $0x1480;
	[sflag:s24] =	ssyncadd.s32 $0xFFFFF830  }
0x36: {  	[spmem:s2] =	stream.indirect.scatter.add.f32 [tilespmem:s18], [sflag:$0x6], $0x10, s8, s15, $0xb8;
	[tilespmem:$0x10F40] =	vst v63  }
0x37: {  	_ =	swait.ge [sflag:s25], $0x7D0  }
0x38: {  	[sflag:s25] =	ssyncset.done $0x0  }
0x39: {  	s12 =	simm.s32 $0x1500;
	[sflag:s25] =	ssyncadd.s32 $0xFFFFF830  }
0x3a: {  	[spmem:s2] =	stream.indirect.scatter.add.f32 [tilespmem:s20], [sflag:$0x7], $0x10, s12, s15, $0xb8;
	[tilespmem:$0x10F40] =	vst v63  }
0x3b: {  	_ =	swait.ge [sflag:s26], $0x7D0  }
0x3c: {  	[sflag:s26] =	ssyncset.done $0x0  }
0x3d: {  	s8 =	simm.s32 $0x1580;
	[sflag:s26] =	ssyncadd.s32 $0xFFFFF830  }
0x3e: {  	[spmem:s2] =	stream.indirect.scatter.add.f32 [tilespmem:s22], [sflag:$0x8], $0x10, s8, s15, $0xb8;
	[tilespmem:$0x10F40] =	vst v63  }
0x3f: {  	_ =	swait.ge [sflag:s28], $0x7D0  }
0x40: {  	[sflag:s28] =	ssyncset.done $0x0  }
0x41: {  	s12 =	simm.s32 $0x200;
	[sflag:s28] =	ssyncadd.s32 $0xFFFFF830  }
0x42: {  	[tilespmem:s16], [sflag:$0x1] =	stream.indirect.gather [hbm4b:s4+s15], $0x10, s12, s15, $0xb8;
	[tilespmem:$0x10F40] =	vst v63  }
0x43: {  	_ =	swait.ge [sflag:s29], $0x7D0  }
0x44: {  	[sflag:s29] =	ssyncset.done $0x0  }
0x45: {  	s8 =	simm.s32 $0x280;
	[sflag:s29] =	ssyncadd.s32 $0xFFFFF830  }
0x46: {  	[tilespmem:s18], [sflag:$0x2] =	stream.indirect.gather [hbm4b:s4+s15], $0x10, s8, s15, $0xb8;
	[tilespmem:$0x10F40] =	vst v63  }
0x47: {  	_ =	swait.ge [sflag:s30], $0x7D0  }
0x48: {  	[sflag:s30] =	ssyncset.done $0x0  }
0x49: {  	s12 =	simm.s32 $0x300;
	[sflag:s30] =	ssyncadd.s32 $0xFFFFF830  }
0x4a: {  	[tilespmem:s20], [sflag:$0x3] =	stream.indirect.gather [hbm4b:s4+s15], $0x10, s12, s15, $0xb8;
	[tilespmem:$0x10F40] =	vst v63  }
0x4b: {  	_ =	swait.ge [sflag:s31], $0x7D0  }
0x4c: {  	[sflag:s31] =	ssyncset.done $0x0  }
0x4d: {  	s8 =	simm.s32 $0x800;
	s12 =	simm.s32 $0x380;
	[sflag:s31] =	ssyncadd.s32 $0xFFFFF830  }
.LBB2_3:
0x4e: {  	[tilespmem:s22], [sflag:$0x4] =	stream.indirect.gather [hbm4b:s4+s15], $0x10, s12, s15, $0xb8;
	[tilespmem:$0x10F40] =	vst v63  }
0x4f: {  	s3 =	smov.u32 s8  }
0x50: {  	p0 =	sne.s32 s8, $0x4000;
	s8 =	sadd.s32 $0x800, s8;
	_ =	swait.ge [sflag:s23], $0x7D0  }
0x51: {  	s12 =	sshra.s32 s3, $0x2;
	[sflag:s23] =	ssyncset.done $0x0  }
0x52: {  	s3 =	sadd.s32 $0x1400, s12;
	[sflag:s23] =	ssyncadd.s32 $0xFFFFF830  }
0x53: {  	[spmem:s2] =	stream.indirect.scatter.add.f32 [tilespmem:s16], [sflag:$0x5], $0x10, s3, s15, $0xb8;
	[tilespmem:$0x10F40] =	vst v63  }
0x54: {  	_ =	swait.ge [sflag:s24], $0x7D0  }
0x55: {  	[sflag:s24] =	ssyncset.done $0x0  }
0x56: {  	s3 =	sadd.s32 $0x1480, s12;
	[sflag:s24] =	ssyncadd.s32 $0xFFFFF830  }
0x57: {  	[spmem:s2] =	stream.indirect.scatter.add.f32 [tilespmem:s18], [sflag:$0x6], $0x10, s3, s15, $0xb8;
	[tilespmem:$0x10F40] =	vst v63  }
0x58: {  	_ =	swait.ge [sflag:s25], $0x7D0  }
0x59: {  	[sflag:s25] =	ssyncset.done $0x0  }
0x5a: {  	s3 =	sadd.s32 $0x1500, s12;
	[sflag:s25] =	ssyncadd.s32 $0xFFFFF830  }
0x5b: {  	[spmem:s2] =	stream.indirect.scatter.add.f32 [tilespmem:s20], [sflag:$0x7], $0x10, s3, s15, $0xb8;
	[tilespmem:$0x10F40] =	vst v63  }
0x5c: {  	_ =	swait.ge [sflag:s26], $0x7D0  }
0x5d: {  	[sflag:s26] =	ssyncset.done $0x0  }
0x5e: {  	s3 =	sadd.s32 $0x1580, s12;
	[sflag:s26] =	ssyncadd.s32 $0xFFFFF830  }
0x5f: {  	[spmem:s2] =	stream.indirect.scatter.add.f32 [tilespmem:s22], [sflag:$0x8], $0x10, s3, s15, $0xb8;
	[tilespmem:$0x10F40] =	vst v63  }
0x60: {  	_ =	swait.ge [sflag:s28], $0x7D0  }
0x61: {  	[sflag:s28] =	ssyncset.done $0x0  }
0x62: {  	s3 =	sadd.s32 $0x200, s12;
	[sflag:s28] =	ssyncadd.s32 $0xFFFFF830  }
0x63: {  	[tilespmem:s16], [sflag:$0x1] =	stream.indirect.gather [hbm4b:s4+s15], $0x10, s3, s15, $0xb8;
	[tilespmem:$0x10F40] =	vst v63  }
0x64: {  	_ =	swait.ge [sflag:s29], $0x7D0  }
0x65: {  	[sflag:s29] =	ssyncset.done $0x0  }
0x66: {  	s3 =	sadd.s32 $0x280, s12;
	[sflag:s29] =	ssyncadd.s32 $0xFFFFF830  }
0x67: {  	[tilespmem:s18], [sflag:$0x2] =	stream.indirect.gather [hbm4b:s4+s15], $0x10, s3, s15, $0xb8;
	[tilespmem:$0x10F40] =	vst v63  }
0x68: {  	_ =	swait.ge [sflag:s30], $0x7D0  }
0x69: {  	[sflag:s30] =	ssyncset.done $0x0  }
.Ltmp0:
0x6a: {  	s3 =	sadd.s32 $0x300, s12;
	[sflag:s30] =	ssyncadd.s32 $0xFFFFF830;
	(pc) =	sbr.rel @p0 .LBB2_3-.Ltmp0, $4  }
0x6b: {  	[tilespmem:s20], [sflag:$0x3] =	stream.indirect.gather [hbm4b:s4+s15], $0x10, s3, s15, $0xb8;
	[tilespmem:$0x10F40] =	vst v63  }
0x6c: {  	_ =	swait.ge [sflag:s31], $0x7D0  }
0x6d: {  	[sflag:s31] =	ssyncset.done $0x0  }
0x6e: {  	s12 =	sadd.s32 $0x380, s12;
	[sflag:s31] =	ssyncadd.s32 $0xFFFFF830  }
0x6f: {  	[tilespmem:s22], [sflag:$0x4] =	stream.indirect.gather [hbm4b:s4+s15], $0x10, s12, s15, $0xb8;
	[tilespmem:$0x10F40] =	vst v63  }
0x70: {  	_ =	swait.ge [sflag:s23], $0x7D0  }
0x71: {  	[sflag:s23] =	ssyncset.done $0x0  }
0x72: {  	[sflag:s23] =	ssyncadd.s32 $0xFFFFF830  }
0x73: {  	[spmem:s2] =	stream.indirect.scatter.add.f32 [tilespmem:s16], [sflag:$0x5], $0x10, s0, s15, $0xb8;
	[tilespmem:$0x10F40] =	vst v63  }
0x74: {  	_ =	swait.ge [sflag:s24], $0x7D0  }
0x75: {  	[sflag:s24] =	ssyncset.done $0x0  }
0x76: {  	[sflag:s24] =	ssyncadd.s32 $0xFFFFF830  }
0x77: {  	[spmem:s2] =	stream.indirect.scatter.add.f32 [tilespmem:s18], [sflag:$0x6], $0x10, s1, s15, $0xb8;
	[tilespmem:$0x10F40] =	vst v63  }
0x78: {  	_ =	swait.ge [sflag:s25], $0x7D0  }
0x79: {  	[sflag:s25] =	ssyncset.done $0x0  }
0x7a: {  	[sflag:s25] =	ssyncadd.s32 $0xFFFFF830  }
0x7b: {  	[spmem:s2] =	stream.indirect.scatter.add.f32 [tilespmem:s20], [sflag:$0x7], $0x10, s7, s15, $0xb8;
	[tilespmem:$0x10F40] =	vst v63  }
0x7c: {  	_ =	swait.ge [sflag:s26], $0x7D0  }
0x7d: {  	[sflag:s26] =	ssyncset.done $0x0  }
0x7e: {  	[sflag:s26] =	ssyncadd.s32 $0xFFFFF830  }
0x7f: {  	[spmem:s2] =	stream.indirect.scatter.add.f32 [tilespmem:s22], [sflag:$0x8], $0x10, s10, s15, $0xb8;
	[tilespmem:$0x10F40] =	vst v63  }
0x80: {  	_ =	swait.ge [sflag:s28], $0x7D0  }
0x81: {  	[sflag:s28] =	ssyncset.done $0x0  }
0x82: {  	[sflag:s28] =	ssyncadd.s32 $0xFFFFF830  }
0x83: {  	_ =	swait.ge [sflag:s29], $0x7D0  }
0x84: {  	[sflag:s29] =	ssyncset.done $0x0  }
0x85: {  	s11 =	sadd.s32 $0x1, s11;
	[sflag:s29] =	ssyncadd.s32 $0xFFFFF830  }
0x86: {  	p0 =	sne.s32 s11, $0xA;
	_ =	swait.ge [sflag:s30], $0x7D0  }
.Ltmp1:
0x87: {  	[sflag:s30] =	ssyncset.done $0x0;
	(pc) =	sbr.rel @p0 .LBB2_2-.Ltmp1, $4  }
0x88: {  	[sflag:s30] =	ssyncadd.s32 $0xFFFFF830  }
0x89: {  	_ =	swait.ge [sflag:s31], $0x7D0  }
0x8a: {  	[sflag:s31] =	ssyncset.done $0x0  }
0x8b: {  	[sflag:s31] =	ssyncadd.s32 $0xFFFFF830  }
0x8c: {  	[bflag:$0x0] =	sbarrier.arrive $0xFFFF  }
0x8d: {  	s12 =	rddreg [dreg:$0x5]  }
0x8e: {  	s3 =	rddreg [dreg:$0x6]  }
0x8f: {  	s8 =	rddreg [dreg:$0x8]  }
0x90: {  	[hbm:s3], [sflag:s12] =	dma.local [spmem:s8], $0x1900  }
0x91: {  	_ =	swait.ge [sflag:s13], $0x1900  }
0x92: {  	s11 =	rddreg [dreg:$0x3]  }
0x93: {  	s3 =	rddreg [dreg:$0x7];
	s11 =	sadd.s32 $0x1, s11  }
0x94: {  	p0 =	sne.s32 s11, s3  }
.Ltmp2:
0x95: {  	_ = 	snop;
	(pc) =	sbr.rel @p0 .LBB2_1-.Ltmp2, $3  }
0x96: {  	_ =	sdelay $0x1  }
0x97: {  	[sflag:s13] =	ssyncset.done $0x0  }
0x98: {  	[sflag:s13] =	ssyncadd.s32 $0xFFFFE700  }
0x99: {  	_ =	sfence.sel $0x180000  }
0x9a: {  	[bflag:$0x0] =	sbarrier.arrive $0xFFFF  }
0x9b: {  	_ =	strace $0x90000047  }
0x9c: {  	s0 =	stileid.u32;
	[bflag:$0x2] =	sbarrier.arrive $0xFFFF  }
0x9d: {  	p0 =	sne.s32 s0, $0x0;
	s0 =	rddreg [dreg:$0x2]  }
0x9e: {  	s0 =	sadd.s32 @!p0 $0x100000, s0  }
0x9f: {  	[sflag:s0] =	ssyncadd.tile.s32 @!p0 $0x1;
	_ =	shalt  }
.Lfunc_end2:
_tile_overlayer_lowered:
.L_overlay_start_2:
0xa0: {  	(tag) =	ssettag $0x2  }
0xa1: {  	s0 =	rddreg [dreg:$0x0];
	s2 =	stileid.u32  }
0xa2: {  	s1 =	rddreg [dreg:$0x1];
	p0 =	sne.s32 s2, $0x0  }
0xa3: {  	s3 =	rddreg [dreg:$0x2];
	[bflag:$0x3] =	sbarrier.arrive $0xFFFF;
	s2 =	simm.s32 @!p0 $0x1C09  }
0xa4: {  	[timem:s3], [sflag:s2] =	dma.local @!p0 [hbm:s0], s1  }
0xa5: {  	s0 =	simm.s32 @!p0 $0x9  }
0xa6: {  	_ =	swait.ge @!p0 [sflag:s0], s1  }
0xa7: {  	s1 =	ssub.s32 @!p0 $0x0, s1;
	[sflag:s0] =	ssyncset.done @!p0 $0x0  }
0xa8: {  	[sflag:s0] =	ssyncadd.s32 @!p0 s1  }
0xa9: {  	[bflag:$0x3] =	sbarrier.arrive $0xFFFF  }
0xaa: {  	_ =	shalt  }

// kernel: kernel.14.cloned.1.call-start
scs
__scs_entry_jumppad:
0x0: {  	(pc) =	sbr.rel $0x88, $3  }
0x1: {  	(tag) =	ssettag $0x0;
	lr =	simm.s32 $0x1  }
0x2: {  	[smem:$0x3F7F] =	sst lr;
	_ =	strace $0xD0000000  }
0x3: {  	_ = 	snop  }
0x4: {  	_ = 	snop  }
0x5: {  	_ = 	snop  }
0x6: {  	_ = 	snop  }
0x7: {  	_ = 	snop  }
__scs_overlays_trampoline_lowered:
0x8: {  	[smem:$0x3F8E] =	sst s0  }
0x9: {  	[smem:$0x3F8F] =	sst s1  }
0xa: {  	[smem:$0x3F90] =	sst s2  }
0xb: {  	[smem:$0x3F91] =	sst s3  }
0xc: {  	[smem:$0x3F92] =	sst s4  }
0xd: {  	[smem:$0x3F93] =	sst s5  }
0xe: {  	[smem:$0x3F94] =	sst s6  }
0xf: {  	[smem:$0x3F95] =	sst s7  }
0x10: {  	[smem:$0x3F96] =	sst s8  }
0x11: {  	[smem:$0x3F97] =	sst s9;
	s0 =	simm.s32 @!p0 $0x0  }
0x12: {  	s1 =	sld [smem:$0x3F7D];
	s0 =	simm.s32 @p0 $0x1  }
0x13: {  	[smem:$0x3F98] =	sst s0;
	s0 =	simm.s32 @!p1 $0x0  }
0x14: {  	s2 =	sld [smem:$0x3F7C];
	s0 =	simm.s32 @p1 $0x1  }
0x15: {  	[smem:$0x3F99] =	sst s0;
	s0 =	simm.s32 @!p2 $0x0  }
0x16: {  	s3 =	sld [smem:$0x3FDB];
	s0 =	simm.s32 @p2 $0x1  }
0x17: {  	s4 =	simm.s32 $0x1BF5;
	[smem:$0x3F9B] =	sst s0  }
0x18: {  	s0 =	sld [smem:$0x3F7E];
	_ =	swait.ge [sflag:s4], $0x0  }
0x19: {  	s7 =	sld [smem:$0x3F7F]  }
0x1a: {  	s8 =	sadd.s32 $0xFFFFE003, lr  }
0x1b: {  	s9 =	sadd.s32 $0xFFFFFEF7, lr;
	s5 =	simm.s32 $0xFFFFFFFF;
	p2 =	slt.u32 s8, $0xFFFFF086  }
0x1c: {  	p1 =	slt.u32 s9, $0xF7A;
	s5 =	simm.s32 @!p2 $0x0  }
0x1d: {  	s5 =	simm.s32 @p1 $0x1;
	p0 =	seq.s32 s7, s2  }
0x1e: {  	s7 =	smul.u32 @!p0 $0xF7A, s2;
	p2 =	seq.s32 @!p0 s5, $0x0  }
0x1f: {  	s9 =	smul.u32 $0xF7A, s1;
	s8 =	simm.s32 @!p0 $0x1BF5;
	p2 =	por !p2, p0  }
0x20: {  	[sflag:s8] =	ssyncset.s32 @!p0 $0xFFFFF086;
	s6 =	sadd.s32 @!p0 s3, s7;
	s7 =	simm.s32 @!p0 $0x108  }
0x21: {  	s3 =	sadd.s32 s3, s9;
	s6 =	sadd.s32 @!p0 $0x88, s6;
	s7 =	simm.s32 @p2 $0x1082  }
0x22: {  	[simem:s7], [sflag:s8] =	dma.local @!p0 [hbm:s6], $0xF7A  }
0x23: {  	s9 =	sor.u32 $0xD0000000, s2;
	s6 =	simm.s32 $0x108;
	_ =	swait.ge @!p0 [sflag:s8], $0x0  }
0x24: {  	s3 =	sadd.s32 $0x88, s3;
	s6 =	simm.s32 @!p1 $0x1082;
	[sflag:s4] =	ssyncset.s32 $0xFFFFF086  }
0x25: {  	[simem:s6], [sflag:s4] =	dma.local [hbm:s3], $0xF7A  }
0x26: {  	[smem:$0x3F7F] =	sst s1;
	(tag) =	ssettag s2;
	_ =	strace s9  }
0x27: {  	s1 =	sld [smem:$0x3F8F]  }
0x28: {  	s2 =	sld [smem:$0x3F90]  }
0x29: {  	s4 =	sld [smem:$0x3F92]  }
0x2a: {  	p0 =	seq.s32 s5, $0x0;
	s5 =	sld [smem:$0x3F93]  }
0x2b: {  	s6 =	sld [smem:$0x3F94]  }
0x2c: {  	s7 =	sld [smem:$0x3F95]  }
0x2d: {  	s3 =	simm.s32 $0x108;
	s8 =	sld [smem:$0x3F96]  }
0x2e: {  	s3 =	simm.s32 @!p0 $0x1082;
	s9 =	sld [smem:$0x3F97]  }
0x2f: {  	lr =	sadd.s32 s0, s3;
	s0 =	sld [smem:$0x3F8E]  }
0x30: {  	s3 =	sld [smem:$0x3F91]  }
0x31: {  	[smem:$0x3F9A] =	sst s10  }
0x32: {  	s10 =	sld [smem:$0x3F98];
	_ =	sdelay $0x3  }
0x33: {  	p0 =	seq.s32 s10, $0x1;
	s10 =	sld [smem:$0x3F9A];
	_ =	sdelay $0x3  }
0x34: {  	[smem:$0x3F9A] =	sst s10  }
0x35: {  	s10 =	sld [smem:$0x3F99];
	_ =	sdelay $0x3  }
0x36: {  	p1 =	seq.s32 s10, $0x1;
	s10 =	sld [smem:$0x3F9A];
	_ =	sdelay $0x3  }
0x37: {  	[smem:$0x3F9A] =	sst s10  }
0x38: {  	s10 =	sld [smem:$0x3F9B]  }
0x39: {  	_ = 	snop;
	(pc) =	sbr.ind lr, $3  }
0x3a: {  	_ = 	snop  }
0x3b: {  	_ = 	snop  }
0x3c: {  	p2 =	seq.s32 s10, $0x1;
	s10 =	sld [smem:$0x3F9A]  }
0x3d: {  	_ =	shalt  }
0x3e: {  	_ =	shalt  }
0x3f: {  	_ =	shalt  }
0x40: {  	_ =	shalt  }
0x41: {  	_ =	shalt  }
0x42: {  	_ =	shalt  }
0x43: {  	_ =	shalt  }
0x44: {  	_ =	shalt  }
0x45: {  	_ =	shalt  }
0x46: {  	_ =	shalt  }
0x47: {  	_ =	shalt  }
0x48: {  	_ =	shalt  }
0x49: {  	_ =	shalt  }
0x4a: {  	_ =	shalt  }
0x4b: {  	_ =	shalt  }
0x4c: {  	_ =	shalt  }
0x4d: {  	_ =	shalt  }
0x4e: {  	_ =	shalt  }
0x4f: {  	_ =	shalt  }
0x50: {  	_ =	shalt  }
0x51: {  	_ =	shalt  }
0x52: {  	_ =	shalt  }
0x53: {  	_ =	shalt  }
0x54: {  	_ =	shalt  }
0x55: {  	_ =	shalt  }
0x56: {  	_ =	shalt  }
0x57: {  	_ =	shalt  }
0x58: {  	_ =	shalt  }
0x59: {  	_ =	shalt  }
0x5a: {  	_ =	shalt  }
0x5b: {  	_ =	shalt  }
0x5c: {  	_ =	shalt  }
0x5d: {  	_ =	shalt  }
0x5e: {  	_ =	shalt  }
0x5f: {  	_ =	shalt  }
0x60: {  	_ =	shalt  }
0x61: {  	_ =	shalt  }
0x62: {  	_ =	shalt  }
0x63: {  	_ =	shalt  }
0x64: {  	_ =	shalt  }
0x65: {  	_ =	shalt  }
0x66: {  	_ =	shalt  }
0x67: {  	_ =	shalt  }
0x68: {  	_ =	shalt  }
0x69: {  	_ =	shalt  }
0x6a: {  	_ =	shalt  }
0x6b: {  	_ =	shalt  }
0x6c: {  	_ =	shalt  }
0x6d: {  	_ =	shalt  }
0x6e: {  	_ =	shalt  }
0x6f: {  	_ =	shalt  }
0x70: {  	_ =	shalt  }
0x71: {  	_ =	shalt  }
0x72: {  	_ =	shalt  }
0x73: {  	_ =	shalt  }
0x74: {  	_ =	shalt  }
0x75: {  	_ =	shalt  }
0x76: {  	_ =	shalt  }
0x77: {  	_ =	shalt  }
0x78: {  	_ =	shalt  }
0x79: {  	_ =	shalt  }
0x7a: {  	_ =	shalt  }
0x7b: {  	_ =	shalt  }
0x7c: {  	_ =	shalt  }
0x7d: {  	_ =	shalt  }
0x7e: {  	_ =	shalt  }
0x7f: {  	_ =	shalt  }
0x80: {  	_ =	shalt  }
0x81: {  	_ =	shalt  }
0x82: {  	_ =	shalt  }
0x83: {  	_ =	shalt  }
0x84: {  	_ =	shalt  }
0x85: {  	_ =	shalt  }
0x86: {  	_ =	shalt  }
0x87: {  	_ =	shalt  }
.Lfunc_end0:
.L_simem_size_0:
called_computation.1_lowered:
.L_overlay_start_0:
0x88: {  	s2 =	sld [smem:$0x3FD9]  }
0x89: {  	s3 =	sld [smem:$0x3FFE];
	_ =	sdelay $0x1  }
0x8a: {  	s1 =	srdreg.scid  }
0x8b: {  	s0 =	sand.u32 $0x1, s1  }
0x8c: {  	s16 =	sshll.u32 s0, $0xA;
	s2 =	sadd.s32 s3, s2  }
0x8d: {  	s2 =	sadd.s32 s2, s16  }
0x8e: {  	[smem:$0x3FA6] =	sst s2  }
0x8f: {  	_ = 	snop  }
0x90: {  	(tm) =	ssettm $0x1  }
0x91: {  	s17 =	sld [smem:$0x3FFB];
	_ =	sdelay $0x3  }
0x92: {  	_ =	strace s17  }
0x93: {  	s2 =	sld [smem:$0x3FFC];
	_ =	sdelay $0x3  }
0x94: {  	_ =	strace s2  }
0x95: {  	s2 =	sld [smem:$0x3FFD];
	_ =	sdelay $0x3  }
0x96: {  	_ =	strace s2  }
0x97: {  	_ =	strace $0x8FFFFFFF  }
0x98: {  	s18 =	sld [smem:$0x3FDB];
	_ =	sdelay $0x1  }
0x99: {  	s19 =	simm.s32 $_scs_section_size  }
0x9a: {  	s4 =	simm.s32 $_size__tile_overlayer_lowered;
	s5 =	simm.s32 $_tile_overlayer_lowered  }
0x9b: {  	s22 =	simm.s32 $0x1BFF;
	s21 =	sshll.u32 s5, $0x1;
	s2 =	sadd.s32 s19, s18  }
0x9c: {  	s6 =	simm.s32 $0x0;
	s20 =	sshll.u32 s4, $0x1;
	s4 =	sadd.s32 s21, s2  }
0x9d: {  	[timem:s6], [sflag:s22] =	dma.local [hbm:s4], s20  }
0x9e: {  	_ =	swait.ge [sflag:s22], s20  }
0x9f: {  	s3 =	ssub.s32 $0x0, s20;
	[sflag:s22] =	ssyncset.done $0x0  }
0xa0: {  	[sflag:s22] =	ssyncadd.s32 s3;
	_ =	sdelay $0x1  }
0xa1: {  	s23 =	simm.s32 $0x1B8B  }
0xa2: {  	_ =	swait.ge [sflag:s23], $0x1  }
0xa3: {  	[sflag:s23] =	ssyncset.done $0x0  }
0xa4: {  	s25 =	simm.s32 $0x1B8E;
	s24 =	sld [smem:$0x3FFE];
	[sflag:s23] =	ssyncadd.s32 $0xFFFFFFFF  }
0xa5: {  	s26 =	simm.s32 $execute0_lowered;
	[smem:$0x3FD2] =	sst s25  }
0xa6: {  	s4 =	sshll.u32 s26, $0x1;
	_ =	strace $0x80000049;
	[dreg:$0x1] =	wrdreg $0xFFFFFFFF  }
0xa7: {  	s28 =	simm.s32 $_size_execute0_lowered;
	s2 =	sadd.s32 s2, s4;
	[dreg:$0x0] =	wrdreg $0x0  }
0xa8: {  	s4 =	sshll.u32 s28, $0x1;
	[dreg:$0x2] =	wrdreg s2  }
0xa9: {  	[dreg:$0x3] =	wrdreg s4  }
0xaa: {  	[dreg:$0x4] =	wrdreg $0xC0  }
0xab: {  	_ =	task [dreg:s6], $0x5FFFF  }
0xac: {  	[dreg:$0x1] =	wrdreg $0xFFFFFFFF  }
0xad: {  	[dreg:$0x0] =	wrdreg $0x60  }
0xae: {  	[dreg:$0x2] =	wrdreg s24  }
0xaf: {  	[dreg:$0x3] =	wrdreg $0x47400  }
0xb0: {  	[dreg:$0x4] =	wrdreg $0x9  }
0xb1: {  	_ =	task.clear_ibuf [dreg:s6], $0x5FFFF;
	_ =	strace $0x90000049  }
0xb2: {  	s29 =	simm.s32 $0x9;
	_ =	strace $0x8000004B  }
0xb3: {  	_ =	swait.ge [sflag:s29], $0x1  }
0xb4: {  	[sflag:s29] =	ssyncadd.s32 $0xFFFFFFFF  }
0xb5: {  	_ =	strace $0x9000004B  }
0xb6: {  	_ =	sfence  }
0xb7: {  	s30 =	sld [smem:$0x0];
	_ =	sdelay $0x2  }
0xb8: {  	s31 =	sshll.u32 s1, $0xD;
	s1 =	sshrl.u32 s1, $0x2  }
0xb9: {  	s3 =	sand.u32 $0x4000, s31;
	s1 =	sadd.s32 s1, s30  }
0xba: {  	s0 =	sor.u32 s3, s0;
	s1 =	sshll.u32 s1, $0x11  }
0xbb: {  	s0 =	sor.u32 s1, s0  }
0xbc: {  	s0 =	sadd.s32 $0x8F2B, s0  }
0xbd: {  	[sflag:s0] =	ssyncadd.remote.s32 $0x1  }
0xbe: {  	_ =	sfence.sel $0xFFFF  }
0xbf: {  	[dreg:$0x0] =	wrdreg $0xFFFFFFFF;
	(pc) =	sbr.abs _section_cstart, $3  }
0xc0: {  	[dreg:$0x1] =	wrdreg $0xFFFFFFFF  }
0xc1: {  	_ =	task.clear_ibuf [dreg:s6], $0x2FFFF;
	_ =	strace $0x9FFFFFFF  }
0xc2: {  	(tm) =	ssettm $0x7FFFFFFF  }
0xc3: {  	_ =	shalt  }
tec
execute0_lowered:
.L_overlay_start_1:
0x0: {  	(tag) =	ssettag $0x1  }
0x1: {  	s0 =	rddreg [dreg:$0x0]  }
0x2: {  	s2 =	rddreg [dreg:$0x1]  }
0x3: {  	s1 =	srdreg.scid;
	s3 =	stileid.u32;
	s11 =	simm.s32 $0x0  }
0x4: {  	s13 =	simm.s32 $0x9;
	s14 =	simm.s32 $0x1400;
	s15 =	simm.s32 $0x7D  }
0x5: {  	s16 =	simm.s32 $0x2800;
	s17 =	simm.s32 $0x80;
	s18 =	simm.s32 $0x2FD0  }
0x6: {  	s19 =	simm.s32 $0x100;
	s20 =	simm.s32 $0x37A0;
	s21 =	simm.s32 $0x180  }
0x7: {  	s22 =	simm.s32 $0x3F70;
	s28 =	simm.s32 $0x5;
	s29 =	simm.s32 $0x6  }
0x8: {  	s30 =	simm.s32 $0x7;
	s31 =	simm.s32 $0x8;
	s1 =	sand.u32 $0x1, s1  }
0x9: {  	s7 =	smul.u32 $0xC800, s3;
	[smem:$0x7FF] =	sst s11;
	s4 =	sadd.s32 $0x68400, s0  }
0xa: {  	s5 =	sadd.s32 $0x36400, s0;
	s6 =	sadd.s32 $0x4400, s0;
	s10 =	sadd.s32 $0x81400, s0  }
0xb: {  	s25 =	sshll.u32 s3, $0x6;
	s8 =	smul.u32 $0xC8000, s1;
	_ =	strace $0x8000004A  }
0xc: {  	s9 =	ssub.s32 $0x2, s1;
	[dreg:$0x4] =	wrdreg s10;
	s1 =	sshll.u32 s1, $0x4  }
0xd: {  	s12 =	sor.u32 $0x1C09, s25;
	s25 =	simm.s32 $0x3;
	s10 =	simm.s32 $0x2780  }
0xe: {  	s23 =	sshrl.u32 s9, $0x1;
	s1 =	sor.u32 s3, s1;
	[dreg:$0x5] =	wrdreg s12  }
0xf: {  	s8 =	sadd.s32 s7, s8;
	s24 =	ssub.s32 s9, s23;
	s7 =	sadd.s32 s7, s2  }
0x10: {  	s9 =	smul.u32 $0x190, s1;
	s23 =	simm.s32 $0x1;
	s1 =	simm.s32 $0x2680  }
0x11: {  	s8 =	sshrl.u32 s8, $0x3;
	s26 =	smax.u32 s24, $0x1;
	s24 =	simm.s32 $0x2  }
0x12: {  	s0 =	sadd.s32 s8, s0;
	[dreg:$0x7] =	wrdreg s26;
	s8 =	sshrl.u32 s7, $0x3  }
0x13: {  	s26 =	simm.s32 $0x4;
	s0 =	sadd.s32 $0x82E00, s0;
	[dreg:$0x8] =	wrdreg s8  }
0x14: {  	s7 =	simm.s32 $0x2700;
	[dreg:$0x6] =	wrdreg s0;
	s0 =	simm.s32 $0x2600  }
.LBB2_1:
0x15: {  	[dreg:$0x3] =	wrdreg s11  }
0x16: {  	s3 =	rddreg [dreg:$0x4]  }
0x17: {  	[spmem:s8], [sflag:s12] =	dma.local [hbm:s3], $0x1900  }
0x18: {  	_ =	swait.ge [sflag:s13], $0x1900  }
0x19: {  	[sflag:s13] =	ssyncset.done $0x0  }
0x1a: {  	[sflag:s13] =	ssyncadd.s32 $0xFFFFE700  }
0x1b: {  	s11 =	simm.s32 $0x0;
	[bflag:$0x0] =	sbarrier.arrive $0xFFFF  }
.LBB2_2:
0x1c: {  	s8 =	smul.u32 $0x28, s11;
	_ =	sdelay $0x1  }
0x1d: {  	s8 =	sadd.s32 s9, s8  }
0x1e: {  	s8 =	sshll.u32 s8, $0x4  }
0x1f: {  	s3 =	simm.s32 $0x0;
	s12 =	sadd.s32 s5, s8  }
0x20: {  	[tilespmem:s3], [sflag:$0x9] =	stream.linear.gather [hbm4b:s12+s3], $0x1400, $0x38;
	[tilespmem:$0x10F40] =	vst v63  }
0x21: {  	_ =	swait.ge [sflag:s13], $0x1400  }
0x22: {  	[sflag:s13] =	ssyncset.done $0x0  }
0x23: {  	s8 =	sadd.s32 s6, s8;
	[sflag:s13] =	ssyncadd.s32 $0xFFFFEC00  }
0x24: {  	[tilespmem:s14], [sflag:$0x9] =	stream.linear.gather [hbm4b:s8+s3], $0x1400, $0x38;
	[tilespmem:$0x10F40] =	vst v63  }
0x25: {  	_ =	swait.ge [sflag:s13], $0x1400  }
0x26: {  	[sflag:s13] =	ssyncset.done $0x0  }
0x27: {  	[sflag:s13] =	ssyncadd.s32 $0xFFFFEC00  }
0x28: {  	[tilespmem:s16], [sflag:$0x1] =	stream.indirect.gather [hbm4b:s4+s15], $0x10, s3, s15, $0xb8;
	[tilespmem:$0x10F40] =	vst v63  }
0x29: {  	_ = 	snop  }
0x2a: {  	[tilespmem:s18], [sflag:$0x2] =	stream.indirect.gather [hbm4b:s4+s15], $0x10, s17, s15, $0xb8;
	[tilespmem:$0x10F40] =	vst v63  }
0x2b: {  	_ = 	snop  }
0x2c: {  	[tilespmem:s20], [sflag:$0x3] =	stream.indirect.gather [hbm4b:s4+s15], $0x10, s19, s15, $0xb8;
	[tilespmem:$0x10F40] =	vst v63  }
0x2d: {  	_ = 	snop  }
0x2e: {  	[tilespmem:s22], [sflag:$0x4] =	stream.indirect.gather [hbm4b:s4+s15], $0x10, s21, s15, $0xb8;
	[tilespmem:$0x10F40] =	vst v63  }
0x2f: {  	_ =	swait.ge [sflag:s23], $0x7D0  }
0x30: {  	[sflag:s23] =	ssyncset.done $0x0  }
0x31: {  	s12 =	simm.s32 $0x1400;
	[sflag:s23] =	ssyncadd.s32 $0xFFFFF830  }
0x32: {  	[spmem:s2] =	stream.indirect.scatter.add.f32 [tilespmem:s16], [sflag:$0x5], $0x10, s12, s15, $0xb8;
	[tilespmem:$0x10F40] =	vst v63  }
0x33: {  	_ =	swait.ge [sflag:s24], $0x7D0  }
0x34: {  	[sflag:s24] =	ssyncset.done $0x0  }
0x35: {  	s8 =	simm.s32 $0x1480;
	[sflag:s24] =	ssyncadd.s32 $0xFFFFF830  }
0x36: {  	[spmem:s2] =	stream.indirect.scatter.add.f32 [tilespmem:s18], [sflag:$0x6], $0x10, s8, s15, $0xb8;
	[tilespmem:$0x10F40] =	vst v63  }
0x37: {  	_ =	swait.ge [sflag:s25], $0x7D0  }
0x38: {  	[sflag:s25] =	ssyncset.done $0x0  }
0x39: {  	s12 =	simm.s32 $0x1500;
	[sflag:s25] =	ssyncadd.s32 $0xFFFFF830  }
0x3a: {  	[spmem:s2] =	stream.indirect.scatter.add.f32 [tilespmem:s20], [sflag:$0x7], $0x10, s12, s15, $0xb8;
	[tilespmem:$0x10F40] =	vst v63  }
0x3b: {  	_ =	swait.ge [sflag:s26], $0x7D0  }
0x3c: {  	[sflag:s26] =	ssyncset.done $0x0  }
0x3d: {  	s8 =	simm.s32 $0x1580;
	[sflag:s26] =	ssyncadd.s32 $0xFFFFF830  }
0x3e: {  	[spmem:s2] =	stream.indirect.scatter.add.f32 [tilespmem:s22], [sflag:$0x8], $0x10, s8, s15, $0xb8;
	[tilespmem:$0x10F40] =	vst v63  }
0x3f: {  	_ =	swait.ge [sflag:s28], $0x7D0  }
0x40: {  	[sflag:s28] =	ssyncset.done $0x0  }
0x41: {  	s12 =	simm.s32 $0x200;
	[sflag:s28] =	ssyncadd.s32 $0xFFFFF830  }
0x42: {  	[tilespmem:s16], [sflag:$0x1] =	stream.indirect.gather [hbm4b:s4+s15], $0x10, s12, s15, $0xb8;
	[tilespmem:$0x10F40] =	vst v63  }
0x43: {  	_ =	swait.ge [sflag:s29], $0x7D0  }
0x44: {  	[sflag:s29] =	ssyncset.done $0x0  }
0x45: {  	s8 =	simm.s32 $0x280;
	[sflag:s29] =	ssyncadd.s32 $0xFFFFF830  }
0x46: {  	[tilespmem:s18], [sflag:$0x2] =	stream.indirect.gather [hbm4b:s4+s15], $0x10, s8, s15, $0xb8;
	[tilespmem:$0x10F40] =	vst v63  }
0x47: {  	_ =	swait.ge [sflag:s30], $0x7D0  }
0x48: {  	[sflag:s30] =	ssyncset.done $0x0  }
0x49: {  	s12 =	simm.s32 $0x300;
	[sflag:s30] =	ssyncadd.s32 $0xFFFFF830  }
0x4a: {  	[tilespmem:s20], [sflag:$0x3] =	stream.indirect.gather [hbm4b:s4+s15], $0x10, s12, s15, $0xb8;
	[tilespmem:$0x10F40] =	vst v63  }
0x4b: {  	_ =	swait.ge [sflag:s31], $0x7D0  }
0x4c: {  	[sflag:s31] =	ssyncset.done $0x0  }
0x4d: {  	s8 =	simm.s32 $0x800;
	s12 =	simm.s32 $0x380;
	[sflag:s31] =	ssyncadd.s32 $0xFFFFF830  }
.LBB2_3:
0x4e: {  	[tilespmem:s22], [sflag:$0x4] =	stream.indirect.gather [hbm4b:s4+s15], $0x10, s12, s15, $0xb8;
	[tilespmem:$0x10F40] =	vst v63  }
0x4f: {  	s3 =	smov.u32 s8  }
0x50: {  	p0 =	sne.s32 s8, $0x4000;
	s8 =	sadd.s32 $0x800, s8;
	_ =	swait.ge [sflag:s23], $0x7D0  }
0x51: {  	s12 =	sshra.s32 s3, $0x2;
	[sflag:s23] =	ssyncset.done $0x0  }
0x52: {  	s3 =	sadd.s32 $0x1400, s12;
	[sflag:s23] =	ssyncadd.s32 $0xFFFFF830  }
0x53: {  	[spmem:s2] =	stream.indirect.scatter.add.f32 [tilespmem:s16], [sflag:$0x5], $0x10, s3, s15, $0xb8;
	[tilespmem:$0x10F40] =	vst v63  }
0x54: {  	_ =	swait.ge [sflag:s24], $0x7D0  }
0x55: {  	[sflag:s24] =	ssyncset.done $0x0  }
0x56: {  	s3 =	sadd.s32 $0x1480, s12;
	[sflag:s24] =	ssyncadd.s32 $0xFFFFF830  }
0x57: {  	[spmem:s2] =	stream.indirect.scatter.add.f32 [tilespmem:s18], [sflag:$0x6], $0x10, s3, s15, $0xb8;
	[tilespmem:$0x10F40] =	vst v63  }
0x58: {  	_ =	swait.ge [sflag:s25], $0x7D0  }
0x59: {  	[sflag:s25] =	ssyncset.done $0x0  }
0x5a: {  	s3 =	sadd.s32 $0x1500, s12;
	[sflag:s25] =	ssyncadd.s32 $0xFFFFF830  }
0x5b: {  	[spmem:s2] =	stream.indirect.scatter.add.f32 [tilespmem:s20], [sflag:$0x7], $0x10, s3, s15, $0xb8;
	[tilespmem:$0x10F40] =	vst v63  }
0x5c: {  	_ =	swait.ge [sflag:s26], $0x7D0  }
0x5d: {  	[sflag:s26] =	ssyncset.done $0x0  }
0x5e: {  	s3 =	sadd.s32 $0x1580, s12;
	[sflag:s26] =	ssyncadd.s32 $0xFFFFF830  }
0x5f: {  	[spmem:s2] =	stream.indirect.scatter.add.f32 [tilespmem:s22], [sflag:$0x8], $0x10, s3, s15, $0xb8;
	[tilespmem:$0x10F40] =	vst v63  }
0x60: {  	_ =	swait.ge [sflag:s28], $0x7D0  }
0x61: {  	[sflag:s28] =	ssyncset.done $0x0  }
0x62: {  	s3 =	sadd.s32 $0x200, s12;
	[sflag:s28] =	ssyncadd.s32 $0xFFFFF830  }
0x63: {  	[tilespmem:s16], [sflag:$0x1] =	stream.indirect.gather [hbm4b:s4+s15], $0x10, s3, s15, $0xb8;
	[tilespmem:$0x10F40] =	vst v63  }
0x64: {  	_ =	swait.ge [sflag:s29], $0x7D0  }
0x65: {  	[sflag:s29] =	ssyncset.done $0x0  }
0x66: {  	s3 =	sadd.s32 $0x280, s12;
	[sflag:s29] =	ssyncadd.s32 $0xFFFFF830  }
0x67: {  	[tilespmem:s18], [sflag:$0x2] =	stream.indirect.gather [hbm4b:s4+s15], $0x10, s3, s15, $0xb8;
	[tilespmem:$0x10F40] =	vst v63  }
0x68: {  	_ =	swait.ge [sflag:s30], $0x7D0  }
0x69: {  	[sflag:s30] =	ssyncset.done $0x0  }
.Ltmp0:
0x6a: {  	s3 =	sadd.s32 $0x300, s12;
	[sflag:s30] =	ssyncadd.s32 $0xFFFFF830;
	(pc) =	sbr.rel @p0 .LBB2_3-.Ltmp0, $4  }
0x6b: {  	[tilespmem:s20], [sflag:$0x3] =	stream.indirect.gather [hbm4b:s4+s15], $0x10, s3, s15, $0xb8;
	[tilespmem:$0x10F40] =	vst v63  }
0x6c: {  	_ =	swait.ge [sflag:s31], $0x7D0  }
0x6d: {  	[sflag:s31] =	ssyncset.done $0x0  }
0x6e: {  	s12 =	sadd.s32 $0x380, s12;
	[sflag:s31] =	ssyncadd.s32 $0xFFFFF830  }
0x6f: {  	[tilespmem:s22], [sflag:$0x4] =	stream.indirect.gather [hbm4b:s4+s15], $0x10, s12, s15, $0xb8;
	[tilespmem:$0x10F40] =	vst v63  }
0x70: {  	_ =	swait.ge [sflag:s23], $0x7D0  }
0x71: {  	[sflag:s23] =	ssyncset.done $0x0  }
0x72: {  	[sflag:s23] =	ssyncadd.s32 $0xFFFFF830  }
0x73: {  	[spmem:s2] =	stream.indirect.scatter.add.f32 [tilespmem:s16], [sflag:$0x5], $0x10, s0, s15, $0xb8;
	[tilespmem:$0x10F40] =	vst v63  }
0x74: {  	_ =	swait.ge [sflag:s24], $0x7D0  }
0x75: {  	[sflag:s24] =	ssyncset.done $0x0  }
0x76: {  	[sflag:s24] =	ssyncadd.s32 $0xFFFFF830  }
0x77: {  	[spmem:s2] =	stream.indirect.scatter.add.f32 [tilespmem:s18], [sflag:$0x6], $0x10, s1, s15, $0xb8;
	[tilespmem:$0x10F40] =	vst v63  }
0x78: {  	_ =	swait.ge [sflag:s25], $0x7D0  }
0x79: {  	[sflag:s25] =	ssyncset.done $0x0  }
0x7a: {  	[sflag:s25] =	ssyncadd.s32 $0xFFFFF830  }
0x7b: {  	[spmem:s2] =	stream.indirect.scatter.add.f32 [tilespmem:s20], [sflag:$0x7], $0x10, s7, s15, $0xb8;
	[tilespmem:$0x10F40] =	vst v63  }
0x7c: {  	_ =	swait.ge [sflag:s26], $0x7D0  }
0x7d: {  	[sflag:s26] =	ssyncset.done $0x0  }
0x7e: {  	[sflag:s26] =	ssyncadd.s32 $0xFFFFF830  }
0x7f: {  	[spmem:s2] =	stream.indirect.scatter.add.f32 [tilespmem:s22], [sflag:$0x8], $0x10, s10, s15, $0xb8;
	[tilespmem:$0x10F40] =	vst v63  }
0x80: {  	_ =	swait.ge [sflag:s28], $0x7D0  }
0x81: {  	[sflag:s28] =	ssyncset.done $0x0  }
0x82: {  	[sflag:s28] =	ssyncadd.s32 $0xFFFFF830  }
0x83: {  	_ =	swait.ge [sflag:s29], $0x7D0  }
0x84: {  	[sflag:s29] =	ssyncset.done $0x0  }
0x85: {  	s11 =	sadd.s32 $0x1, s11;
	[sflag:s29] =	ssyncadd.s32 $0xFFFFF830  }
0x86: {  	p0 =	sne.s32 s11, $0xA;
	_ =	swait.ge [sflag:s30], $0x7D0  }
.Ltmp1:
0x87: {  	[sflag:s30] =	ssyncset.done $0x0;
	(pc) =	sbr.rel @p0 .LBB2_2-.Ltmp1, $4  }
0x88: {  	[sflag:s30] =	ssyncadd.s32 $0xFFFFF830  }
0x89: {  	_ =	swait.ge [sflag:s31], $0x7D0  }
0x8a: {  	[sflag:s31] =	ssyncset.done $0x0  }
0x8b: {  	[sflag:s31] =	ssyncadd.s32 $0xFFFFF830  }
0x8c: {  	[bflag:$0x0] =	sbarrier.arrive $0xFFFF  }
0x8d: {  	s12 =	rddreg [dreg:$0x5]  }
0x8e: {  	s3 =	rddreg [dreg:$0x6]  }
0x8f: {  	s8 =	rddreg [dreg:$0x8]  }
0x90: {  	[hbm:s3], [sflag:s12] =	dma.local [spmem:s8], $0x1900  }
0x91: {  	_ =	swait.ge [sflag:s13], $0x1900  }
0x92: {  	s11 =	rddreg [dreg:$0x3]  }
0x93: {  	s3 =	rddreg [dreg:$0x7];
	s11 =	sadd.s32 $0x1, s11  }
0x94: {  	p0 =	sne.s32 s11, s3  }
.Ltmp2:
0x95: {  	_ = 	snop;
	(pc) =	sbr.rel @p0 .LBB2_1-.Ltmp2, $3  }
0x96: {  	_ =	sdelay $0x1  }
0x97: {  	[sflag:s13] =	ssyncset.done $0x0  }
0x98: {  	[sflag:s13] =	ssyncadd.s32 $0xFFFFE700  }
0x99: {  	_ =	sfence.sel $0x180000  }
0x9a: {  	[bflag:$0x0] =	sbarrier.arrive $0xFFFF  }
0x9b: {  	_ =	strace $0x9000004A  }
0x9c: {  	s0 =	stileid.u32;
	[bflag:$0x2] =	sbarrier.arrive $0xFFFF  }
0x9d: {  	p0 =	sne.s32 s0, $0x0;
	s0 =	rddreg [dreg:$0x2]  }
0x9e: {  	s0 =	sadd.s32 @!p0 $0x100000, s0  }
0x9f: {  	[sflag:s0] =	ssyncadd.tile.s32 @!p0 $0x1;
	_ =	shalt  }
.Lfunc_end2:
_tile_overlayer_lowered:
.L_overlay_start_2:
0xa0: {  	(tag) =	ssettag $0x2  }
0xa1: {  	s0 =	rddreg [dreg:$0x0];
	s2 =	stileid.u32  }
0xa2: {  	s1 =	rddreg [dreg:$0x1];
	p0 =	sne.s32 s2, $0x0  }
0xa3: {  	s3 =	rddreg [dreg:$0x2];
	[bflag:$0x3] =	sbarrier.arrive $0xFFFF;
	s2 =	simm.s32 @!p0 $0x1C09  }
0xa4: {  	[timem:s3], [sflag:s2] =	dma.local @!p0 [hbm:s0], s1  }
0xa5: {  	s0 =	simm.s32 @!p0 $0x9  }
0xa6: {  	_ =	swait.ge @!p0 [sflag:s0], s1  }
0xa7: {  	s1 =	ssub.s32 @!p0 $0x0, s1;
	[sflag:s0] =	ssyncset.done @!p0 $0x0  }
0xa8: {  	[sflag:s0] =	ssyncadd.s32 @!p0 s1  }
0xa9: {  	[bflag:$0x3] =	sbarrier.arrive $0xFFFF  }
0xaa: {  	_ =	shalt  }

// kernel: kernel.17.cloned.1.call-start
scs
__scs_entry_jumppad:
0x0: {  	(pc) =	sbr.rel $0x88, $3  }
0x1: {  	(tag) =	ssettag $0x0;
	lr =	simm.s32 $0x1  }
0x2: {  	[smem:$0x3F7F] =	sst lr;
	_ =	strace $0xD0000000  }
0x3: {  	_ = 	snop  }
0x4: {  	_ = 	snop  }
0x5: {  	_ = 	snop  }
0x6: {  	_ = 	snop  }
0x7: {  	_ = 	snop  }
__scs_overlays_trampoline_lowered:
0x8: {  	[smem:$0x3F8E] =	sst s0  }
0x9: {  	[smem:$0x3F8F] =	sst s1  }
0xa: {  	[smem:$0x3F90] =	sst s2  }
0xb: {  	[smem:$0x3F91] =	sst s3  }
0xc: {  	[smem:$0x3F92] =	sst s4  }
0xd: {  	[smem:$0x3F93] =	sst s5  }
0xe: {  	[smem:$0x3F94] =	sst s6  }
0xf: {  	[smem:$0x3F95] =	sst s7  }
0x10: {  	[smem:$0x3F96] =	sst s8  }
0x11: {  	[smem:$0x3F97] =	sst s9;
	s0 =	simm.s32 @!p0 $0x0  }
0x12: {  	s1 =	sld [smem:$0x3F7D];
	s0 =	simm.s32 @p0 $0x1  }
0x13: {  	[smem:$0x3F98] =	sst s0;
	s0 =	simm.s32 @!p1 $0x0  }
0x14: {  	s2 =	sld [smem:$0x3F7C];
	s0 =	simm.s32 @p1 $0x1  }
0x15: {  	[smem:$0x3F99] =	sst s0;
	s0 =	simm.s32 @!p2 $0x0  }
0x16: {  	s3 =	sld [smem:$0x3FDB];
	s0 =	simm.s32 @p2 $0x1  }
0x17: {  	s4 =	simm.s32 $0x1BF5;
	[smem:$0x3F9B] =	sst s0  }
0x18: {  	s0 =	sld [smem:$0x3F7E];
	_ =	swait.ge [sflag:s4], $0x0  }
0x19: {  	s7 =	sld [smem:$0x3F7F]  }
0x1a: {  	s8 =	sadd.s32 $0xFFFFE003, lr  }
0x1b: {  	s9 =	sadd.s32 $0xFFFFFEF7, lr;
	s5 =	simm.s32 $0xFFFFFFFF;
	p2 =	slt.u32 s8, $0xFFFFF086  }
0x1c: {  	p1 =	slt.u32 s9, $0xF7A;
	s5 =	simm.s32 @!p2 $0x0  }
0x1d: {  	s5 =	simm.s32 @p1 $0x1;
	p0 =	seq.s32 s7, s2  }
0x1e: {  	s7 =	smul.u32 @!p0 $0xF7A, s2;
	p2 =	seq.s32 @!p0 s5, $0x0  }
0x1f: {  	s9 =	smul.u32 $0xF7A, s1;
	s8 =	simm.s32 @!p0 $0x1BF5;
	p2 =	por !p2, p0  }
0x20: {  	[sflag:s8] =	ssyncset.s32 @!p0 $0xFFFFF086;
	s6 =	sadd.s32 @!p0 s3, s7;
	s7 =	simm.s32 @!p0 $0x108  }
0x21: {  	s3 =	sadd.s32 s3, s9;
	s6 =	sadd.s32 @!p0 $0x88, s6;
	s7 =	simm.s32 @p2 $0x1082  }
0x22: {  	[simem:s7], [sflag:s8] =	dma.local @!p0 [hbm:s6], $0xF7A  }
0x23: {  	s9 =	sor.u32 $0xD0000000, s2;
	s6 =	simm.s32 $0x108;
	_ =	swait.ge @!p0 [sflag:s8], $0x0  }
0x24: {  	s3 =	sadd.s32 $0x88, s3;
	s6 =	simm.s32 @!p1 $0x1082;
	[sflag:s4] =	ssyncset.s32 $0xFFFFF086  }
0x25: {  	[simem:s6], [sflag:s4] =	dma.local [hbm:s3], $0xF7A  }
0x26: {  	[smem:$0x3F7F] =	sst s1;
	(tag) =	ssettag s2;
	_ =	strace s9  }
0x27: {  	s1 =	sld [smem:$0x3F8F]  }
0x28: {  	s2 =	sld [smem:$0x3F90]  }
0x29: {  	s4 =	sld [smem:$0x3F92]  }
0x2a: {  	p0 =	seq.s32 s5, $0x0;
	s5 =	sld [smem:$0x3F93]  }
0x2b: {  	s6 =	sld [smem:$0x3F94]  }
0x2c: {  	s7 =	sld [smem:$0x3F95]  }
0x2d: {  	s3 =	simm.s32 $0x108;
	s8 =	sld [smem:$0x3F96]  }
0x2e: {  	s3 =	simm.s32 @!p0 $0x1082;
	s9 =	sld [smem:$0x3F97]  }
0x2f: {  	lr =	sadd.s32 s0, s3;
	s0 =	sld [smem:$0x3F8E]  }
0x30: {  	s3 =	sld [smem:$0x3F91]  }
0x31: {  	[smem:$0x3F9A] =	sst s10  }
0x32: {  	s10 =	sld [smem:$0x3F98];
	_ =	sdelay $0x3  }
0x33: {  	p0 =	seq.s32 s10, $0x1;
	s10 =	sld [smem:$0x3F9A];
	_ =	sdelay $0x3  }
0x34: {  	[smem:$0x3F9A] =	sst s10  }
0x35: {  	s10 =	sld [smem:$0x3F99];
	_ =	sdelay $0x3  }
0x36: {  	p1 =	seq.s32 s10, $0x1;
	s10 =	sld [smem:$0x3F9A];
	_ =	sdelay $0x3  }
0x37: {  	[smem:$0x3F9A] =	sst s10  }
0x38: {  	s10 =	sld [smem:$0x3F9B]  }
0x39: {  	_ = 	snop;
	(pc) =	sbr.ind lr, $3  }
0x3a: {  	_ = 	snop  }
0x3b: {  	_ = 	snop  }
0x3c: {  	p2 =	seq.s32 s10, $0x1;
	s10 =	sld [smem:$0x3F9A]  }
0x3d: {  	_ =	shalt  }
0x3e: {  	_ =	shalt  }
0x3f: {  	_ =	shalt  }
0x40: {  	_ =	shalt  }
0x41: {  	_ =	shalt  }
0x42: {  	_ =	shalt  }
0x43: {  	_ =	shalt  }
0x44: {  	_ =	shalt  }
0x45: {  	_ =	shalt  }
0x46: {  	_ =	shalt  }
0x47: {  	_ =	shalt  }
0x48: {  	_ =	shalt  }
0x49: {  	_ =	shalt  }
0x4a: {  	_ =	shalt  }
0x4b: {  	_ =	shalt  }
0x4c: {  	_ =	shalt  }
0x4d: {  	_ =	shalt  }
0x4e: {  	_ =	shalt  }
0x4f: {  	_ =	shalt  }
0x50: {  	_ =	shalt  }
0x51: {  	_ =	shalt  }
0x52: {  	_ =	shalt  }
0x53: {  	_ =	shalt  }
0x54: {  	_ =	shalt  }
0x55: {  	_ =	shalt  }
0x56: {  	_ =	shalt  }
0x57: {  	_ =	shalt  }
0x58: {  	_ =	shalt  }
0x59: {  	_ =	shalt  }
0x5a: {  	_ =	shalt  }
0x5b: {  	_ =	shalt  }
0x5c: {  	_ =	shalt  }
0x5d: {  	_ =	shalt  }
0x5e: {  	_ =	shalt  }
0x5f: {  	_ =	shalt  }
0x60: {  	_ =	shalt  }
0x61: {  	_ =	shalt  }
0x62: {  	_ =	shalt  }
0x63: {  	_ =	shalt  }
0x64: {  	_ =	shalt  }
0x65: {  	_ =	shalt  }
0x66: {  	_ =	shalt  }
0x67: {  	_ =	shalt  }
0x68: {  	_ =	shalt  }
0x69: {  	_ =	shalt  }
0x6a: {  	_ =	shalt  }
0x6b: {  	_ =	shalt  }
0x6c: {  	_ =	shalt  }
0x6d: {  	_ =	shalt  }
0x6e: {  	_ =	shalt  }
0x6f: {  	_ =	shalt  }
0x70: {  	_ =	shalt  }
0x71: {  	_ =	shalt  }
0x72: {  	_ =	shalt  }
0x73: {  	_ =	shalt  }
0x74: {  	_ =	shalt  }
0x75: {  	_ =	shalt  }
0x76: {  	_ =	shalt  }
0x77: {  	_ =	shalt  }
0x78: {  	_ =	shalt  }
0x79: {  	_ =	shalt  }
0x7a: {  	_ =	shalt  }
0x7b: {  	_ =	shalt  }
0x7c: {  	_ =	shalt  }
0x7d: {  	_ =	shalt  }
0x7e: {  	_ =	shalt  }
0x7f: {  	_ =	shalt  }
0x80: {  	_ =	shalt  }
0x81: {  	_ =	shalt  }
0x82: {  	_ =	shalt  }
0x83: {  	_ =	shalt  }
0x84: {  	_ =	shalt  }
0x85: {  	_ =	shalt  }
0x86: {  	_ =	shalt  }
0x87: {  	_ =	shalt  }
.Lfunc_end0:
.L_simem_size_0:
called_computation.2_lowered:
.L_overlay_start_0:
0x88: {  	s2 =	sld [smem:$0x3FD9]  }
0x89: {  	s3 =	sld [smem:$0x3FFE];
	_ =	sdelay $0x1  }
0x8a: {  	s1 =	srdreg.scid  }
0x8b: {  	s0 =	sand.u32 $0x1, s1  }
0x8c: {  	s16 =	sshll.u32 s0, $0xA;
	s2 =	sadd.s32 s3, s2  }
0x8d: {  	s2 =	sadd.s32 s2, s16  }
0x8e: {  	[smem:$0x3FA6] =	sst s2  }
0x8f: {  	_ = 	snop  }
0x90: {  	(tm) =	ssettm $0x1  }
0x91: {  	s17 =	sld [smem:$0x3FFB];
	_ =	sdelay $0x3  }
0x92: {  	_ =	strace s17  }
0x93: {  	s2 =	sld [smem:$0x3FFC];
	_ =	sdelay $0x3  }
0x94: {  	_ =	strace s2  }
0x95: {  	s2 =	sld [smem:$0x3FFD];
	_ =	sdelay $0x3  }
0x96: {  	_ =	strace s2  }
0x97: {  	_ =	strace $0x8FFFFFFF  }
0x98: {  	s18 =	sld [smem:$0x3FDB];
	_ =	sdelay $0x1  }
0x99: {  	s19 =	simm.s32 $_scs_section_size  }
0x9a: {  	s4 =	simm.s32 $_size__tile_overlayer_lowered;
	s5 =	simm.s32 $_tile_overlayer_lowered  }
0x9b: {  	s22 =	simm.s32 $0x1BFF;
	s21 =	sshll.u32 s5, $0x1;
	s2 =	sadd.s32 s19, s18  }
0x9c: {  	s6 =	simm.s32 $0x0;
	s20 =	sshll.u32 s4, $0x1;
	s4 =	sadd.s32 s21, s2  }
0x9d: {  	[timem:s6], [sflag:s22] =	dma.local [hbm:s4], s20  }
0x9e: {  	_ =	swait.ge [sflag:s22], s20  }
0x9f: {  	s3 =	ssub.s32 $0x0, s20;
	[sflag:s22] =	ssyncset.done $0x0  }
0xa0: {  	[sflag:s22] =	ssyncadd.s32 s3;
	_ =	sdelay $0x1  }
0xa1: {  	s23 =	simm.s32 $0x1B8B  }
0xa2: {  	_ =	swait.ge [sflag:s23], $0x1  }
0xa3: {  	[sflag:s23] =	ssyncset.done $0x0  }
0xa4: {  	s25 =	simm.s32 $0x1B8E;
	s24 =	sld [smem:$0x3FFE];
	[sflag:s23] =	ssyncadd.s32 $0xFFFFFFFF  }
0xa5: {  	s26 =	simm.s32 $execute0_lowered;
	[smem:$0x3FD2] =	sst s25  }
0xa6: {  	s4 =	sshll.u32 s26, $0x1;
	_ =	strace $0x8000004C;
	[dreg:$0x1] =	wrdreg $0xFFFFFFFF  }
0xa7: {  	s28 =	simm.s32 $_size_execute0_lowered;
	s2 =	sadd.s32 s2, s4;
	[dreg:$0x0] =	wrdreg $0x0  }
0xa8: {  	s4 =	sshll.u32 s28, $0x1;
	[dreg:$0x2] =	wrdreg s2  }
0xa9: {  	[dreg:$0x3] =	wrdreg s4  }
0xaa: {  	[dreg:$0x4] =	wrdreg $0xC0  }
0xab: {  	_ =	task [dreg:s6], $0x5FFFF  }
0xac: {  	[dreg:$0x1] =	wrdreg $0xFFFFFFFF  }
0xad: {  	[dreg:$0x0] =	wrdreg $0x60  }
0xae: {  	[dreg:$0x2] =	wrdreg s24  }
0xaf: {  	[dreg:$0x3] =	wrdreg $0x47400  }
0xb0: {  	[dreg:$0x4] =	wrdreg $0x9  }
0xb1: {  	_ =	task.clear_ibuf [dreg:s6], $0x5FFFF;
	_ =	strace $0x9000004C  }
0xb2: {  	s29 =	simm.s32 $0x9;
	_ =	strace $0x8000004E  }
0xb3: {  	_ =	swait.ge [sflag:s29], $0x1  }
0xb4: {  	[sflag:s29] =	ssyncadd.s32 $0xFFFFFFFF  }
0xb5: {  	_ =	strace $0x9000004E  }
0xb6: {  	_ =	sfence  }
0xb7: {  	s30 =	sld [smem:$0x0];
	_ =	sdelay $0x2  }
0xb8: {  	s31 =	sshll.u32 s1, $0xD;
	s1 =	sshrl.u32 s1, $0x2  }
0xb9: {  	s3 =	sand.u32 $0x4000, s31;
	s1 =	sadd.s32 s1, s30  }
0xba: {  	s0 =	sor.u32 s3, s0;
	s1 =	sshll.u32 s1, $0x11  }
0xbb: {  	s0 =	sor.u32 s1, s0  }
0xbc: {  	s0 =	sadd.s32 $0x8F2B, s0  }
0xbd: {  	[sflag:s0] =	ssyncadd.remote.s32 $0x1  }
0xbe: {  	_ =	sfence.sel $0xFFFF  }
0xbf: {  	[dreg:$0x0] =	wrdreg $0xFFFFFFFF;
	(pc) =	sbr.abs _section_cstart, $3  }
0xc0: {  	[dreg:$0x1] =	wrdreg $0xFFFFFFFF  }
0xc1: {  	_ =	task.clear_ibuf [dreg:s6], $0x2FFFF;
	_ =	strace $0x9FFFFFFF  }
0xc2: {  	(tm) =	ssettm $0x7FFFFFFF  }
0xc3: {  	_ =	shalt  }
tec
execute0_lowered:
.L_overlay_start_1:
0x0: {  	(tag) =	ssettag $0x1  }
0x1: {  	s0 =	rddreg [dreg:$0x0]  }
0x2: {  	s2 =	rddreg [dreg:$0x1]  }
0x3: {  	s1 =	srdreg.scid;
	s3 =	stileid.u32;
	s11 =	simm.s32 $0x0  }
0x4: {  	s13 =	simm.s32 $0x9;
	s14 =	simm.s32 $0x1400;
	s15 =	simm.s32 $0x7D  }
0x5: {  	s16 =	simm.s32 $0x2800;
	s17 =	simm.s32 $0x80;
	s18 =	simm.s32 $0x2FD0  }
0x6: {  	s19 =	simm.s32 $0x100;
	s20 =	simm.s32 $0x37A0;
	s21 =	simm.s32 $0x180  }
0x7: {  	s22 =	simm.s32 $0x3F70;
	s28 =	simm.s32 $0x5;
	s29 =	simm.s32 $0x6  }
0x8: {  	s30 =	simm.s32 $0x7;
	s31 =	simm.s32 $0x8;
	s1 =	sand.u32 $0x1, s1  }
0x9: {  	s7 =	smul.u32 $0xC800, s3;
	[smem:$0x7FF] =	sst s11;
	s4 =	sadd.s32 $0x68400, s0  }
0xa: {  	s5 =	sadd.s32 $0x36400, s0;
	s6 =	sadd.s32 $0x4400, s0;
	s10 =	sadd.s32 $0x81400, s0  }
0xb: {  	s25 =	sshll.u32 s3, $0x6;
	s8 =	smul.u32 $0xC8000, s1;
	_ =	strace $0x8000004D  }
0xc: {  	s9 =	ssub.s32 $0x2, s1;
	[dreg:$0x4] =	wrdreg s10;
	s1 =	sshll.u32 s1, $0x4  }
0xd: {  	s12 =	sor.u32 $0x1C09, s25;
	s25 =	simm.s32 $0x3;
	s10 =	simm.s32 $0x2780  }
0xe: {  	s23 =	sshrl.u32 s9, $0x1;
	s1 =	sor.u32 s3, s1;
	[dreg:$0x5] =	wrdreg s12  }
0xf: {  	s8 =	sadd.s32 s7, s8;
	s24 =	ssub.s32 s9, s23;
	s7 =	sadd.s32 s7, s2  }
0x10: {  	s9 =	smul.u32 $0x190, s1;
	s23 =	simm.s32 $0x1;
	s1 =	simm.s32 $0x2680  }
0x11: {  	s8 =	sshrl.u32 s8, $0x3;
	s26 =	smax.u32 s24, $0x1;
	s24 =	simm.s32 $0x2  }
0x12: {  	s0 =	sadd.s32 s8, s0;
	[dreg:$0x7] =	wrdreg s26;
	s8 =	sshrl.u32 s7, $0x3  }
0x13: {  	s26 =	simm.s32 $0x4;
	s0 =	sadd.s32 $0x82E00, s0;
	[dreg:$0x8] =	wrdreg s8  }
0x14: {  	s7 =	simm.s32 $0x2700;
	[dreg:$0x6] =	wrdreg s0;
	s0 =	simm.s32 $0x2600  }
.LBB2_1:
0x15: {  	[dreg:$0x3] =	wrdreg s11  }
0x16: {  	s3 =	rddreg [dreg:$0x4]  }
0x17: {  	[spmem:s8], [sflag:s12] =	dma.local [hbm:s3], $0x1900  }
0x18: {  	_ =	swait.ge [sflag:s13], $0x1900  }
0x19: {  	[sflag:s13] =	ssyncset.done $0x0  }
0x1a: {  	[sflag:s13] =	ssyncadd.s32 $0xFFFFE700  }
0x1b: {  	s11 =	simm.s32 $0x0;
	[bflag:$0x0] =	sbarrier.arrive $0xFFFF  }
.LBB2_2:
0x1c: {  	s8 =	smul.u32 $0x28, s11;
	_ =	sdelay $0x1  }
0x1d: {  	s8 =	sadd.s32 s9, s8  }
0x1e: {  	s8 =	sshll.u32 s8, $0x4  }
0x1f: {  	s3 =	simm.s32 $0x0;
	s12 =	sadd.s32 s5, s8  }
0x20: {  	[tilespmem:s3], [sflag:$0x9] =	stream.linear.gather [hbm4b:s12+s3], $0x1400, $0x38;
	[tilespmem:$0x10F40] =	vst v63  }
0x21: {  	_ =	swait.ge [sflag:s13], $0x1400  }
0x22: {  	[sflag:s13] =	ssyncset.done $0x0  }
0x23: {  	s8 =	sadd.s32 s6, s8;
	[sflag:s13] =	ssyncadd.s32 $0xFFFFEC00  }
0x24: {  	[tilespmem:s14], [sflag:$0x9] =	stream.linear.gather [hbm4b:s8+s3], $0x1400, $0x38;
	[tilespmem:$0x10F40] =	vst v63  }
0x25: {  	_ =	swait.ge [sflag:s13], $0x1400  }
0x26: {  	[sflag:s13] =	ssyncset.done $0x0  }
0x27: {  	[sflag:s13] =	ssyncadd.s32 $0xFFFFEC00  }
0x28: {  	[tilespmem:s16], [sflag:$0x1] =	stream.indirect.gather [hbm4b:s4+s15], $0x10, s3, s15, $0xb8;
	[tilespmem:$0x10F40] =	vst v63  }
0x29: {  	_ = 	snop  }
0x2a: {  	[tilespmem:s18], [sflag:$0x2] =	stream.indirect.gather [hbm4b:s4+s15], $0x10, s17, s15, $0xb8;
	[tilespmem:$0x10F40] =	vst v63  }
0x2b: {  	_ = 	snop  }
0x2c: {  	[tilespmem:s20], [sflag:$0x3] =	stream.indirect.gather [hbm4b:s4+s15], $0x10, s19, s15, $0xb8;
	[tilespmem:$0x10F40] =	vst v63  }
0x2d: {  	_ = 	snop  }
0x2e: {  	[tilespmem:s22], [sflag:$0x4] =	stream.indirect.gather [hbm4b:s4+s15], $0x10, s21, s15, $0xb8;
	[tilespmem:$0x10F40] =	vst v63  }
0x2f: {  	_ =	swait.ge [sflag:s23], $0x7D0  }
0x30: {  	[sflag:s23] =	ssyncset.done $0x0  }
0x31: {  	s12 =	simm.s32 $0x1400;
	[sflag:s23] =	ssyncadd.s32 $0xFFFFF830  }
0x32: {  	[spmem:s2] =	stream.indirect.scatter.add.f32 [tilespmem:s16], [sflag:$0x5], $0x10, s12, s15, $0xb8;
	[tilespmem:$0x10F40] =	vst v63  }
0x33: {  	_ =	swait.ge [sflag:s24], $0x7D0  }
0x34: {  	[sflag:s24] =	ssyncset.done $0x0  }
0x35: {  	s8 =	simm.s32 $0x1480;
	[sflag:s24] =	ssyncadd.s32 $0xFFFFF830  }
0x36: {  	[spmem:s2] =	stream.indirect.scatter.add.f32 [tilespmem:s18], [sflag:$0x6], $0x10, s8, s15, $0xb8;
	[tilespmem:$0x10F40] =	vst v63  }
0x37: {  	_ =	swait.ge [sflag:s25], $0x7D0  }
0x38: {  	[sflag:s25] =	ssyncset.done $0x0  }
0x39: {  	s12 =	simm.s32 $0x1500;
	[sflag:s25] =	ssyncadd.s32 $0xFFFFF830  }
0x3a: {  	[spmem:s2] =	stream.indirect.scatter.add.f32 [tilespmem:s20], [sflag:$0x7], $0x10, s12, s15, $0xb8;
	[tilespmem:$0x10F40] =	vst v63  }
0x3b: {  	_ =	swait.ge [sflag:s26], $0x7D0  }
0x3c: {  	[sflag:s26] =	ssyncset.done $0x0  }
0x3d: {  	s8 =	simm.s32 $0x1580;
	[sflag:s26] =	ssyncadd.s32 $0xFFFFF830  }
0x3e: {  	[spmem:s2] =	stream.indirect.scatter.add.f32 [tilespmem:s22], [sflag:$0x8], $0x10, s8, s15, $0xb8;
	[tilespmem:$0x10F40] =	vst v63  }
0x3f: {  	_ =	swait.ge [sflag:s28], $0x7D0  }
0x40: {  	[sflag:s28] =	ssyncset.done $0x0  }
0x41: {  	s12 =	simm.s32 $0x200;
	[sflag:s28] =	ssyncadd.s32 $0xFFFFF830  }
0x42: {  	[tilespmem:s16], [sflag:$0x1] =	stream.indirect.gather [hbm4b:s4+s15], $0x10, s12, s15, $0xb8;
	[tilespmem:$0x10F40] =	vst v63  }
0x43: {  	_ =	swait.ge [sflag:s29], $0x7D0  }
0x44: {  	[sflag:s29] =	ssyncset.done $0x0  }
0x45: {  	s8 =	simm.s32 $0x280;
	[sflag:s29] =	ssyncadd.s32 $0xFFFFF830  }
0x46: {  	[tilespmem:s18], [sflag:$0x2] =	stream.indirect.gather [hbm4b:s4+s15], $0x10, s8, s15, $0xb8;
	[tilespmem:$0x10F40] =	vst v63  }
0x47: {  	_ =	swait.ge [sflag:s30], $0x7D0  }
0x48: {  	[sflag:s30] =	ssyncset.done $0x0  }
0x49: {  	s12 =	simm.s32 $0x300;
	[sflag:s30] =	ssyncadd.s32 $0xFFFFF830  }
0x4a: {  	[tilespmem:s20], [sflag:$0x3] =	stream.indirect.gather [hbm4b:s4+s15], $0x10, s12, s15, $0xb8;
	[tilespmem:$0x10F40] =	vst v63  }
0x4b: {  	_ =	swait.ge [sflag:s31], $0x7D0  }
0x4c: {  	[sflag:s31] =	ssyncset.done $0x0  }
0x4d: {  	s8 =	simm.s32 $0x800;
	s12 =	simm.s32 $0x380;
	[sflag:s31] =	ssyncadd.s32 $0xFFFFF830  }
.LBB2_3:
0x4e: {  	[tilespmem:s22], [sflag:$0x4] =	stream.indirect.gather [hbm4b:s4+s15], $0x10, s12, s15, $0xb8;
	[tilespmem:$0x10F40] =	vst v63  }
0x4f: {  	s3 =	smov.u32 s8  }
0x50: {  	p0 =	sne.s32 s8, $0x4000;
	s8 =	sadd.s32 $0x800, s8;
	_ =	swait.ge [sflag:s23], $0x7D0  }
0x51: {  	s12 =	sshra.s32 s3, $0x2;
	[sflag:s23] =	ssyncset.done $0x0  }
0x52: {  	s3 =	sadd.s32 $0x1400, s12;
	[sflag:s23] =	ssyncadd.s32 $0xFFFFF830  }
0x53: {  	[spmem:s2] =	stream.indirect.scatter.add.f32 [tilespmem:s16], [sflag:$0x5], $0x10, s3, s15, $0xb8;
	[tilespmem:$0x10F40] =	vst v63  }
0x54: {  	_ =	swait.ge [sflag:s24], $0x7D0  }
0x55: {  	[sflag:s24] =	ssyncset.done $0x0  }
0x56: {  	s3 =	sadd.s32 $0x1480, s12;
	[sflag:s24] =	ssyncadd.s32 $0xFFFFF830  }
0x57: {  	[spmem:s2] =	stream.indirect.scatter.add.f32 [tilespmem:s18], [sflag:$0x6], $0x10, s3, s15, $0xb8;
	[tilespmem:$0x10F40] =	vst v63  }
0x58: {  	_ =	swait.ge [sflag:s25], $0x7D0  }
0x59: {  	[sflag:s25] =	ssyncset.done $0x0  }
0x5a: {  	s3 =	sadd.s32 $0x1500, s12;
	[sflag:s25] =	ssyncadd.s32 $0xFFFFF830  }
0x5b: {  	[spmem:s2] =	stream.indirect.scatter.add.f32 [tilespmem:s20], [sflag:$0x7], $0x10, s3, s15, $0xb8;
	[tilespmem:$0x10F40] =	vst v63  }
0x5c: {  	_ =	swait.ge [sflag:s26], $0x7D0  }
0x5d: {  	[sflag:s26] =	ssyncset.done $0x0  }
0x5e: {  	s3 =	sadd.s32 $0x1580, s12;
	[sflag:s26] =	ssyncadd.s32 $0xFFFFF830  }
0x5f: {  	[spmem:s2] =	stream.indirect.scatter.add.f32 [tilespmem:s22], [sflag:$0x8], $0x10, s3, s15, $0xb8;
	[tilespmem:$0x10F40] =	vst v63  }
0x60: {  	_ =	swait.ge [sflag:s28], $0x7D0  }
0x61: {  	[sflag:s28] =	ssyncset.done $0x0  }
0x62: {  	s3 =	sadd.s32 $0x200, s12;
	[sflag:s28] =	ssyncadd.s32 $0xFFFFF830  }
0x63: {  	[tilespmem:s16], [sflag:$0x1] =	stream.indirect.gather [hbm4b:s4+s15], $0x10, s3, s15, $0xb8;
	[tilespmem:$0x10F40] =	vst v63  }
0x64: {  	_ =	swait.ge [sflag:s29], $0x7D0  }
0x65: {  	[sflag:s29] =	ssyncset.done $0x0  }
0x66: {  	s3 =	sadd.s32 $0x280, s12;
	[sflag:s29] =	ssyncadd.s32 $0xFFFFF830  }
0x67: {  	[tilespmem:s18], [sflag:$0x2] =	stream.indirect.gather [hbm4b:s4+s15], $0x10, s3, s15, $0xb8;
	[tilespmem:$0x10F40] =	vst v63  }
0x68: {  	_ =	swait.ge [sflag:s30], $0x7D0  }
0x69: {  	[sflag:s30] =	ssyncset.done $0x0  }
.Ltmp0:
0x6a: {  	s3 =	sadd.s32 $0x300, s12;
	[sflag:s30] =	ssyncadd.s32 $0xFFFFF830;
	(pc) =	sbr.rel @p0 .LBB2_3-.Ltmp0, $4  }
0x6b: {  	[tilespmem:s20], [sflag:$0x3] =	stream.indirect.gather [hbm4b:s4+s15], $0x10, s3, s15, $0xb8;
	[tilespmem:$0x10F40] =	vst v63  }
0x6c: {  	_ =	swait.ge [sflag:s31], $0x7D0  }
0x6d: {  	[sflag:s31] =	ssyncset.done $0x0  }
0x6e: {  	s12 =	sadd.s32 $0x380, s12;
	[sflag:s31] =	ssyncadd.s32 $0xFFFFF830  }
0x6f: {  	[tilespmem:s22], [sflag:$0x4] =	stream.indirect.gather [hbm4b:s4+s15], $0x10, s12, s15, $0xb8;
	[tilespmem:$0x10F40] =	vst v63  }
0x70: {  	_ =	swait.ge [sflag:s23], $0x7D0  }
0x71: {  	[sflag:s23] =	ssyncset.done $0x0  }
0x72: {  	[sflag:s23] =	ssyncadd.s32 $0xFFFFF830  }
0x73: {  	[spmem:s2] =	stream.indirect.scatter.add.f32 [tilespmem:s16], [sflag:$0x5], $0x10, s0, s15, $0xb8;
	[tilespmem:$0x10F40] =	vst v63  }
0x74: {  	_ =	swait.ge [sflag:s24], $0x7D0  }
0x75: {  	[sflag:s24] =	ssyncset.done $0x0  }
0x76: {  	[sflag:s24] =	ssyncadd.s32 $0xFFFFF830  }
0x77: {  	[spmem:s2] =	stream.indirect.scatter.add.f32 [tilespmem:s18], [sflag:$0x6], $0x10, s1, s15, $0xb8;
	[tilespmem:$0x10F40] =	vst v63  }
0x78: {  	_ =	swait.ge [sflag:s25], $0x7D0  }
0x79: {  	[sflag:s25] =	ssyncset.done $0x0  }
0x7a: {  	[sflag:s25] =	ssyncadd.s32 $0xFFFFF830  }
0x7b: {  	[spmem:s2] =	stream.indirect.scatter.add.f32 [tilespmem:s20], [sflag:$0x7], $0x10, s7, s15, $0xb8;
	[tilespmem:$0x10F40] =	vst v63  }
0x7c: {  	_ =	swait.ge [sflag:s26], $0x7D0  }
0x7d: {  	[sflag:s26] =	ssyncset.done $0x0  }
0x7e: {  	[sflag:s26] =	ssyncadd.s32 $0xFFFFF830  }
0x7f: {  	[spmem:s2] =	stream.indirect.scatter.add.f32 [tilespmem:s22], [sflag:$0x8], $0x10, s10, s15, $0xb8;
	[tilespmem:$0x10F40] =	vst v63  }
0x80: {  	_ =	swait.ge [sflag:s28], $0x7D0  }
0x81: {  	[sflag:s28] =	ssyncset.done $0x0  }
0x82: {  	[sflag:s28] =	ssyncadd.s32 $0xFFFFF830  }
0x83: {  	_ =	swait.ge [sflag:s29], $0x7D0  }
0x84: {  	[sflag:s29] =	ssyncset.done $0x0  }
0x85: {  	s11 =	sadd.s32 $0x1, s11;
	[sflag:s29] =	ssyncadd.s32 $0xFFFFF830  }
0x86: {  	p0 =	sne.s32 s11, $0xA;
	_ =	swait.ge [sflag:s30], $0x7D0  }
.Ltmp1:
0x87: {  	[sflag:s30] =	ssyncset.done $0x0;
	(pc) =	sbr.rel @p0 .LBB2_2-.Ltmp1, $4  }
0x88: {  	[sflag:s30] =	ssyncadd.s32 $0xFFFFF830  }
0x89: {  	_ =	swait.ge [sflag:s31], $0x7D0  }
0x8a: {  	[sflag:s31] =	ssyncset.done $0x0  }
0x8b: {  	[sflag:s31] =	ssyncadd.s32 $0xFFFFF830  }
0x8c: {  	[bflag:$0x0] =	sbarrier.arrive $0xFFFF  }
0x8d: {  	s12 =	rddreg [dreg:$0x5]  }
0x8e: {  	s3 =	rddreg [dreg:$0x6]  }
0x8f: {  	s8 =	rddreg [dreg:$0x8]  }
0x90: {  	[hbm:s3], [sflag:s12] =	dma.local [spmem:s8], $0x1900  }
0x91: {  	_ =	swait.ge [sflag:s13], $0x1900  }
0x92: {  	s11 =	rddreg [dreg:$0x3]  }
0x93: {  	s3 =	rddreg [dreg:$0x7];
	s11 =	sadd.s32 $0x1, s11  }
0x94: {  	p0 =	sne.s32 s11, s3  }
.Ltmp2:
0x95: {  	_ = 	snop;
	(pc) =	sbr.rel @p0 .LBB2_1-.Ltmp2, $3  }
0x96: {  	_ =	sdelay $0x1  }
0x97: {  	[sflag:s13] =	ssyncset.done $0x0  }
0x98: {  	[sflag:s13] =	ssyncadd.s32 $0xFFFFE700  }
0x99: {  	_ =	sfence.sel $0x180000  }
0x9a: {  	[bflag:$0x0] =	sbarrier.arrive $0xFFFF  }
0x9b: {  	_ =	strace $0x9000004D  }
0x9c: {  	s0 =	stileid.u32;
	[bflag:$0x2] =	sbarrier.arrive $0xFFFF  }
0x9d: {  	p0 =	sne.s32 s0, $0x0;
	s0 =	rddreg [dreg:$0x2]  }
0x9e: {  	s0 =	sadd.s32 @!p0 $0x100000, s0  }
0x9f: {  	[sflag:s0] =	ssyncadd.tile.s32 @!p0 $0x1;
	_ =	shalt  }
.Lfunc_end2:
_tile_overlayer_lowered:
.L_overlay_start_2:
0xa0: {  	(tag) =	ssettag $0x2  }
0xa1: {  	s0 =	rddreg [dreg:$0x0];
	s2 =	stileid.u32  }
0xa2: {  	s1 =	rddreg [dreg:$0x1];
	p0 =	sne.s32 s2, $0x0  }
0xa3: {  	s3 =	rddreg [dreg:$0x2];
	[bflag:$0x3] =	sbarrier.arrive $0xFFFF;
	s2 =	simm.s32 @!p0 $0x1C09  }
0xa4: {  	[timem:s3], [sflag:s2] =	dma.local @!p0 [hbm:s0], s1  }
0xa5: {  	s0 =	simm.s32 @!p0 $0x9  }
0xa6: {  	_ =	swait.ge @!p0 [sflag:s0], s1  }
0xa7: {  	s1 =	ssub.s32 @!p0 $0x0, s1;
	[sflag:s0] =	ssyncset.done @!p0 $0x0  }
0xa8: {  	[sflag:s0] =	ssyncadd.s32 @!p0 s1  }
0xa9: {  	[bflag:$0x3] =	sbarrier.arrive $0xFFFF  }
0xaa: {  	_ =	shalt  }

</sc_bundles>
